<compile_context>
chip_gen: v7x
topology: tpu7x:2x2x1
jax: 0.10.2.dev20260603
libtpu: 0.0.44.dev20260713+nightly
codegen_flags: <defaults>
</compile_context>

<pallas_src>
import functools

import jax
import jax.numpy as jnp
from jax import lax
from jax.experimental import pallas as pl
from jax.experimental.pallas import tpu as pltpu
from jax.experimental.pallas import tpu_sc as plsc

_NC = 2
_NS = 16
_NW = _NC * _NS
_LANES = 16
_CHUNK = 128

_N = 10000
_NPAD = 10240
_RPT = _NPAD // _NS
_FIN = 128
_HID = 128
_CLS = 40
_CLSP = 48
_BLK = 512
_NBUF = 4


def _mesh():
    return plsc.VectorSubcoreMesh(
        core_axis_name="c", subcore_axis_name="s",
        num_cores=_NC, num_subcores=_NS)


_SC_PARAMS = pltpu.CompilerParams(use_tc_tiling_on_sc=False)


def _edge_pipeline(tab_hbm, acc, sidx, didx, rows, gsems, ssems, nch,
                   nbuf=_NBUF):
    depth = nbuf // 2
    for b in range(depth):
        pltpu.async_copy(tab_hbm.at[sidx.at[b]], rows.at[b], gsems[b])

    @pl.loop(0, nch, step=nbuf)
    def _(j):
        for b in range(nbuf):
            c = j + b
            b2 = (b + depth) % nbuf
            pltpu.make_async_copy(
                tab_hbm.at[sidx.at[c]], rows.at[b], gsems[b]).wait()
            pltpu.async_copy(rows.at[b], acc.at[didx.at[c]], ssems[b],
                             add=True)

            @pl.when(c + depth < nch)
            def _():
                @pl.when(c >= nbuf - depth)
                def _():
                    pltpu.make_async_copy(
                        rows.at[b2], acc.at[didx.at[c - (nbuf - depth)]],
                        ssems[b2]).wait()
                pltpu.async_copy(
                    tab_hbm.at[sidx.at[c + depth]], rows.at[b2], gsems[b2])

    for b in range(nbuf):
        pltpu.make_async_copy(
            rows.at[b], acc.at[didx.at[nch - nbuf + b]], ssems[b]).wait()


def _sc_degree(dst2d, ch):

    @functools.partial(
        pl.kernel,
        out_type=jax.ShapeDtypeStruct((_NC, _NPAD, _LANES), jnp.float32),
        mesh=_mesh(),
        compiler_params=_SC_PARAMS,
        scratch_types=[
            pltpu.VMEM((ch, _CHUNK), jnp.int32),
            pltpu.VMEM((_CHUNK, _LANES), jnp.float32),
            pltpu.VMEM((_RPT, _LANES), jnp.float32),
            pltpu.VMEM_SHARED((_NPAD, _LANES), jnp.float32),
        ],
    )
    def k(dst_hbm, out_hbm, idx_v, ones_v, zero_v, acc):
        cid = lax.axis_index("c")
        sid = lax.axis_index("s")
        wid = sid * _NC + cid

        @pl.loop(0, _CHUNK)
        def _(r):
            ones_v[r] = jnp.ones((_LANES,), jnp.float32)

        @pl.loop(0, _RPT)
        def _(r):
            zero_v[r] = jnp.zeros((_LANES,), jnp.float32)

        row0 = sid * _RPT
        pltpu.sync_copy(zero_v, acc.at[pl.ds(row0, _RPT)])
        pltpu.sync_copy(dst_hbm.at[pl.ds(wid * ch, ch)], idx_v)
        plsc.subcore_barrier()

        @pl.loop(0, ch)
        def _(j):
            pltpu.sync_copy(ones_v, acc.at[idx_v.at[j]], add=True)

        plsc.subcore_barrier()
        pltpu.sync_copy(acc.at[pl.ds(row0, _RPT)],
                        out_hbm.at[cid, pl.ds(row0, _RPT)])

    return k(dst2d)


def _sc_propagate_cols(table2, srcoff2d, dst2d, ch2):
    hw = _HID // _NC

    @functools.partial(
        pl.kernel,
        out_type=jax.ShapeDtypeStruct((_NPAD, _HID), jnp.float32),
        mesh=_mesh(),
        compiler_params=_SC_PARAMS,
        scratch_types=[
            pltpu.VMEM((ch2, _CHUNK), jnp.int32),
            pltpu.VMEM((ch2, _CHUNK), jnp.int32),
            pltpu.VMEM((_NBUF, _CHUNK, hw), jnp.float32),
            pltpu.VMEM_SHARED((_NPAD, hw), jnp.float32),
            [pltpu.SemaphoreType.DMA] * _NBUF,
            [pltpu.SemaphoreType.DMA] * _NBUF,
        ],
    )
    def k(tab_hbm, src_hbm, dst_hbm, out_hbm, sidx, didx, rows, acc,
          gsems, ssems):
        cid = lax.axis_index("c")
        sid = lax.axis_index("s")

        @pl.loop(0, _CHUNK)
        def _(r):
            @pl.loop(0, hw // _LANES)
            def _(q):
                rows[0, r, pl.ds(q * _LANES, _LANES)] = jnp.zeros(
                    (_LANES,), jnp.float32)

        row0 = sid * _RPT

        @pl.loop(0, _RPT // _CHUNK)
        def _(i):
            pltpu.sync_copy(rows.at[0],
                            acc.at[pl.ds(row0 + i * _CHUNK, _CHUNK)])

        pltpu.sync_copy(src_hbm.at[pl.ds((cid * _NS + sid) * ch2, ch2)], sidx)
        pltpu.sync_copy(dst_hbm.at[pl.ds(sid * ch2, ch2)], didx)
        plsc.subcore_barrier()
        _edge_pipeline(tab_hbm, acc, sidx, didx, rows, gsems, ssems,
                       ch2)
        plsc.subcore_barrier()
        pltpu.sync_copy(acc.at[pl.ds(row0, _RPT)],
                        out_hbm.at[pl.ds(row0, _RPT), pl.ds(cid * hw, hw)])

    return k(table2, srcoff2d, dst2d)


def _sc_propagate(table, src2d, dst2d, ch0, ch1, width, nbuf=4):
    chmax = max(ch0, ch1)
    assert ch0 % nbuf == 0 and ch1 % nbuf == 0

    @functools.partial(
        pl.kernel,
        out_type=jax.ShapeDtypeStruct((_NC, _NPAD, width), jnp.float32),
        mesh=_mesh(),
        compiler_params=_SC_PARAMS,
        scratch_types=[
            pltpu.VMEM((chmax, _CHUNK), jnp.int32),
            pltpu.VMEM((chmax, _CHUNK), jnp.int32),
            pltpu.VMEM((nbuf, _CHUNK, width), jnp.float32),
            pltpu.VMEM_SHARED((_NPAD, width), jnp.float32),
            [pltpu.SemaphoreType.DMA] * nbuf,
            [pltpu.SemaphoreType.DMA] * nbuf,
        ],
    )
    def k(tab_hbm, src_hbm, dst_hbm, out_hbm, sidx, didx, rows, acc,
          gsems, ssems):
        cid = lax.axis_index("c")
        sid = lax.axis_index("s")

        @pl.loop(0, _CHUNK)
        def _(r):
            @pl.loop(0, width // _LANES)
            def _(q):
                rows[0, r, pl.ds(q * _LANES, _LANES)] = jnp.zeros(
                    (_LANES,), jnp.float32)

        row0 = sid * _RPT

        @pl.loop(0, _RPT // _CHUNK)
        def _(i):
            pltpu.sync_copy(rows.at[0],
                            acc.at[pl.ds(row0 + i * _CHUNK, _CHUNK)])

        if ch0 > 0:
            @pl.when(cid == 0)
            def _():
                pltpu.sync_copy(src_hbm.at[pl.ds(sid * ch0, ch0)],
                                sidx.at[pl.ds(0, ch0)])
                pltpu.sync_copy(dst_hbm.at[pl.ds(sid * ch0, ch0)],
                                didx.at[pl.ds(0, ch0)])
                plsc.subcore_barrier()
                _edge_pipeline(tab_hbm, acc, sidx, didx, rows,
                               gsems, ssems, ch0, nbuf)

        if ch1 > 0:
            @pl.when(cid == 1)
            def _():
                pltpu.sync_copy(
                    src_hbm.at[pl.ds(_NS * ch0 + sid * ch1, ch1)],
                    sidx.at[pl.ds(0, ch1)])
                pltpu.sync_copy(
                    dst_hbm.at[pl.ds(_NS * ch0 + sid * ch1, ch1)],
                    didx.at[pl.ds(0, ch1)])
                plsc.subcore_barrier()
                _edge_pipeline(tab_hbm, acc, sidx, didx, rows,
                               gsems, ssems, ch1, nbuf)

        plsc.subcore_barrier()
        pltpu.sync_copy(acc.at[pl.ds(row0, _RPT)],
                        out_hbm.at[cid, pl.ds(row0, _RPT)])

    return k(table, src2d, dst2d)


def _dd(deg_ref):
    deg = deg_ref[0, :, 0:1] + deg_ref[1, :, 0:1] + 1.0
    return lax.rsqrt(deg)


def _tc_mm1(xpad, w1s):
    hw = _HID // _NC
    nrb = _NPAD // _BLK

    def body(x_ref, w_ref, o_ref):
        o_ref[...] = jnp.dot(x_ref[...], w_ref[0],
                             preferred_element_type=jnp.float32)

    return pl.pallas_call(
        body,
        grid=(nrb, _NC),
        in_specs=[
            pl.BlockSpec((_BLK, _FIN), lambda i, j: (i, 0)),
            pl.BlockSpec((1, _FIN, hw), lambda i, j: (j, 0, 0)),
        ],
        out_specs=pl.BlockSpec((_BLK, hw), lambda i, j: (j * nrb + i, 0)),
        out_shape=jax.ShapeDtypeStruct((_NC * _NPAD, hw), jnp.float32),
    )(xpad, w1s)


def _tc_scale1(xw2, degp):
    hw = _HID // _NC
    nrb = _NPAD // _BLK

    def body(xw_ref, deg_ref, o_ref):
        o_ref[...] = xw_ref[...] * _dd(deg_ref)

    return pl.pallas_call(
        body,
        grid=(nrb, _NC),
        in_specs=[
            pl.BlockSpec((_BLK, hw), lambda i, j: (j * nrb + i, 0)),
            pl.BlockSpec((_NC, _BLK, _LANES), lambda i, j: (0, i, 0)),
        ],
        out_specs=pl.BlockSpec((_BLK, hw), lambda i, j: (j * nrb + i, 0)),
        out_shape=jax.ShapeDtypeStruct((_NC * _NPAD, hw), jnp.float32),
    )(xw2, degp)


def _tc2(pp, table2, degp, w2p, b1r):
    hw = _HID // _NC
    nrb = _NPAD // _BLK

    def body(p_ref, xsl_ref, xsr_ref, deg_ref, w_ref, b_ref, o_ref):
        dd = _dd(deg_ref)
        xs = jnp.concatenate([xsl_ref[...], xsr_ref[...]], axis=1)
        h = jnp.maximum(dd * (p_ref[...] + xs) + b_ref[...], 0.0)
        o_ref[...] = jnp.dot(h, w_ref[...],
                             preferred_element_type=jnp.float32) * dd

    return pl.pallas_call(
        body,
        grid=(nrb,),
        in_specs=[
            pl.BlockSpec((_BLK, _HID), lambda i: (i, 0)),
            pl.BlockSpec((_BLK, hw), lambda i: (i, 0)),
            pl.BlockSpec((_BLK, hw), lambda i: (nrb + i, 0)),
            pl.BlockSpec((_NC, _BLK, _LANES), lambda i: (0, i, 0)),
            pl.BlockSpec((_HID, _CLSP), lambda i: (0, 0)),
            pl.BlockSpec((1, _HID), lambda i: (0, 0)),
        ],
        out_specs=pl.BlockSpec((_BLK, _CLSP), lambda i: (i, 0)),
        out_shape=jax.ShapeDtypeStruct((_NPAD, _CLSP), jnp.float32),
    )(pp, table2, table2, degp, w2p, b1r)


def _tc3(qp, hw_s, degp, b2r):

    def body(q_ref, hs_ref, deg_ref, b_ref, o_ref):
        logits = (_dd(deg_ref) * (q_ref[0] + q_ref[1] + hs_ref[...])
                  + b_ref[...])
        col = lax.broadcasted_iota(jnp.int32, (_BLK, _CLSP), 1)
        logits = jnp.where(col < _CLS, logits, -1e30)
        m = jnp.max(logits, axis=1, keepdims=True)
        lse = jnp.log(jnp.sum(jnp.exp(logits - m), axis=1, keepdims=True))
        o_ref[...] = logits - m - lse

    return pl.pallas_call(
        body,
        grid=(_NPAD // _BLK,),
        in_specs=[
            pl.BlockSpec((_NC, _BLK, _CLSP), lambda i: (0, i, 0)),
            pl.BlockSpec((_BLK, _CLSP), lambda i: (i, 0)),
            pl.BlockSpec((_NC, _BLK, _LANES), lambda i: (0, i, 0)),
            pl.BlockSpec((1, _CLSP), lambda i: (0, 0)),
        ],
        out_specs=pl.BlockSpec((_BLK, _CLSP), lambda i: (i, 0)),
        out_shape=jax.ShapeDtypeStruct((_NPAD, _CLSP), jnp.float32),
    )(qp, hw_s, degp, b2r)


def kernel(x, edge_index, W1, b1, W2, b2):
    e = edge_index.shape[1]
    ei = edge_index.astype(jnp.int32)

    per_round = _NBUF * _NW * _CHUNK
    epad = -(-e // per_round) * per_round
    ch = epad // (_NW * _CHUNK)
    ch2 = _NC * ch
    src = jnp.pad(ei[0], (0, epad - e), constant_values=_N)
    dst = jnp.pad(ei[1], (0, epad - e), constant_values=_N)
    src2d = src.reshape(_NS * ch2, _CHUNK)
    dst2d = dst.reshape(_NS * ch2, _CHUNK)
    srcoff2d = jnp.concatenate([src2d, src2d + _NPAD], axis=0)

    xpad = jnp.pad(x, ((0, _NPAD - _N), (0, 0)))
    w1s = W1.reshape(_FIN, _NC, _HID // _NC).transpose(1, 0, 2)
    w2p = jnp.pad(W2, ((0, 0), (0, _CLSP - _CLS)))
    b1r = b1.reshape(1, _HID)
    b2r = jnp.pad(b2, (0, _CLSP - _CLS)).reshape(1, _CLSP)

    ch1 = max(_NBUF, (2 * ch) * 2 // 20 // _NBUF * _NBUF)
    ch0 = 2 * ch - ch1

    xw2 = _tc_mm1(xpad, w1s)
    degp = _sc_degree(dst2d, ch)
    table2 = _tc_scale1(xw2, degp)
    pp = _sc_propagate_cols(table2, srcoff2d, dst2d, ch2)
    hw_s = _tc2(pp, table2, degp, w2p, b1r)
    qp = _sc_propagate(hw_s, src2d, dst2d, ch0, ch1, _CLSP)
    out = _tc3(qp, hw_s, degp, b2r)
    return out[:_N, :_CLS]

# --- scband reference (transcript-rebuilt; emitter-appended) ---
"""Pipeline reference for scband-gcn-43791486550061 (READ-ONLY COPY).

The authoritative reference and input builder live on the scoring server;
editing this copy changes nothing except your own understanding.
"""

import jax, jax.numpy as jnp
import numpy as np

N = 10000
F_IN = 128
HID = 128
CLS = 40
E = 320000


def _glorot(key, fan_in, fan_out):
    limit = jnp.sqrt(6.0 / (fan_in + fan_out))
    return jax.random.uniform(key, (fan_in, fan_out), dtype=jnp.float32, minval=-limit, maxval=limit)


def setup_inputs(seed: int = 0) -> dict:
    key = jax.random.key(seed)
    k_x, k_e, k_w1, k_w2 = jax.random.split(key, 4)
    x = jax.random.normal(k_x, (N, F_IN), dtype=jnp.float32)
    edge_index = jax.random.randint(k_e, (2, E), 0, N, dtype=jnp.int64)
    W1 = _glorot(k_w1, F_IN, HID)
    b1 = jnp.zeros((HID,), dtype=jnp.float32)
    W2 = _glorot(k_w2, HID, CLS)
    b2 = jnp.zeros((CLS,), dtype=jnp.float32)
    return {"x": x, "edge_index": edge_index, "W1": W1, "b1": b1, "W2": W2, "b2": b2}


def _gcn_conv(x, edge_index, W, b, num_nodes):
    # PyG GCNConv (default): add self-loops, symmetric normalization,
    # linear transform (no bias inside lin), bias added after aggregation.
    xw = x @ W
    src = edge_index[0]
    dst = edge_index[1]
    loops = jnp.arange(num_nodes, dtype=edge_index.dtype)
    src = jnp.concatenate([src, loops])
    dst = jnp.concatenate([dst, loops])
    ones = jnp.ones(src.shape[0], dtype=xw.dtype)
    deg = jax.ops.segment_sum(ones, dst, num_segments=num_nodes)
    deg_inv_sqrt = jnp.where(deg > 0, jax.lax.rsqrt(jnp.maximum(deg, 1e-12)), 0.0)
    norm = deg_inv_sqrt[src] * deg_inv_sqrt[dst]
    msgs = xw[src] * norm[:, None]
    out = jax.ops.segment_sum(msgs, dst, num_segments=num_nodes)
    return out + b


def reference(x, edge_index, W1, b1, W2, b2):
    h = _gcn_conv(x, edge_index, W1, b1, N)
    h = jax.nn.relu(h)
    # F.dropout(training=self.training): identity in eval mode
    out = _gcn_conv(h, edge_index, W2, b2, N)
    return jax.nn.log_softmax(out, axis=1)

if __name__ == "__main__":
    import jax
    _d = setup_inputs()
    print(jax.jit(kernel)(*tuple(_d.values())))

</pallas_src>

<mosaic_0001>
#map = affine_map<(d0, d1) -> (0, 0)>
#map1 = affine_map<(d0, d1) -> (0, 0, 0)>
module attributes {stable_mosaic.version = 14 : i64} {
  func.func @k(%arg0: i32, %arg1: i32, %arg2: memref<10240x48xf32, #tpu.memory_space<hbm>>, %arg3: memref<2560x128xi32, #tpu.memory_space<hbm>>, %arg4: memref<2560x128xi32, #tpu.memory_space<hbm>>, %arg5: memref<2x10240x48xf32, #tpu.memory_space<hbm>>, %arg6: memref<144x128xi32, #tpu.memory_space<vmem>>, %arg7: memref<144x128xi32, #tpu.memory_space<vmem>>, %arg8: memref<4x128x48xf32, #tpu.memory_space<vmem>>, %arg9: memref<10240x48xf32, #tpu.memory_space<vmem_shared>>, %arg10: memref<!tpu.dma_semaphore, #tpu.memory_space<semaphore_mem>>, %arg11: memref<!tpu.dma_semaphore, #tpu.memory_space<semaphore_mem>>, %arg12: memref<!tpu.dma_semaphore, #tpu.memory_space<semaphore_mem>>, %arg13: memref<!tpu.dma_semaphore, #tpu.memory_space<semaphore_mem>>, %arg14: memref<!tpu.dma_semaphore, #tpu.memory_space<semaphore_mem>>, %arg15: memref<!tpu.dma_semaphore, #tpu.memory_space<semaphore_mem>>, %arg16: memref<!tpu.dma_semaphore, #tpu.memory_space<semaphore_mem>>, %arg17: memref<!tpu.dma_semaphore, #tpu.memory_space<semaphore_mem>>) attributes {dimension_semantics = [#tpu.dimension_semantics<core_parallel>, #tpu.dimension_semantics<subcore_parallel>], iteration_bounds = array<i64: 2, 16>, scalar_prefetch = 0 : i64, scratch_operands = 12 : i64, tpu.core_type = #tpu.core_type<sc_vector_subcore>, window_params = [{transform_indices = #map}, {transform_indices = #map}, {transform_indices = #map}, {transform_indices = #map1}]} {
    %scan3A = arith.constant 0 : i32
    %scan3A_0 = arith.constant 128 : i32
    %scan3A_1 = arith.addi %scan3A, %scan3A_0 : i32
    %scan3A_2 = arith.constant 1 : i32
    scf.for %scan3A_17 = %scan3A to %scan3A_1 step %scan3A_2  : i32 {
      %mul3A_18 = arith.constant 1 : i32
      %mul3A_19 = arith.muli %scan3A_17, %mul3A_18 : i32
      %add3A = arith.constant 0 : i32
      %add3A_20 = arith.addi %add3A, %mul3A_19 : i32
      %scan3A_21 = arith.constant 0 : i32
      %scan3A_22 = arith.constant 3 : i32
      %scan3A_23 = arith.addi %scan3A_21, %scan3A_22 : i32
      %scan3A_24 = arith.constant 1 : i32
      scf.for %scan3A_26 = %scan3A_21 to %scan3A_23 step %scan3A_24  : i32 {
        %mul3A_27 = arith.constant 1 : i32
        %mul3A_28 = arith.muli %scan3A_26, %mul3A_27 : i32
        %add3A_29 = arith.constant 0 : i32
        %add3A_30 = arith.addi %add3A_29, %mul3A_28 : i32
        %broadcast_in_dim3A = arith.constant 0.000000e+00 : f32
        %broadcast_in_dim3A_31 = vector.broadcast %broadcast_in_dim3A : f32 to vector<16xf32>
        %mul3A_32 = arith.constant 16 : i32
        %mul3A_33 = arith.muli %add3A_30, %mul3A_32 : i32
        %swap3A = arith.constant 0 : i32
        %swap3A_34 = arith.index_cast %swap3A : i32 to index
        %swap3A_35 = arith.index_cast %add3A_20 : i32 to index
        %swap3A_36 = arith.index_cast %mul3A_33 : i32 to index
        %swap3A_37 = tpu.vector_load %arg8[%swap3A_34, %swap3A_35, %swap3A_36] {strides = array<i32>} : memref<4x128x48xf32, #tpu.memory_space<vmem>>, vector<1x1x16xf32>,
        %swap3A_38 = vector.shape_cast %swap3A_37 : vector<1x1x16xf32> to vector<16xf32>
        %swap3A_39 = vector.shape_cast %broadcast_in_dim3A_31 : vector<16xf32> to vector<1x1x16xf32>
        tpu.vector_store %arg8[%swap3A_34, %swap3A_35, %swap3A_36], %swap3A_39 {strides = array<i32>} : memref<4x128x48xf32, #tpu.memory_space<vmem>>, vector<1x1x16xf32>,
      }
      %scan3A_25 = arith.constant 3 : i32
    }
    %scan3A_3 = arith.constant 128 : i32
    %mul3A = arith.constant 640 : i32
    %mul3A_4 = arith.muli %arg1, %mul3A : i32
    %scan3A_5 = arith.constant 0 : i32
    %scan3A_6 = arith.constant 5 : i32
    %scan3A_7 = arith.addi %scan3A_5, %scan3A_6 : i32
    %scan3A_8 = arith.constant 1 : i32
    scf.for %scan3A_17 = %scan3A_5 to %scan3A_7 step %scan3A_8  : i32 {
      %mul3A_18 = arith.constant 1 : i32
      %mul3A_19 = arith.muli %scan3A_17, %mul3A_18 : i32
      %add3A = arith.constant 0 : i32
      %add3A_20 = arith.addi %add3A, %mul3A_19 : i32
      %mul3A_21 = arith.constant 128 : i32
      %mul3A_22 = arith.muli %add3A_20, %mul3A_21 : i32
      %add3A_23 = arith.addi %mul3A_4, %mul3A_22 : i32
      %run_scoped3A = arith.constant 0 : i32
      "tpu.region"() ({
        %run_scoped3A_24 = tpu.sem_alloc : memref<!tpu.dma_semaphore, #tpu.memory_space<semaphore_mem>>
        %dma_start3A = arith.constant 0 : i32
        %dma_start3A_25 = arith.constant 0 : i32
        %dma_start3A_26 = tpu.memref_slice %arg8[%run_scoped3A, %dma_start3A, %dma_start3A_25] : memref<4x128x48xf32, #tpu.memory_space<vmem>> -> memref<1x128x48xf32, #tpu.memory_space<vmem>>
        %dma_start3A_27 = tpu.memref_squeeze %dma_start3A_26 : memref<1x128x48xf32, #tpu.memory_space<vmem>> -> memref<128x48xf32, #tpu.memory_space<vmem>>
        %dma_start3A_28 = arith.constant 0 : i32
        %dma_start3A_29 = tpu.memref_slice %arg9[%add3A_23, %dma_start3A_28] : memref<10240x48xf32, #tpu.memory_space<vmem_shared>> -> memref<128x48xf32, #tpu.memory_space<vmem_shared>>
        %dma_start3A_30 = arith.constant 0 : i32
        %dma_start3A_31 = tpu.memref_slice %arg9[%add3A_23, %dma_start3A_30] : memref<10240x48xf32, #tpu.memory_space<vmem_shared>> -> memref<128x48xf32, #tpu.memory_space<vmem_shared>>
        %dma_start3A_32 = arith.constant 0 : i32
        %dma_start3A_33 = arith.constant 0 : i32
        %dma_start3A_34 = tpu.memref_slice %arg8[%run_scoped3A, %dma_start3A_32, %dma_start3A_33] : memref<4x128x48xf32, #tpu.memory_space<vmem>> -> memref<1x128x48xf32, #tpu.memory_space<vmem>>
        %dma_start3A_35 = tpu.memref_squeeze %dma_start3A_34 : memref<1x128x48xf32, #tpu.memory_space<vmem>> -> memref<128x48xf32, #tpu.memory_space<vmem>>
        tpu.enqueue_dma source(%dma_start3A_35 : memref<128x48xf32, #tpu.memory_space<vmem>>) target(%dma_start3A_31 : memref<128x48xf32, #tpu.memory_space<vmem_shared>>) target_semaphore(%run_scoped3A_24 : memref<!tpu.dma_semaphore, #tpu.memory_space<semaphore_mem>>)
        %dma_wait3A = arith.constant 0 : i32
        %dma_wait3A_36 = arith.constant 0 : i32
        %dma_wait3A_37 = tpu.memref_slice %arg8[%run_scoped3A, %dma_wait3A, %dma_wait3A_36] : memref<4x128x48xf32, #tpu.memory_space<vmem>> -> memref<1x128x48xf32, #tpu.memory_space<vmem>>
        %dma_wait3A_38 = tpu.memref_squeeze %dma_wait3A_37 : memref<1x128x48xf32, #tpu.memory_space<vmem>> -> memref<128x48xf32, #tpu.memory_space<vmem>>
        %dma_wait3A_39 = arith.constant 0 : i32
        %dma_wait3A_40 = tpu.memref_slice %arg9[%add3A_23, %dma_wait3A_39] : memref<10240x48xf32, #tpu.memory_space<vmem_shared>> -> memref<128x48xf32, #tpu.memory_space<vmem_shared>>
        %dma_wait3A_41 = arith.constant 0 : i32
        %dma_wait3A_42 = tpu.memref_slice %arg9[%add3A_23, %dma_wait3A_41] : memref<10240x48xf32, #tpu.memory_space<vmem_shared>> -> memref<128x48xf32, #tpu.memory_space<vmem_shared>>
        %dma_wait3A_43 = arith.constant 0 : i32
        %dma_wait3A_44 = arith.constant 0 : i32
        %dma_wait3A_45 = tpu.memref_slice %arg8[%run_scoped3A, %dma_wait3A_43, %dma_wait3A_44] : memref<4x128x48xf32, #tpu.memory_space<vmem>> -> memref<1x128x48xf32, #tpu.memory_space<vmem>>
        %dma_wait3A_46 = tpu.memref_squeeze %dma_wait3A_45 : memref<1x128x48xf32, #tpu.memory_space<vmem>> -> memref<128x48xf32, #tpu.memory_space<vmem>>
        tpu.wait_dma2 semaphore(%run_scoped3A_24 : memref<!tpu.dma_semaphore, #tpu.memory_space<semaphore_mem>>) src(%dma_wait3A_46 : memref<128x48xf32, #tpu.memory_space<vmem>>) dst(%dma_wait3A_42 : memref<128x48xf32, #tpu.memory_space<vmem_shared>>)
        tpu.yield
      }) : () -> ()
    }
    %scan3A_9 = arith.constant 5 : i32
    %eq3A = arith.constant 0 : i32
    %eq3A_10 = arith.cmpi eq, %arg0, %eq3A : i32
    %convert_element_type3A = arith.extui %eq3A_10 : i1 to i32
    %cond3A = arith.constant 0 : i32
    %cond3A_11 = arith.cmpi ne, %convert_element_type3A, %cond3A : i32
    scf.if %cond3A_11 {
      %mul3A_17 = arith.constant 144 : i32
      %mul3A_18 = arith.muli %arg1, %mul3A_17 : i32
      "tpu.region"() ({
        %run_scoped3A = tpu.sem_alloc : memref<!tpu.dma_semaphore, #tpu.memory_space<semaphore_mem>>
        %dma_start3A_97 = arith.constant 0 : i32
        %dma_start3A_98 = arith.constant 0 : i32
        %dma_start3A_99 = tpu.memref_slice %arg6[%dma_start3A_97, %dma_start3A_98] : memref<144x128xi32, #tpu.memory_space<vmem>> -> memref<144x128xi32, #tpu.memory_space<vmem>>
        %dma_start3A_100 = arith.constant 0 : i32
        %dma_start3A_101 = tpu.memref_slice %arg3[%mul3A_18, %dma_start3A_100] : memref<2560x128xi32, #tpu.memory_space<hbm>> -> memref<144x128xi32, #tpu.memory_space<hbm>>
        %dma_start3A_102 = arith.constant 0 : i32
        %dma_start3A_103 = arith.constant 0 : i32
        %dma_start3A_104 = tpu.memref_slice %arg6[%dma_start3A_102, %dma_start3A_103] : memref<144x128xi32, #tpu.memory_space<vmem>> -> memref<144x128xi32, #tpu.memory_space<vmem>>
        %dma_start3A_105 = arith.constant 0 : i32
        %dma_start3A_106 = tpu.memref_slice %arg3[%mul3A_18, %dma_start3A_105] : memref<2560x128xi32, #tpu.memory_space<hbm>> -> memref<144x128xi32, #tpu.memory_space<hbm>>
        tpu.enqueue_dma source(%dma_start3A_106 : memref<144x128xi32, #tpu.memory_space<hbm>>) target(%dma_start3A_104 : memref<144x128xi32, #tpu.memory_space<vmem>>) target_semaphore(%run_scoped3A : memref<!tpu.dma_semaphore, #tpu.memory_space<semaphore_mem>>)
        %dma_wait3A_107 = arith.constant 0 : i32
        %dma_wait3A_108 = arith.constant 0 : i32
        %dma_wait3A_109 = tpu.memref_slice %arg6[%dma_wait3A_107, %dma_wait3A_108] : memref<144x128xi32, #tpu.memory_space<vmem>> -> memref<144x128xi32, #tpu.memory_space<vmem>>
        %dma_wait3A_110 = arith.constant 0 : i32
        %dma_wait3A_111 = tpu.memref_slice %arg3[%mul3A_18, %dma_wait3A_110] : memref<2560x128xi32, #tpu.memory_space<hbm>> -> memref<144x128xi32, #tpu.memory_space<hbm>>
        %dma_wait3A_112 = arith.constant 0 : i32
        %dma_wait3A_113 = arith.constant 0 : i32
        %dma_wait3A_114 = tpu.memref_slice %arg6[%dma_wait3A_112, %dma_wait3A_113] : memref<144x128xi32, #tpu.memory_space<vmem>> -> memref<144x128xi32, #tpu.memory_space<vmem>>
        %dma_wait3A_115 = arith.constant 0 : i32
        %dma_wait3A_116 = tpu.memref_slice %arg3[%mul3A_18, %dma_wait3A_115] : memref<2560x128xi32, #tpu.memory_space<hbm>> -> memref<144x128xi32, #tpu.memory_space<hbm>>
        tpu.wait_dma2 semaphore(%run_scoped3A : memref<!tpu.dma_semaphore, #tpu.memory_space<semaphore_mem>>) src(%dma_wait3A_116 : memref<144x128xi32, #tpu.memory_space<hbm>>) dst(%dma_wait3A_114 : memref<144x128xi32, #tpu.memory_space<vmem>>)
        tpu.yield
      }) : () -> ()
      %mul3A_19 = arith.constant 144 : i32
      %mul3A_20 = arith.muli %arg1, %mul3A_19 : i32
      "tpu.region"() ({
        %run_scoped3A = tpu.sem_alloc : memref<!tpu.dma_semaphore, #tpu.memory_space<semaphore_mem>>
        %dma_start3A_97 = arith.constant 0 : i32
        %dma_start3A_98 = arith.constant 0 : i32
        %dma_start3A_99 = tpu.memref_slice %arg7[%dma_start3A_97, %dma_start3A_98] : memref<144x128xi32, #tpu.memory_space<vmem>> -> memref<144x128xi32, #tpu.memory_space<vmem>>
        %dma_start3A_100 = arith.constant 0 : i32
        %dma_start3A_101 = tpu.memref_slice %arg4[%mul3A_20, %dma_start3A_100] : memref<2560x128xi32, #tpu.memory_space<hbm>> -> memref<144x128xi32, #tpu.memory_space<hbm>>
        %dma_start3A_102 = arith.constant 0 : i32
        %dma_start3A_103 = arith.constant 0 : i32
        %dma_start3A_104 = tpu.memref_slice %arg7[%dma_start3A_102, %dma_start3A_103] : memref<144x128xi32, #tpu.memory_space<vmem>> -> memref<144x128xi32, #tpu.memory_space<vmem>>
        %dma_start3A_105 = arith.constant 0 : i32
        %dma_start3A_106 = tpu.memref_slice %arg4[%mul3A_20, %dma_start3A_105] : memref<2560x128xi32, #tpu.memory_space<hbm>> -> memref<144x128xi32, #tpu.memory_space<hbm>>
        tpu.enqueue_dma source(%dma_start3A_106 : memref<144x128xi32, #tpu.memory_space<hbm>>) target(%dma_start3A_104 : memref<144x128xi32, #tpu.memory_space<vmem>>) target_semaphore(%run_scoped3A : memref<!tpu.dma_semaphore, #tpu.memory_space<semaphore_mem>>)
        %dma_wait3A_107 = arith.constant 0 : i32
        %dma_wait3A_108 = arith.constant 0 : i32
        %dma_wait3A_109 = tpu.memref_slice %arg7[%dma_wait3A_107, %dma_wait3A_108] : memref<144x128xi32, #tpu.memory_space<vmem>> -> memref<144x128xi32, #tpu.memory_space<vmem>>
        %dma_wait3A_110 = arith.constant 0 : i32
        %dma_wait3A_111 = tpu.memref_slice %arg4[%mul3A_20, %dma_wait3A_110] : memref<2560x128xi32, #tpu.memory_space<hbm>> -> memref<144x128xi32, #tpu.memory_space<hbm>>
        %dma_wait3A_112 = arith.constant 0 : i32
        %dma_wait3A_113 = arith.constant 0 : i32
        %dma_wait3A_114 = tpu.memref_slice %arg7[%dma_wait3A_112, %dma_wait3A_113] : memref<144x128xi32, #tpu.memory_space<vmem>> -> memref<144x128xi32, #tpu.memory_space<vmem>>
        %dma_wait3A_115 = arith.constant 0 : i32
        %dma_wait3A_116 = tpu.memref_slice %arg4[%mul3A_20, %dma_wait3A_115] : memref<2560x128xi32, #tpu.memory_space<hbm>> -> memref<144x128xi32, #tpu.memory_space<hbm>>
        tpu.wait_dma2 semaphore(%run_scoped3A : memref<!tpu.dma_semaphore, #tpu.memory_space<semaphore_mem>>) src(%dma_wait3A_116 : memref<144x128xi32, #tpu.memory_space<hbm>>) dst(%dma_wait3A_114 : memref<144x128xi32, #tpu.memory_space<vmem>>)
        tpu.yield
      }) : () -> ()
      %barrier3A_21 = arith.constant 0 : index
      tpu.barrier barrier_id(%barrier3A_21)
      %dma_start3A = arith.constant 0 : i32
      %dma_start3A_22 = arith.constant 0 : i32
      %dma_start3A_23 = arith.constant 0 : i32
      %dma_start3A_24 = arith.constant 0 : i32
      %dma_start3A_25 = tpu.memref_slice %arg8[%dma_start3A_22, %dma_start3A_23, %dma_start3A_24] : memref<4x128x48xf32, #tpu.memory_space<vmem>> -> memref<1x128x48xf32, #tpu.memory_space<vmem>>
      %dma_start3A_26 = tpu.memref_squeeze %dma_start3A_25 : memref<1x128x48xf32, #tpu.memory_space<vmem>> -> memref<128x48xf32, #tpu.memory_space<vmem>>
      %dma_start3A_27 = arith.constant 0 : i32
      %dma_start3A_28 = tpu.memref_slice %arg6[%dma_start3A, %dma_start3A_27] : memref<144x128xi32, #tpu.memory_space<vmem>> -> memref<1x128xi32, #tpu.memory_space<vmem>>
      %dma_start3A_29 = tpu.memref_squeeze %dma_start3A_28 : memref<1x128xi32, #tpu.memory_space<vmem>> -> memref<128xi32, #tpu.memory_space<vmem>>
      %dma_start3A_30 = arith.constant 0 : i32
      %dma_start3A_31 = arith.constant 0 : i32
      %dma_start3A_32 = tpu.memref_slice %arg2[%dma_start3A_30, %dma_start3A_31] : memref<10240x48xf32, #tpu.memory_space<hbm>> -> memref<10240x48xf32, #tpu.memory_space<hbm>>
      tpu.enqueue_indirect_dma source(%dma_start3A_32 : memref<10240x48xf32, #tpu.memory_space<hbm>>) target(%dma_start3A_26 : memref<128x48xf32, #tpu.memory_space<vmem>>) offsets(%dma_start3A_29 : memref<128xi32, #tpu.memory_space<vmem>>) semaphore(%arg10 : memref<!tpu.dma_semaphore, #tpu.memory_space<semaphore_mem>>)
      %dma_start3A_33 = arith.constant 1 : i32
      %dma_start3A_34 = arith.constant 1 : i32
      %dma_start3A_35 = arith.constant 0 : i32
      %dma_start3A_36 = arith.constant 0 : i32
      %dma_start3A_37 = tpu.memref_slice %arg8[%dma_start3A_34, %dma_start3A_35, %dma_start3A_36] : memref<4x128x48xf32, #tpu.memory_space<vmem>> -> memref<1x128x48xf32, #tpu.memory_space<vmem>>
      %dma_start3A_38 = tpu.memref_squeeze %dma_start3A_37 : memref<1x128x48xf32, #tpu.memory_space<vmem>> -> memref<128x48xf32, #tpu.memory_space<vmem>>
      %dma_start3A_39 = arith.constant 0 : i32
      %dma_start3A_40 = tpu.memref_slice %arg6[%dma_start3A_33, %dma_start3A_39] : memref<144x128xi32, #tpu.memory_space<vmem>> -> memref<1x128xi32, #tpu.memory_space<vmem>>
      %dma_start3A_41 = tpu.memref_squeeze %dma_start3A_40 : memref<1x128xi32, #tpu.memory_space<vmem>> -> memref<128xi32, #tpu.memory_space<vmem>>
      %dma_start3A_42 = arith.constant 0 : i32
      %dma_start3A_43 = arith.constant 0 : i32
      %dma_start3A_44 = tpu.memref_slice %arg2[%dma_start3A_42, %dma_start3A_43] : memref<10240x48xf32, #tpu.memory_space<hbm>> -> memref<10240x48xf32, #tpu.memory_space<hbm>>
      tpu.enqueue_indirect_dma source(%dma_start3A_44 : memref<10240x48xf32, #tpu.memory_space<hbm>>) target(%dma_start3A_38 : memref<128x48xf32, #tpu.memory_space<vmem>>) offsets(%dma_start3A_41 : memref<128xi32, #tpu.memory_space<vmem>>) semaphore(%arg11 : memref<!tpu.dma_semaphore, #tpu.memory_space<semaphore_mem>>)
      %scan3A_45 = arith.constant 0 : i32
      %scan3A_46 = arith.constant 36 : i32
      %scan3A_47 = arith.addi %scan3A_45, %scan3A_46 : i32
      %scan3A_48 = arith.constant 1 : i32
      scf.for %scan3A_97 = %scan3A_45 to %scan3A_47 step %scan3A_48  : i32 {
        %mul3A_98 = arith.constant 4 : i32
        %mul3A_99 = arith.muli %scan3A_97, %mul3A_98 : i32
        %add3A = arith.constant 0 : i32
        %add3A_100 = arith.addi %add3A, %mul3A_99 : i32
        %add3A_101 = arith.constant 0 : i32
        %add3A_102 = arith.addi %add3A_100, %add3A_101 : i32
        %dma_wait3A_103 = arith.constant 0 : i32
        %dma_wait3A_104 = arith.constant 0 : i32
        %dma_wait3A_105 = arith.constant 0 : i32
        %dma_wait3A_106 = tpu.memref_slice %arg8[%dma_wait3A_103, %dma_wait3A_104, %dma_wait3A_105] : memref<4x128x48xf32, #tpu.memory_space<vmem>> -> memref<1x128x48xf32, #tpu.memory_space<vmem>>
        %dma_wait3A_107 = tpu.memref_squeeze %dma_wait3A_106 : memref<1x128x48xf32, #tpu.memory_space<vmem>> -> memref<128x48xf32, #tpu.memory_space<vmem>>
        %dma_wait3A_108 = arith.constant 0 : i32
        %dma_wait3A_109 = tpu.memref_slice %arg6[%add3A_102, %dma_wait3A_108] : memref<144x128xi32, #tpu.memory_space<vmem>> -> memref<1x128xi32, #tpu.memory_space<vmem>>
        %dma_wait3A_110 = tpu.memref_squeeze %dma_wait3A_109 : memref<1x128xi32, #tpu.memory_space<vmem>> -> memref<128xi32, #tpu.memory_space<vmem>>
        %dma_wait3A_111 = arith.constant 0 : i32
        %dma_wait3A_112 = arith.constant 0 : i32
        %dma_wait3A_113 = tpu.memref_slice %arg2[%dma_wait3A_111, %dma_wait3A_112] : memref<10240x48xf32, #tpu.memory_space<hbm>> -> memref<10240x48xf32, #tpu.memory_space<hbm>>
        tpu.wait_indirect_dma semaphore(%arg10 : memref<!tpu.dma_semaphore, #tpu.memory_space<semaphore_mem>>) src(%dma_wait3A_113 : memref<10240x48xf32, #tpu.memory_space<hbm>>) dst(%dma_wait3A_107 : memref<128x48xf32, #tpu.memory_space<vmem>>)
        %dma_start3A_114 = arith.constant 0 : i32
        %dma_start3A_115 = arith.constant 0 : i32
        %dma_start3A_116 = arith.constant 0 : i32
        %dma_start3A_117 = tpu.memref_slice %arg8[%dma_start3A_114, %dma_start3A_115, %dma_start3A_116] : memref<4x128x48xf32, #tpu.memory_space<vmem>> -> memref<1x128x48xf32, #tpu.memory_space<vmem>>
        %dma_start3A_118 = tpu.memref_squeeze %dma_start3A_117 : memref<1x128x48xf32, #tpu.memory_space<vmem>> -> memref<128x48xf32, #tpu.memory_space<vmem>>
        %dma_start3A_119 = arith.constant 0 : i32
        %dma_start3A_120 = tpu.memref_slice %arg7[%add3A_102, %dma_start3A_119] : memref<144x128xi32, #tpu.memory_space<vmem>> -> memref<1x128xi32, #tpu.memory_space<vmem>>
        %dma_start3A_121 = tpu.memref_squeeze %dma_start3A_120 : memref<1x128xi32, #tpu.memory_space<vmem>> -> memref<128xi32, #tpu.memory_space<vmem>>
        %dma_start3A_122 = arith.constant 0 : i32
        %dma_start3A_123 = arith.constant 0 : i32
        %dma_start3A_124 = tpu.memref_slice %arg9[%dma_start3A_122, %dma_start3A_123] : memref<10240x48xf32, #tpu.memory_space<vmem_shared>> -> memref<10240x48xf32, #tpu.memory_space<vmem_shared>>
        tpu.enqueue_indirect_dma source(%dma_start3A_118 : memref<128x48xf32, #tpu.memory_space<vmem>>) target(%dma_start3A_124 : memref<10240x48xf32, #tpu.memory_space<vmem_shared>>) offsets(%dma_start3A_121 : memref<128xi32, #tpu.memory_space<vmem>>) semaphore(%arg14 : memref<!tpu.dma_semaphore, #tpu.memory_space<semaphore_mem>>) {add = true}
        %add3A_125 = arith.constant 2 : i32
        %add3A_126 = arith.addi %add3A_102, %add3A_125 : i32
        %lt3A = arith.constant 144 : i32
        %lt3A_127 = arith.cmpi slt, %add3A_126, %lt3A : i32
        %convert_element_type3A_128 = arith.extui %lt3A_127 : i1 to i32
        %cond3A_129 = arith.constant 0 : i32
        %cond3A_130 = arith.cmpi ne, %convert_element_type3A_128, %cond3A_129 : i32
        scf.if %cond3A_130 {
          %ge3A = arith.constant 2 : i32
          %ge3A_224 = arith.cmpi sge, %add3A_102, %ge3A : i32
          %convert_element_type3A_225 = arith.extui %ge3A_224 : i1 to i32
          %cond3A_226 = arith.constant 0 : i32
          %cond3A_227 = arith.cmpi ne, %convert_element_type3A_225, %cond3A_226 : i32
          scf.if %cond3A_227 {
            %sub3A = arith.constant 2 : i32
            %sub3A_241 = arith.subi %add3A_102, %sub3A : i32
            %dma_wait3A_242 = arith.constant 2 : i32
            %dma_wait3A_243 = arith.constant 0 : i32
            %dma_wait3A_244 = arith.constant 0 : i32
            %dma_wait3A_245 = tpu.memref_slice %arg8[%dma_wait3A_242, %dma_wait3A_243, %dma_wait3A_244] : memref<4x128x48xf32, #tpu.memory_space<vmem>> -> memref<1x128x48xf32, #tpu.memory_space<vmem>>
            %dma_wait3A_246 = tpu.memref_squeeze %dma_wait3A_245 : memref<1x128x48xf32, #tpu.memory_space<vmem>> -> memref<128x48xf32, #tpu.memory_space<vmem>>
            %dma_wait3A_247 = arith.constant 0 : i32
            %dma_wait3A_248 = tpu.memref_slice %arg7[%sub3A_241, %dma_wait3A_247] : memref<144x128xi32, #tpu.memory_space<vmem>> -> memref<1x128xi32, #tpu.memory_space<vmem>>
            %dma_wait3A_249 = tpu.memref_squeeze %dma_wait3A_248 : memref<1x128xi32, #tpu.memory_space<vmem>> -> memref<128xi32, #tpu.memory_space<vmem>>
            %dma_wait3A_250 = arith.constant 0 : i32
            %dma_wait3A_251 = arith.constant 0 : i32
            %dma_wait3A_252 = tpu.memref_slice %arg9[%dma_wait3A_250, %dma_wait3A_251] : memref<10240x48xf32, #tpu.memory_space<vmem_shared>> -> memref<10240x48xf32, #tpu.memory_space<vmem_shared>>
            tpu.wait_indirect_dma semaphore(%arg16 : memref<!tpu.dma_semaphore, #tpu.memory_space<semaphore_mem>>) src(%dma_wait3A_246 : memref<128x48xf32, #tpu.memory_space<vmem>>) dst(%dma_wait3A_252 : memref<10240x48xf32, #tpu.memory_space<vmem_shared>>)
          } else {
          }
          %add3A_228 = arith.constant 2 : i32
          %add3A_229 = arith.addi %add3A_102, %add3A_228 : i32
          %dma_start3A_230 = arith.constant 2 : i32
          %dma_start3A_231 = arith.constant 0 : i32
          %dma_start3A_232 = arith.constant 0 : i32
          %dma_start3A_233 = tpu.memref_slice %arg8[%dma_start3A_230, %dma_start3A_231, %dma_start3A_232] : memref<4x128x48xf32, #tpu.memory_space<vmem>> -> memref<1x128x48xf32, #tpu.memory_space<vmem>>
          %dma_start3A_234 = tpu.memref_squeeze %dma_start3A_233 : memref<1x128x48xf32, #tpu.memory_space<vmem>> -> memref<128x48xf32, #tpu.memory_space<vmem>>
          %dma_start3A_235 = arith.constant 0 : i32
          %dma_start3A_236 = tpu.memref_slice %arg6[%add3A_229, %dma_start3A_235] : memref<144x128xi32, #tpu.memory_space<vmem>> -> memref<1x128xi32, #tpu.memory_space<vmem>>
          %dma_start3A_237 = tpu.memref_squeeze %dma_start3A_236 : memref<1x128xi32, #tpu.memory_space<vmem>> -> memref<128xi32, #tpu.memory_space<vmem>>
          %dma_start3A_238 = arith.constant 0 : i32
          %dma_start3A_239 = arith.constant 0 : i32
          %dma_start3A_240 = tpu.memref_slice %arg2[%dma_start3A_238, %dma_start3A_239] : memref<10240x48xf32, #tpu.memory_space<hbm>> -> memref<10240x48xf32, #tpu.memory_space<hbm>>
          tpu.enqueue_indirect_dma source(%dma_start3A_240 : memref<10240x48xf32, #tpu.memory_space<hbm>>) target(%dma_start3A_234 : memref<128x48xf32, #tpu.memory_space<vmem>>) offsets(%dma_start3A_237 : memref<128xi32, #tpu.memory_space<vmem>>) semaphore(%arg12 : memref<!tpu.dma_semaphore, #tpu.memory_space<semaphore_mem>>)
        } else {
        }
        %add3A_131 = arith.constant 1 : i32
        %add3A_132 = arith.addi %add3A_100, %add3A_131 : i32
        %dma_wait3A_133 = arith.constant 1 : i32
        %dma_wait3A_134 = arith.constant 0 : i32
        %dma_wait3A_135 = arith.constant 0 : i32
        %dma_wait3A_136 = tpu.memref_slice %arg8[%dma_wait3A_133, %dma_wait3A_134, %dma_wait3A_135] : memref<4x128x48xf32, #tpu.memory_space<vmem>> -> memref<1x128x48xf32, #tpu.memory_space<vmem>>
        %dma_wait3A_137 = tpu.memref_squeeze %dma_wait3A_136 : memref<1x128x48xf32, #tpu.memory_space<vmem>> -> memref<128x48xf32, #tpu.memory_space<vmem>>
        %dma_wait3A_138 = arith.constant 0 : i32
        %dma_wait3A_139 = tpu.memref_slice %arg6[%add3A_132, %dma_wait3A_138] : memref<144x128xi32, #tpu.memory_space<vmem>> -> memref<1x128xi32, #tpu.memory_space<vmem>>
        %dma_wait3A_140 = tpu.memref_squeeze %dma_wait3A_139 : memref<1x128xi32, #tpu.memory_space<vmem>> -> memref<128xi32, #tpu.memory_space<vmem>>
        %dma_wait3A_141 = arith.constant 0 : i32
        %dma_wait3A_142 = arith.constant 0 : i32
        %dma_wait3A_143 = tpu.memref_slice %arg2[%dma_wait3A_141, %dma_wait3A_142] : memref<10240x48xf32, #tpu.memory_space<hbm>> -> memref<10240x48xf32, #tpu.memory_space<hbm>>
        tpu.wait_indirect_dma semaphore(%arg11 : memref<!tpu.dma_semaphore, #tpu.memory_space<semaphore_mem>>) src(%dma_wait3A_143 : memref<10240x48xf32, #tpu.memory_space<hbm>>) dst(%dma_wait3A_137 : memref<128x48xf32, #tpu.memory_space<vmem>>)
        %dma_start3A_144 = arith.constant 1 : i32
        %dma_start3A_145 = arith.constant 0 : i32
        %dma_start3A_146 = arith.constant 0 : i32
        %dma_start3A_147 = tpu.memref_slice %arg8[%dma_start3A_144, %dma_start3A_145, %dma_start3A_146] : memref<4x128x48xf32, #tpu.memory_space<vmem>> -> memref<1x128x48xf32, #tpu.memory_space<vmem>>
        %dma_start3A_148 = tpu.memref_squeeze %dma_start3A_147 : memref<1x128x48xf32, #tpu.memory_space<vmem>> -> memref<128x48xf32, #tpu.memory_space<vmem>>
        %dma_start3A_149 = arith.constant 0 : i32
        %dma_start3A_150 = tpu.memref_slice %arg7[%add3A_132, %dma_start3A_149] : memref<144x128xi32, #tpu.memory_space<vmem>> -> memref<1x128xi32, #tpu.memory_space<vmem>>
        %dma_start3A_151 = tpu.memref_squeeze %dma_start3A_150 : memref<1x128xi32, #tpu.memory_space<vmem>> -> memref<128xi32, #tpu.memory_space<vmem>>
        %dma_start3A_152 = arith.constant 0 : i32
        %dma_start3A_153 = arith.constant 0 : i32
        %dma_start3A_154 = tpu.memref_slice %arg9[%dma_start3A_152, %dma_start3A_153] : memref<10240x48xf32, #tpu.memory_space<vmem_shared>> -> memref<10240x48xf32, #tpu.memory_space<vmem_shared>>
        tpu.enqueue_indirect_dma source(%dma_start3A_148 : memref<128x48xf32, #tpu.memory_space<vmem>>) target(%dma_start3A_154 : memref<10240x48xf32, #tpu.memory_space<vmem_shared>>) offsets(%dma_start3A_151 : memref<128xi32, #tpu.memory_space<vmem>>) semaphore(%arg15 : memref<!tpu.dma_semaphore, #tpu.memory_space<semaphore_mem>>) {add = true}
        %add3A_155 = arith.constant 2 : i32
        %add3A_156 = arith.addi %add3A_132, %add3A_155 : i32
        %lt3A_157 = arith.constant 144 : i32
        %lt3A_158 = arith.cmpi slt, %add3A_156, %lt3A_157 : i32
        %convert_element_type3A_159 = arith.extui %lt3A_158 : i1 to i32
        %cond3A_160 = arith.constant 0 : i32
        %cond3A_161 = arith.cmpi ne, %convert_element_type3A_159, %cond3A_160 : i32
        scf.if %cond3A_161 {
          %ge3A = arith.constant 2 : i32
          %ge3A_224 = arith.cmpi sge, %add3A_132, %ge3A : i32
          %convert_element_type3A_225 = arith.extui %ge3A_224 : i1 to i32
          %cond3A_226 = arith.constant 0 : i32
          %cond3A_227 = arith.cmpi ne, %convert_element_type3A_225, %cond3A_226 : i32
          scf.if %cond3A_227 {
            %sub3A = arith.constant 2 : i32
            %sub3A_241 = arith.subi %add3A_132, %sub3A : i32
            %dma_wait3A_242 = arith.constant 3 : i32
            %dma_wait3A_243 = arith.constant 0 : i32
            %dma_wait3A_244 = arith.constant 0 : i32
            %dma_wait3A_245 = tpu.memref_slice %arg8[%dma_wait3A_242, %dma_wait3A_243, %dma_wait3A_244] : memref<4x128x48xf32, #tpu.memory_space<vmem>> -> memref<1x128x48xf32, #tpu.memory_space<vmem>>
            %dma_wait3A_246 = tpu.memref_squeeze %dma_wait3A_245 : memref<1x128x48xf32, #tpu.memory_space<vmem>> -> memref<128x48xf32, #tpu.memory_space<vmem>>
            %dma_wait3A_247 = arith.constant 0 : i32
            %dma_wait3A_248 = tpu.memref_slice %arg7[%sub3A_241, %dma_wait3A_247] : memref<144x128xi32, #tpu.memory_space<vmem>> -> memref<1x128xi32, #tpu.memory_space<vmem>>
            %dma_wait3A_249 = tpu.memref_squeeze %dma_wait3A_248 : memref<1x128xi32, #tpu.memory_space<vmem>> -> memref<128xi32, #tpu.memory_space<vmem>>
            %dma_wait3A_250 = arith.constant 0 : i32
            %dma_wait3A_251 = arith.constant 0 : i32
            %dma_wait3A_252 = tpu.memref_slice %arg9[%dma_wait3A_250, %dma_wait3A_251] : memref<10240x48xf32, #tpu.memory_space<vmem_shared>> -> memref<10240x48xf32, #tpu.memory_space<vmem_shared>>
            tpu.wait_indirect_dma semaphore(%arg17 : memref<!tpu.dma_semaphore, #tpu.memory_space<semaphore_mem>>) src(%dma_wait3A_246 : memref<128x48xf32, #tpu.memory_space<vmem>>) dst(%dma_wait3A_252 : memref<10240x48xf32, #tpu.memory_space<vmem_shared>>)
          } else {
          }
          %add3A_228 = arith.constant 2 : i32
          %add3A_229 = arith.addi %add3A_132, %add3A_228 : i32
          %dma_start3A_230 = arith.constant 3 : i32
          %dma_start3A_231 = arith.constant 0 : i32
          %dma_start3A_232 = arith.constant 0 : i32
          %dma_start3A_233 = tpu.memref_slice %arg8[%dma_start3A_230, %dma_start3A_231, %dma_start3A_232] : memref<4x128x48xf32, #tpu.memory_space<vmem>> -> memref<1x128x48xf32, #tpu.memory_space<vmem>>
          %dma_start3A_234 = tpu.memref_squeeze %dma_start3A_233 : memref<1x128x48xf32, #tpu.memory_space<vmem>> -> memref<128x48xf32, #tpu.memory_space<vmem>>
          %dma_start3A_235 = arith.constant 0 : i32
          %dma_start3A_236 = tpu.memref_slice %arg6[%add3A_229, %dma_start3A_235] : memref<144x128xi32, #tpu.memory_space<vmem>> -> memref<1x128xi32, #tpu.memory_space<vmem>>
          %dma_start3A_237 = tpu.memref_squeeze %dma_start3A_236 : memref<1x128xi32, #tpu.memory_space<vmem>> -> memref<128xi32, #tpu.memory_space<vmem>>
          %dma_start3A_238 = arith.constant 0 : i32
          %dma_start3A_239 = arith.constant 0 : i32
          %dma_start3A_240 = tpu.memref_slice %arg2[%dma_start3A_238, %dma_start3A_239] : memref<10240x48xf32, #tpu.memory_space<hbm>> -> memref<10240x48xf32, #tpu.memory_space<hbm>>
          tpu.enqueue_indirect_dma source(%dma_start3A_240 : memref<10240x48xf32, #tpu.memory_space<hbm>>) target(%dma_start3A_234 : memref<128x48xf32, #tpu.memory_space<vmem>>) offsets(%dma_start3A_237 : memref<128xi32, #tpu.memory_space<vmem>>) semaphore(%arg13 : memref<!tpu.dma_semaphore, #tpu.memory_space<semaphore_mem>>)
        } else {
        }
        %add3A_162 = arith.constant 2 : i32
        %add3A_163 = arith.addi %add3A_100, %add3A_162 : i32
        %dma_wait3A_164 = arith.constant 2 : i32
        %dma_wait3A_165 = arith.constant 0 : i32
        %dma_wait3A_166 = arith.constant 0 : i32
        %dma_wait3A_167 = tpu.memref_slice %arg8[%dma_wait3A_164, %dma_wait3A_165, %dma_wait3A_166] : memref<4x128x48xf32, #tpu.memory_space<vmem>> -> memref<1x128x48xf32, #tpu.memory_space<vmem>>
        %dma_wait3A_168 = tpu.memref_squeeze %dma_wait3A_167 : memref<1x128x48xf32, #tpu.memory_space<vmem>> -> memref<128x48xf32, #tpu.memory_space<vmem>>
        %dma_wait3A_169 = arith.constant 0 : i32
        %dma_wait3A_170 = tpu.memref_slice %arg6[%add3A_163, %dma_wait3A_169] : memref<144x128xi32, #tpu.memory_space<vmem>> -> memref<1x128xi32, #tpu.memory_space<vmem>>
        %dma_wait3A_171 = tpu.memref_squeeze %dma_wait3A_170 : memref<1x128xi32, #tpu.memory_space<vmem>> -> memref<128xi32, #tpu.memory_space<vmem>>
        %dma_wait3A_172 = arith.constant 0 : i32
        %dma_wait3A_173 = arith.constant 0 : i32
        %dma_wait3A_174 = tpu.memref_slice %arg2[%dma_wait3A_172, %dma_wait3A_173] : memref<10240x48xf32, #tpu.memory_space<hbm>> -> memref<10240x48xf32, #tpu.memory_space<hbm>>
        tpu.wait_indirect_dma semaphore(%arg12 : memref<!tpu.dma_semaphore, #tpu.memory_space<semaphore_mem>>) src(%dma_wait3A_174 : memref<10240x48xf32, #tpu.memory_space<hbm>>) dst(%dma_wait3A_168 : memref<128x48xf32, #tpu.memory_space<vmem>>)
        %dma_start3A_175 = arith.constant 2 : i32
        %dma_start3A_176 = arith.constant 0 : i32
        %dma_start3A_177 = arith.constant 0 : i32
        %dma_start3A_178 = tpu.memref_slice %arg8[%dma_start3A_175, %dma_start3A_176, %dma_start3A_177] : memref<4x128x48xf32, #tpu.memory_space<vmem>> -> memref<1x128x48xf32, #tpu.memory_space<vmem>>
        %dma_start3A_179 = tpu.memref_squeeze %dma_start3A_178 : memref<1x128x48xf32, #tpu.memory_space<vmem>> -> memref<128x48xf32, #tpu.memory_space<vmem>>
        %dma_start3A_180 = arith.constant 0 : i32
        %dma_start3A_181 = tpu.memref_slice %arg7[%add3A_163, %dma_start3A_180] : memref<144x128xi32, #tpu.memory_space<vmem>> -> memref<1x128xi32, #tpu.memory_space<vmem>>
        %dma_start3A_182 = tpu.memref_squeeze %dma_start3A_181 : memref<1x128xi32, #tpu.memory_space<vmem>> -> memref<128xi32, #tpu.memory_space<vmem>>
        %dma_start3A_183 = arith.constant 0 : i32
        %dma_start3A_184 = arith.constant 0 : i32
        %dma_start3A_185 = tpu.memref_slice %arg9[%dma_start3A_183, %dma_start3A_184] : memref<10240x48xf32, #tpu.memory_space<vmem_shared>> -> memref<10240x48xf32, #tpu.memory_space<vmem_shared>>
        tpu.enqueue_indirect_dma source(%dma_start3A_179 : memref<128x48xf32, #tpu.memory_space<vmem>>) target(%dma_start3A_185 : memref<10240x48xf32, #tpu.memory_space<vmem_shared>>) offsets(%dma_start3A_182 : memref<128xi32, #tpu.memory_space<vmem>>) semaphore(%arg16 : memref<!tpu.dma_semaphore, #tpu.memory_space<semaphore_mem>>) {add = true}
        %add3A_186 = arith.constant 2 : i32
        %add3A_187 = arith.addi %add3A_163, %add3A_186 : i32
        %lt3A_188 = arith.constant 144 : i32
        %lt3A_189 = arith.cmpi slt, %add3A_187, %lt3A_188 : i32
        %convert_element_type3A_190 = arith.extui %lt3A_189 : i1 to i32
        %cond3A_191 = arith.constant 0 : i32
        %cond3A_192 = arith.cmpi ne, %convert_element_type3A_190, %cond3A_191 : i32
        scf.if %cond3A_192 {
          %ge3A = arith.constant 2 : i32
          %ge3A_224 = arith.cmpi sge, %add3A_163, %ge3A : i32
          %convert_element_type3A_225 = arith.extui %ge3A_224 : i1 to i32
          %cond3A_226 = arith.constant 0 : i32
          %cond3A_227 = arith.cmpi ne, %convert_element_type3A_225, %cond3A_226 : i32
          scf.if %cond3A_227 {
            %sub3A = arith.constant 2 : i32
            %sub3A_241 = arith.subi %add3A_163, %sub3A : i32
            %dma_wait3A_242 = arith.constant 0 : i32
            %dma_wait3A_243 = arith.constant 0 : i32
            %dma_wait3A_244 = arith.constant 0 : i32
            %dma_wait3A_245 = tpu.memref_slice %arg8[%dma_wait3A_242, %dma_wait3A_243, %dma_wait3A_244] : memref<4x128x48xf32, #tpu.memory_space<vmem>> -> memref<1x128x48xf32, #tpu.memory_space<vmem>>
            %dma_wait3A_246 = tpu.memref_squeeze %dma_wait3A_245 : memref<1x128x48xf32, #tpu.memory_space<vmem>> -> memref<128x48xf32, #tpu.memory_space<vmem>>
            %dma_wait3A_247 = arith.constant 0 : i32
            %dma_wait3A_248 = tpu.memref_slice %arg7[%sub3A_241, %dma_wait3A_247] : memref<144x128xi32, #tpu.memory_space<vmem>> -> memref<1x128xi32, #tpu.memory_space<vmem>>
            %dma_wait3A_249 = tpu.memref_squeeze %dma_wait3A_248 : memref<1x128xi32, #tpu.memory_space<vmem>> -> memref<128xi32, #tpu.memory_space<vmem>>
            %dma_wait3A_250 = arith.constant 0 : i32
            %dma_wait3A_251 = arith.constant 0 : i32
            %dma_wait3A_252 = tpu.memref_slice %arg9[%dma_wait3A_250, %dma_wait3A_251] : memref<10240x48xf32, #tpu.memory_space<vmem_shared>> -> memref<10240x48xf32, #tpu.memory_space<vmem_shared>>
            tpu.wait_indirect_dma semaphore(%arg14 : memref<!tpu.dma_semaphore, #tpu.memory_space<semaphore_mem>>) src(%dma_wait3A_246 : memref<128x48xf32, #tpu.memory_space<vmem>>) dst(%dma_wait3A_252 : memref<10240x48xf32, #tpu.memory_space<vmem_shared>>)
          } else {
          }
          %add3A_228 = arith.constant 2 : i32
          %add3A_229 = arith.addi %add3A_163, %add3A_228 : i32
          %dma_start3A_230 = arith.constant 0 : i32
          %dma_start3A_231 = arith.constant 0 : i32
          %dma_start3A_232 = arith.constant 0 : i32
          %dma_start3A_233 = tpu.memref_slice %arg8[%dma_start3A_230, %dma_start3A_231, %dma_start3A_232] : memref<4x128x48xf32, #tpu.memory_space<vmem>> -> memref<1x128x48xf32, #tpu.memory_space<vmem>>
          %dma_start3A_234 = tpu.memref_squeeze %dma_start3A_233 : memref<1x128x48xf32, #tpu.memory_space<vmem>> -> memref<128x48xf32, #tpu.memory_space<vmem>>
          %dma_start3A_235 = arith.constant 0 : i32
          %dma_start3A_236 = tpu.memref_slice %arg6[%add3A_229, %dma_start3A_235] : memref<144x128xi32, #tpu.memory_space<vmem>> -> memref<1x128xi32, #tpu.memory_space<vmem>>
          %dma_start3A_237 = tpu.memref_squeeze %dma_start3A_236 : memref<1x128xi32, #tpu.memory_space<vmem>> -> memref<128xi32, #tpu.memory_space<vmem>>
          %dma_start3A_238 = arith.constant 0 : i32
          %dma_start3A_239 = arith.constant 0 : i32
          %dma_start3A_240 = tpu.memref_slice %arg2[%dma_start3A_238, %dma_start3A_239] : memref<10240x48xf32, #tpu.memory_space<hbm>> -> memref<10240x48xf32, #tpu.memory_space<hbm>>
          tpu.enqueue_indirect_dma source(%dma_start3A_240 : memref<10240x48xf32, #tpu.memory_space<hbm>>) target(%dma_start3A_234 : memref<128x48xf32, #tpu.memory_space<vmem>>) offsets(%dma_start3A_237 : memref<128xi32, #tpu.memory_space<vmem>>) semaphore(%arg10 : memref<!tpu.dma_semaphore, #tpu.memory_space<semaphore_mem>>)
        } else {
        }
        %add3A_193 = arith.constant 3 : i32
        %add3A_194 = arith.addi %add3A_100, %add3A_193 : i32
        %dma_wait3A_195 = arith.constant 3 : i32
        %dma_wait3A_196 = arith.constant 0 : i32
        %dma_wait3A_197 = arith.constant 0 : i32
        %dma_wait3A_198 = tpu.memref_slice %arg8[%dma_wait3A_195, %dma_wait3A_196, %dma_wait3A_197] : memref<4x128x48xf32, #tpu.memory_space<vmem>> -> memref<1x128x48xf32, #tpu.memory_space<vmem>>
        %dma_wait3A_199 = tpu.memref_squeeze %dma_wait3A_198 : memref<1x128x48xf32, #tpu.memory_space<vmem>> -> memref<128x48xf32, #tpu.memory_space<vmem>>
        %dma_wait3A_200 = arith.constant 0 : i32
        %dma_wait3A_201 = tpu.memref_slice %arg6[%add3A_194, %dma_wait3A_200] : memref<144x128xi32, #tpu.memory_space<vmem>> -> memref<1x128xi32, #tpu.memory_space<vmem>>
        %dma_wait3A_202 = tpu.memref_squeeze %dma_wait3A_201 : memref<1x128xi32, #tpu.memory_space<vmem>> -> memref<128xi32, #tpu.memory_space<vmem>>
        %dma_wait3A_203 = arith.constant 0 : i32
        %dma_wait3A_204 = arith.constant 0 : i32
        %dma_wait3A_205 = tpu.memref_slice %arg2[%dma_wait3A_203, %dma_wait3A_204] : memref<10240x48xf32, #tpu.memory_space<hbm>> -> memref<10240x48xf32, #tpu.memory_space<hbm>>
        tpu.wait_indirect_dma semaphore(%arg13 : memref<!tpu.dma_semaphore, #tpu.memory_space<semaphore_mem>>) src(%dma_wait3A_205 : memref<10240x48xf32, #tpu.memory_space<hbm>>) dst(%dma_wait3A_199 : memref<128x48xf32, #tpu.memory_space<vmem>>)
        %dma_start3A_206 = arith.constant 3 : i32
        %dma_start3A_207 = arith.constant 0 : i32
        %dma_start3A_208 = arith.constant 0 : i32
        %dma_start3A_209 = tpu.memref_slice %arg8[%dma_start3A_206, %dma_start3A_207, %dma_start3A_208] : memref<4x128x48xf32, #tpu.memory_space<vmem>> -> memref<1x128x48xf32, #tpu.memory_space<vmem>>
        %dma_start3A_210 = tpu.memref_squeeze %dma_start3A_209 : memref<1x128x48xf32, #tpu.memory_space<vmem>> -> memref<128x48xf32, #tpu.memory_space<vmem>>
        %dma_start3A_211 = arith.constant 0 : i32
        %dma_start3A_212 = tpu.memref_slice %arg7[%add3A_194, %dma_start3A_211] : memref<144x128xi32, #tpu.memory_space<vmem>> -> memref<1x128xi32, #tpu.memory_space<vmem>>
        %dma_start3A_213 = tpu.memref_squeeze %dma_start3A_212 : memref<1x128xi32, #tpu.memory_space<vmem>> -> memref<128xi32, #tpu.memory_space<vmem>>
        %dma_start3A_214 = arith.constant 0 : i32
        %dma_start3A_215 = arith.constant 0 : i32
        %dma_start3A_216 = tpu.memref_slice %arg9[%dma_start3A_214, %dma_start3A_215] : memref<10240x48xf32, #tpu.memory_space<vmem_shared>> -> memref<10240x48xf32, #tpu.memory_space<vmem_shared>>
        tpu.enqueue_indirect_dma source(%dma_start3A_210 : memref<128x48xf32, #tpu.memory_space<vmem>>) target(%dma_start3A_216 : memref<10240x48xf32, #tpu.memory_space<vmem_shared>>) offsets(%dma_start3A_213 : memref<128xi32, #tpu.memory_space<vmem>>) semaphore(%arg17 : memref<!tpu.dma_semaphore, #tpu.memory_space<semaphore_mem>>) {add = true}
        %add3A_217 = arith.constant 2 : i32
        %add3A_218 = arith.addi %add3A_194, %add3A_217 : i32
        %lt3A_219 = arith.constant 144 : i32
        %lt3A_220 = arith.cmpi slt, %add3A_218, %lt3A_219 : i32
        %convert_element_type3A_221 = arith.extui %lt3A_220 : i1 to i32
        %cond3A_222 = arith.constant 0 : i32
        %cond3A_223 = arith.cmpi ne, %convert_element_type3A_221, %cond3A_222 : i32
        scf.if %cond3A_223 {
          %ge3A = arith.constant 2 : i32
          %ge3A_224 = arith.cmpi sge, %add3A_194, %ge3A : i32
          %convert_element_type3A_225 = arith.extui %ge3A_224 : i1 to i32
          %cond3A_226 = arith.constant 0 : i32
          %cond3A_227 = arith.cmpi ne, %convert_element_type3A_225, %cond3A_226 : i32
          scf.if %cond3A_227 {
            %sub3A = arith.constant 2 : i32
            %sub3A_241 = arith.subi %add3A_194, %sub3A : i32
            %dma_wait3A_242 = arith.constant 1 : i32
            %dma_wait3A_243 = arith.constant 0 : i32
            %dma_wait3A_244 = arith.constant 0 : i32
            %dma_wait3A_245 = tpu.memref_slice %arg8[%dma_wait3A_242, %dma_wait3A_243, %dma_wait3A_244] : memref<4x128x48xf32, #tpu.memory_space<vmem>> -> memref<1x128x48xf32, #tpu.memory_space<vmem>>
            %dma_wait3A_246 = tpu.memref_squeeze %dma_wait3A_245 : memref<1x128x48xf32, #tpu.memory_space<vmem>> -> memref<128x48xf32, #tpu.memory_space<vmem>>
            %dma_wait3A_247 = arith.constant 0 : i32
            %dma_wait3A_248 = tpu.memref_slice %arg7[%sub3A_241, %dma_wait3A_247] : memref<144x128xi32, #tpu.memory_space<vmem>> -> memref<1x128xi32, #tpu.memory_space<vmem>>
            %dma_wait3A_249 = tpu.memref_squeeze %dma_wait3A_248 : memref<1x128xi32, #tpu.memory_space<vmem>> -> memref<128xi32, #tpu.memory_space<vmem>>
            %dma_wait3A_250 = arith.constant 0 : i32
            %dma_wait3A_251 = arith.constant 0 : i32
            %dma_wait3A_252 = tpu.memref_slice %arg9[%dma_wait3A_250, %dma_wait3A_251] : memref<10240x48xf32, #tpu.memory_space<vmem_shared>> -> memref<10240x48xf32, #tpu.memory_space<vmem_shared>>
            tpu.wait_indirect_dma semaphore(%arg15 : memref<!tpu.dma_semaphore, #tpu.memory_space<semaphore_mem>>) src(%dma_wait3A_246 : memref<128x48xf32, #tpu.memory_space<vmem>>) dst(%dma_wait3A_252 : memref<10240x48xf32, #tpu.memory_space<vmem_shared>>)
          } else {
          }
          %add3A_228 = arith.constant 2 : i32
          %add3A_229 = arith.addi %add3A_194, %add3A_228 : i32
          %dma_start3A_230 = arith.constant 1 : i32
          %dma_start3A_231 = arith.constant 0 : i32
          %dma_start3A_232 = arith.constant 0 : i32
          %dma_start3A_233 = tpu.memref_slice %arg8[%dma_start3A_230, %dma_start3A_231, %dma_start3A_232] : memref<4x128x48xf32, #tpu.memory_space<vmem>> -> memref<1x128x48xf32, #tpu.memory_space<vmem>>
          %dma_start3A_234 = tpu.memref_squeeze %dma_start3A_233 : memref<1x128x48xf32, #tpu.memory_space<vmem>> -> memref<128x48xf32, #tpu.memory_space<vmem>>
          %dma_start3A_235 = arith.constant 0 : i32
          %dma_start3A_236 = tpu.memref_slice %arg6[%add3A_229, %dma_start3A_235] : memref<144x128xi32, #tpu.memory_space<vmem>> -> memref<1x128xi32, #tpu.memory_space<vmem>>
          %dma_start3A_237 = tpu.memref_squeeze %dma_start3A_236 : memref<1x128xi32, #tpu.memory_space<vmem>> -> memref<128xi32, #tpu.memory_space<vmem>>
          %dma_start3A_238 = arith.constant 0 : i32
          %dma_start3A_239 = arith.constant 0 : i32
          %dma_start3A_240 = tpu.memref_slice %arg2[%dma_start3A_238, %dma_start3A_239] : memref<10240x48xf32, #tpu.memory_space<hbm>> -> memref<10240x48xf32, #tpu.memory_space<hbm>>
          tpu.enqueue_indirect_dma source(%dma_start3A_240 : memref<10240x48xf32, #tpu.memory_space<hbm>>) target(%dma_start3A_234 : memref<128x48xf32, #tpu.memory_space<vmem>>) offsets(%dma_start3A_237 : memref<128xi32, #tpu.memory_space<vmem>>) semaphore(%arg11 : memref<!tpu.dma_semaphore, #tpu.memory_space<semaphore_mem>>)
        } else {
        }
      }
      %scan3A_49 = arith.constant 36 : i32
      %dma_wait3A = arith.constant 0 : i32
      %dma_wait3A_50 = arith.constant 140 : i32
      %dma_wait3A_51 = arith.constant 0 : i32
      %dma_wait3A_52 = arith.constant 0 : i32
      %dma_wait3A_53 = tpu.memref_slice %arg8[%dma_wait3A, %dma_wait3A_51, %dma_wait3A_52] : memref<4x128x48xf32, #tpu.memory_space<vmem>> -> memref<1x128x48xf32, #tpu.memory_space<vmem>>
      %dma_wait3A_54 = tpu.memref_squeeze %dma_wait3A_53 : memref<1x128x48xf32, #tpu.memory_space<vmem>> -> memref<128x48xf32, #tpu.memory_space<vmem>>
      %dma_wait3A_55 = arith.constant 0 : i32
      %dma_wait3A_56 = tpu.memref_slice %arg7[%dma_wait3A_50, %dma_wait3A_55] : memref<144x128xi32, #tpu.memory_space<vmem>> -> memref<1x128xi32, #tpu.memory_space<vmem>>
      %dma_wait3A_57 = tpu.memref_squeeze %dma_wait3A_56 : memref<1x128xi32, #tpu.memory_space<vmem>> -> memref<128xi32, #tpu.memory_space<vmem>>
      %dma_wait3A_58 = arith.constant 0 : i32
      %dma_wait3A_59 = arith.constant 0 : i32
      %dma_wait3A_60 = tpu.memref_slice %arg9[%dma_wait3A_58, %dma_wait3A_59] : memref<10240x48xf32, #tpu.memory_space<vmem_shared>> -> memref<10240x48xf32, #tpu.memory_space<vmem_shared>>
      tpu.wait_indirect_dma semaphore(%arg14 : memref<!tpu.dma_semaphore, #tpu.memory_space<semaphore_mem>>) src(%dma_wait3A_54 : memref<128x48xf32, #tpu.memory_space<vmem>>) dst(%dma_wait3A_60 : memref<10240x48xf32, #tpu.memory_space<vmem_shared>>)
      %dma_wait3A_61 = arith.constant 1 : i32
      %dma_wait3A_62 = arith.constant 141 : i32
      %dma_wait3A_63 = arith.constant 0 : i32
      %dma_wait3A_64 = arith.constant 0 : i32
      %dma_wait3A_65 = tpu.memref_slice %arg8[%dma_wait3A_61, %dma_wait3A_63, %dma_wait3A_64] : memref<4x128x48xf32, #tpu.memory_space<vmem>> -> memref<1x128x48xf32, #tpu.memory_space<vmem>>
      %dma_wait3A_66 = tpu.memref_squeeze %dma_wait3A_65 : memref<1x128x48xf32, #tpu.memory_space<vmem>> -> memref<128x48xf32, #tpu.memory_space<vmem>>
      %dma_wait3A_67 = arith.constant 0 : i32
      %dma_wait3A_68 = tpu.memref_slice %arg7[%dma_wait3A_62, %dma_wait3A_67] : memref<144x128xi32, #tpu.memory_space<vmem>> -> memref<1x128xi32, #tpu.memory_space<vmem>>
      %dma_wait3A_69 = tpu.memref_squeeze %dma_wait3A_68 : memref<1x128xi32, #tpu.memory_space<vmem>> -> memref<128xi32, #tpu.memory_space<vmem>>
      %dma_wait3A_70 = arith.constant 0 : i32
      %dma_wait3A_71 = arith.constant 0 : i32
      %dma_wait3A_72 = tpu.memref_slice %arg9[%dma_wait3A_70, %dma_wait3A_71] : memref<10240x48xf32, #tpu.memory_space<vmem_shared>> -> memref<10240x48xf32, #tpu.memory_space<vmem_shared>>
      tpu.wait_indirect_dma semaphore(%arg15 : memref<!tpu.dma_semaphore, #tpu.memory_space<semaphore_mem>>) src(%dma_wait3A_66 : memref<128x48xf32, #tpu.memory_space<vmem>>) dst(%dma_wait3A_72 : memref<10240x48xf32, #tpu.memory_space<vmem_shared>>)
      %dma_wait3A_73 = arith.constant 2 : i32
      %dma_wait3A_74 = arith.constant 142 : i32
      %dma_wait3A_75 = arith.constant 0 : i32
      %dma_wait3A_76 = arith.constant 0 : i32
      %dma_wait3A_77 = tpu.memref_slice %arg8[%dma_wait3A_73, %dma_wait3A_75, %dma_wait3A_76] : memref<4x128x48xf32, #tpu.memory_space<vmem>> -> memref<1x128x48xf32, #tpu.memory_space<vmem>>
      %dma_wait3A_78 = tpu.memref_squeeze %dma_wait3A_77 : memref<1x128x48xf32, #tpu.memory_space<vmem>> -> memref<128x48xf32, #tpu.memory_space<vmem>>
      %dma_wait3A_79 = arith.constant 0 : i32
      %dma_wait3A_80 = tpu.memref_slice %arg7[%dma_wait3A_74, %dma_wait3A_79] : memref<144x128xi32, #tpu.memory_space<vmem>> -> memref<1x128xi32, #tpu.memory_space<vmem>>
      %dma_wait3A_81 = tpu.memref_squeeze %dma_wait3A_80 : memref<1x128xi32, #tpu.memory_space<vmem>> -> memref<128xi32, #tpu.memory_space<vmem>>
      %dma_wait3A_82 = arith.constant 0 : i32
      %dma_wait3A_83 = arith.constant 0 : i32
      %dma_wait3A_84 = tpu.memref_slice %arg9[%dma_wait3A_82, %dma_wait3A_83] : memref<10240x48xf32, #tpu.memory_space<vmem_shared>> -> memref<10240x48xf32, #tpu.memory_space<vmem_shared>>
      tpu.wait_indirect_dma semaphore(%arg16 : memref<!tpu.dma_semaphore, #tpu.memory_space<semaphore_mem>>) src(%dma_wait3A_78 : memref<128x48xf32, #tpu.memory_space<vmem>>) dst(%dma_wait3A_84 : memref<10240x48xf32, #tpu.memory_space<vmem_shared>>)
      %dma_wait3A_85 = arith.constant 3 : i32
      %dma_wait3A_86 = arith.constant 143 : i32
      %dma_wait3A_87 = arith.constant 0 : i32
      %dma_wait3A_88 = arith.constant 0 : i32
      %dma_wait3A_89 = tpu.memref_slice %arg8[%dma_wait3A_85, %dma_wait3A_87, %dma_wait3A_88] : memref<4x128x48xf32, #tpu.memory_space<vmem>> -> memref<1x128x48xf32, #tpu.memory_space<vmem>>
      %dma_wait3A_90 = tpu.memref_squeeze %dma_wait3A_89 : memref<1x128x48xf32, #tpu.memory_space<vmem>> -> memref<128x48xf32, #tpu.memory_space<vmem>>
      %dma_wait3A_91 = arith.constant 0 : i32
      %dma_wait3A_92 = tpu.memref_slice %arg7[%dma_wait3A_86, %dma_wait3A_91] : memref<144x128xi32, #tpu.memory_space<vmem>> -> memref<1x128xi32, #tpu.memory_space<vmem>>
      %dma_wait3A_93 = tpu.memref_squeeze %dma_wait3A_92 : memref<1x128xi32, #tpu.memory_space<vmem>> -> memref<128xi32, #tpu.memory_space<vmem>>
      %dma_wait3A_94 = arith.constant 0 : i32
      %dma_wait3A_95 = arith.constant 0 : i32
      %dma_wait3A_96 = tpu.memref_slice %arg9[%dma_wait3A_94, %dma_wait3A_95] : memref<10240x48xf32, #tpu.memory_space<vmem_shared>> -> memref<10240x48xf32, #tpu.memory_space<vmem_shared>>
      tpu.wait_indirect_dma semaphore(%arg17 : memref<!tpu.dma_semaphore, #tpu.memory_space<semaphore_mem>>) src(%dma_wait3A_90 : memref<128x48xf32, #tpu.memory_space<vmem>>) dst(%dma_wait3A_96 : memref<10240x48xf32, #tpu.memory_space<vmem_shared>>)
    } else {
    }
    %eq3A_12 = arith.constant 1 : i32
    %eq3A_13 = arith.cmpi eq, %arg0, %eq3A_12 : i32
    %convert_element_type3A_14 = arith.extui %eq3A_13 : i1 to i32
    %cond3A_15 = arith.constant 0 : i32
    %cond3A_16 = arith.cmpi ne, %convert_element_type3A_14, %cond3A_15 : i32
    scf.if %cond3A_16 {
      %mul3A_17 = arith.constant 16 : i32
      %mul3A_18 = arith.muli %arg1, %mul3A_17 : i32
      %add3A = arith.constant 2304 : i32
      %add3A_19 = arith.addi %add3A, %mul3A_18 : i32
      "tpu.region"() ({
        %run_scoped3A = tpu.sem_alloc : memref<!tpu.dma_semaphore, #tpu.memory_space<semaphore_mem>>
        %dma_start3A_100 = arith.constant 0 : i32
        %dma_start3A_101 = arith.constant 0 : i32
        %dma_start3A_102 = tpu.memref_slice %arg6[%dma_start3A_100, %dma_start3A_101] : memref<144x128xi32, #tpu.memory_space<vmem>> -> memref<16x128xi32, #tpu.memory_space<vmem>>
        %dma_start3A_103 = arith.constant 0 : i32
        %dma_start3A_104 = tpu.memref_slice %arg3[%add3A_19, %dma_start3A_103] : memref<2560x128xi32, #tpu.memory_space<hbm>> -> memref<16x128xi32, #tpu.memory_space<hbm>>
        %dma_start3A_105 = arith.constant 0 : i32
        %dma_start3A_106 = arith.constant 0 : i32
        %dma_start3A_107 = tpu.memref_slice %arg6[%dma_start3A_105, %dma_start3A_106] : memref<144x128xi32, #tpu.memory_space<vmem>> -> memref<16x128xi32, #tpu.memory_space<vmem>>
        %dma_start3A_108 = arith.constant 0 : i32
        %dma_start3A_109 = tpu.memref_slice %arg3[%add3A_19, %dma_start3A_108] : memref<2560x128xi32, #tpu.memory_space<hbm>> -> memref<16x128xi32, #tpu.memory_space<hbm>>
        tpu.enqueue_dma source(%dma_start3A_109 : memref<16x128xi32, #tpu.memory_space<hbm>>) target(%dma_start3A_107 : memref<16x128xi32, #tpu.memory_space<vmem>>) target_semaphore(%run_scoped3A : memref<!tpu.dma_semaphore, #tpu.memory_space<semaphore_mem>>)
        %dma_wait3A_110 = arith.constant 0 : i32
        %dma_wait3A_111 = arith.constant 0 : i32
        %dma_wait3A_112 = tpu.memref_slice %arg6[%dma_wait3A_110, %dma_wait3A_111] : memref<144x128xi32, #tpu.memory_space<vmem>> -> memref<16x128xi32, #tpu.memory_space<vmem>>
        %dma_wait3A_113 = arith.constant 0 : i32
        %dma_wait3A_114 = tpu.memref_slice %arg3[%add3A_19, %dma_wait3A_113] : memref<2560x128xi32, #tpu.memory_space<hbm>> -> memref<16x128xi32, #tpu.memory_space<hbm>>
        %dma_wait3A_115 = arith.constant 0 : i32
        %dma_wait3A_116 = arith.constant 0 : i32
        %dma_wait3A_117 = tpu.memref_slice %arg6[%dma_wait3A_115, %dma_wait3A_116] : memref<144x128xi32, #tpu.memory_space<vmem>> -> memref<16x128xi32, #tpu.memory_space<vmem>>
        %dma_wait3A_118 = arith.constant 0 : i32
        %dma_wait3A_119 = tpu.memref_slice %arg3[%add3A_19, %dma_wait3A_118] : memref<2560x128xi32, #tpu.memory_space<hbm>> -> memref<16x128xi32, #tpu.memory_space<hbm>>
        tpu.wait_dma2 semaphore(%run_scoped3A : memref<!tpu.dma_semaphore, #tpu.memory_space<semaphore_mem>>) src(%dma_wait3A_119 : memref<16x128xi32, #tpu.memory_space<hbm>>) dst(%dma_wait3A_117 : memref<16x128xi32, #tpu.memory_space<vmem>>)
        tpu.yield
      }) : () -> ()
      %mul3A_20 = arith.constant 16 : i32
      %mul3A_21 = arith.muli %arg1, %mul3A_20 : i32
      %add3A_22 = arith.constant 2304 : i32
      %add3A_23 = arith.addi %add3A_22, %mul3A_21 : i32
      "tpu.region"() ({
        %run_scoped3A = tpu.sem_alloc : memref<!tpu.dma_semaphore, #tpu.memory_space<semaphore_mem>>
        %dma_start3A_100 = arith.constant 0 : i32
        %dma_start3A_101 = arith.constant 0 : i32
        %dma_start3A_102 = tpu.memref_slice %arg7[%dma_start3A_100, %dma_start3A_101] : memref<144x128xi32, #tpu.memory_space<vmem>> -> memref<16x128xi32, #tpu.memory_space<vmem>>
        %dma_start3A_103 = arith.constant 0 : i32
        %dma_start3A_104 = tpu.memref_slice %arg4[%add3A_23, %dma_start3A_103] : memref<2560x128xi32, #tpu.memory_space<hbm>> -> memref<16x128xi32, #tpu.memory_space<hbm>>
        %dma_start3A_105 = arith.constant 0 : i32
        %dma_start3A_106 = arith.constant 0 : i32
        %dma_start3A_107 = tpu.memref_slice %arg7[%dma_start3A_105, %dma_start3A_106] : memref<144x128xi32, #tpu.memory_space<vmem>> -> memref<16x128xi32, #tpu.memory_space<vmem>>
        %dma_start3A_108 = arith.constant 0 : i32
        %dma_start3A_109 = tpu.memref_slice %arg4[%add3A_23, %dma_start3A_108] : memref<2560x128xi32, #tpu.memory_space<hbm>> -> memref<16x128xi32, #tpu.memory_space<hbm>>
        tpu.enqueue_dma source(%dma_start3A_109 : memref<16x128xi32, #tpu.memory_space<hbm>>) target(%dma_start3A_107 : memref<16x128xi32, #tpu.memory_space<vmem>>) target_semaphore(%run_scoped3A : memref<!tpu.dma_semaphore, #tpu.memory_space<semaphore_mem>>)
        %dma_wait3A_110 = arith.constant 0 : i32
        %dma_wait3A_111 = arith.constant 0 : i32
        %dma_wait3A_112 = tpu.memref_slice %arg7[%dma_wait3A_110, %dma_wait3A_111] : memref<144x128xi32, #tpu.memory_space<vmem>> -> memref<16x128xi32, #tpu.memory_space<vmem>>
        %dma_wait3A_113 = arith.constant 0 : i32
        %dma_wait3A_114 = tpu.memref_slice %arg4[%add3A_23, %dma_wait3A_113] : memref<2560x128xi32, #tpu.memory_space<hbm>> -> memref<16x128xi32, #tpu.memory_space<hbm>>
        %dma_wait3A_115 = arith.constant 0 : i32
        %dma_wait3A_116 = arith.constant 0 : i32
        %dma_wait3A_117 = tpu.memref_slice %arg7[%dma_wait3A_115, %dma_wait3A_116] : memref<144x128xi32, #tpu.memory_space<vmem>> -> memref<16x128xi32, #tpu.memory_space<vmem>>
        %dma_wait3A_118 = arith.constant 0 : i32
        %dma_wait3A_119 = tpu.memref_slice %arg4[%add3A_23, %dma_wait3A_118] : memref<2560x128xi32, #tpu.memory_space<hbm>> -> memref<16x128xi32, #tpu.memory_space<hbm>>
        tpu.wait_dma2 semaphore(%run_scoped3A : memref<!tpu.dma_semaphore, #tpu.memory_space<semaphore_mem>>) src(%dma_wait3A_119 : memref<16x128xi32, #tpu.memory_space<hbm>>) dst(%dma_wait3A_117 : memref<16x128xi32, #tpu.memory_space<vmem>>)
        tpu.yield
      }) : () -> ()
      %barrier3A_24 = arith.constant 0 : index
      tpu.barrier barrier_id(%barrier3A_24)
      %dma_start3A = arith.constant 0 : i32
      %dma_start3A_25 = arith.constant 0 : i32
      %dma_start3A_26 = arith.constant 0 : i32
      %dma_start3A_27 = arith.constant 0 : i32
      %dma_start3A_28 = tpu.memref_slice %arg8[%dma_start3A_25, %dma_start3A_26, %dma_start3A_27] : memref<4x128x48xf32, #tpu.memory_space<vmem>> -> memref<1x128x48xf32, #tpu.memory_space<vmem>>
      %dma_start3A_29 = tpu.memref_squeeze %dma_start3A_28 : memref<1x128x48xf32, #tpu.memory_space<vmem>> -> memref<128x48xf32, #tpu.memory_space<vmem>>
      %dma_start3A_30 = arith.constant 0 : i32
      %dma_start3A_31 = tpu.memref_slice %arg6[%dma_start3A, %dma_start3A_30] : memref<144x128xi32, #tpu.memory_space<vmem>> -> memref<1x128xi32, #tpu.memory_space<vmem>>
      %dma_start3A_32 = tpu.memref_squeeze %dma_start3A_31 : memref<1x128xi32, #tpu.memory_space<vmem>> -> memref<128xi32, #tpu.memory_space<vmem>>
      %dma_start3A_33 = arith.constant 0 : i32
      %dma_start3A_34 = arith.constant 0 : i32
      %dma_start3A_35 = tpu.memref_slice %arg2[%dma_start3A_33, %dma_start3A_34] : memref<10240x48xf32, #tpu.memory_space<hbm>> -> memref<10240x48xf32, #tpu.memory_space<hbm>>
      tpu.enqueue_indirect_dma source(%dma_start3A_35 : memref<10240x48xf32, #tpu.memory_space<hbm>>) target(%dma_start3A_29 : memref<128x48xf32, #tpu.memory_space<vmem>>) offsets(%dma_start3A_32 : memref<128xi32, #tpu.memory_space<vmem>>) semaphore(%arg10 : memref<!tpu.dma_semaphore, #tpu.memory_space<semaphore_mem>>)
      %dma_start3A_36 = arith.constant 1 : i32
      %dma_start3A_37 = arith.constant 1 : i32
      %dma_start3A_38 = arith.constant 0 : i32
      %dma_start3A_39 = arith.constant 0 : i32
      %dma_start3A_40 = tpu.memref_slice %arg8[%dma_start3A_37, %dma_start3A_38, %dma_start3A_39] : memref<4x128x48xf32, #tpu.memory_space<vmem>> -> memref<1x128x48xf32, #tpu.memory_space<vmem>>
      %dma_start3A_41 = tpu.memref_squeeze %dma_start3A_40 : memref<1x128x48xf32, #tpu.memory_space<vmem>> -> memref<128x48xf32, #tpu.memory_space<vmem>>
      %dma_start3A_42 = arith.constant 0 : i32
      %dma_start3A_43 = tpu.memref_slice %arg6[%dma_start3A_36, %dma_start3A_42] : memref<144x128xi32, #tpu.memory_space<vmem>> -> memref<1x128xi32, #tpu.memory_space<vmem>>
      %dma_start3A_44 = tpu.memref_squeeze %dma_start3A_43 : memref<1x128xi32, #tpu.memory_space<vmem>> -> memref<128xi32, #tpu.memory_space<vmem>>
      %dma_start3A_45 = arith.constant 0 : i32
      %dma_start3A_46 = arith.constant 0 : i32
      %dma_start3A_47 = tpu.memref_slice %arg2[%dma_start3A_45, %dma_start3A_46] : memref<10240x48xf32, #tpu.memory_space<hbm>> -> memref<10240x48xf32, #tpu.memory_space<hbm>>
      tpu.enqueue_indirect_dma source(%dma_start3A_47 : memref<10240x48xf32, #tpu.memory_space<hbm>>) target(%dma_start3A_41 : memref<128x48xf32, #tpu.memory_space<vmem>>) offsets(%dma_start3A_44 : memref<128xi32, #tpu.memory_space<vmem>>) semaphore(%arg11 : memref<!tpu.dma_semaphore, #tpu.memory_space<semaphore_mem>>)
      %scan3A_48 = arith.constant 0 : i32
      %scan3A_49 = arith.constant 4 : i32
      %scan3A_50 = arith.addi %scan3A_48, %scan3A_49 : i32
      %scan3A_51 = arith.constant 1 : i32
      scf.for %scan3A_100 = %scan3A_48 to %scan3A_50 step %scan3A_51  : i32 {
        %mul3A_101 = arith.constant 4 : i32
        %mul3A_102 = arith.muli %scan3A_100, %mul3A_101 : i32
        %add3A_103 = arith.constant 0 : i32
        %add3A_104 = arith.addi %add3A_103, %mul3A_102 : i32
        %add3A_105 = arith.constant 0 : i32
        %add3A_106 = arith.addi %add3A_104, %add3A_105 : i32
        %dma_wait3A_107 = arith.constant 0 : i32
        %dma_wait3A_108 = arith.constant 0 : i32
        %dma_wait3A_109 = arith.constant 0 : i32
        %dma_wait3A_110 = tpu.memref_slice %arg8[%dma_wait3A_107, %dma_wait3A_108, %dma_wait3A_109] : memref<4x128x48xf32, #tpu.memory_space<vmem>> -> memref<1x128x48xf32, #tpu.memory_space<vmem>>
        %dma_wait3A_111 = tpu.memref_squeeze %dma_wait3A_110 : memref<1x128x48xf32, #tpu.memory_space<vmem>> -> memref<128x48xf32, #tpu.memory_space<vmem>>
        %dma_wait3A_112 = arith.constant 0 : i32
        %dma_wait3A_113 = tpu.memref_slice %arg6[%add3A_106, %dma_wait3A_112] : memref<144x128xi32, #tpu.memory_space<vmem>> -> memref<1x128xi32, #tpu.memory_space<vmem>>
        %dma_wait3A_114 = tpu.memref_squeeze %dma_wait3A_113 : memref<1x128xi32, #tpu.memory_space<vmem>> -> memref<128xi32, #tpu.memory_space<vmem>>
        %dma_wait3A_115 = arith.constant 0 : i32
        %dma_wait3A_116 = arith.constant 0 : i32
        %dma_wait3A_117 = tpu.memref_slice %arg2[%dma_wait3A_115, %dma_wait3A_116] : memref<10240x48xf32, #tpu.memory_space<hbm>> -> memref<10240x48xf32, #tpu.memory_space<hbm>>
        tpu.wait_indirect_dma semaphore(%arg10 : memref<!tpu.dma_semaphore, #tpu.memory_space<semaphore_mem>>) src(%dma_wait3A_117 : memref<10240x48xf32, #tpu.memory_space<hbm>>) dst(%dma_wait3A_111 : memref<128x48xf32, #tpu.memory_space<vmem>>)
        %dma_start3A_118 = arith.constant 0 : i32
        %dma_start3A_119 = arith.constant 0 : i32
        %dma_start3A_120 = arith.constant 0 : i32
        %dma_start3A_121 = tpu.memref_slice %arg8[%dma_start3A_118, %dma_start3A_119, %dma_start3A_120] : memref<4x128x48xf32, #tpu.memory_space<vmem>> -> memref<1x128x48xf32, #tpu.memory_space<vmem>>
        %dma_start3A_122 = tpu.memref_squeeze %dma_start3A_121 : memref<1x128x48xf32, #tpu.memory_space<vmem>> -> memref<128x48xf32, #tpu.memory_space<vmem>>
        %dma_start3A_123 = arith.constant 0 : i32
        %dma_start3A_124 = tpu.memref_slice %arg7[%add3A_106, %dma_start3A_123] : memref<144x128xi32, #tpu.memory_space<vmem>> -> memref<1x128xi32, #tpu.memory_space<vmem>>
        %dma_start3A_125 = tpu.memref_squeeze %dma_start3A_124 : memref<1x128xi32, #tpu.memory_space<vmem>> -> memref<128xi32, #tpu.memory_space<vmem>>
        %dma_start3A_126 = arith.constant 0 : i32
        %dma_start3A_127 = arith.constant 0 : i32
        %dma_start3A_128 = tpu.memref_slice %arg9[%dma_start3A_126, %dma_start3A_127] : memref<10240x48xf32, #tpu.memory_space<vmem_shared>> -> memref<10240x48xf32, #tpu.memory_space<vmem_shared>>
        tpu.enqueue_indirect_dma source(%dma_start3A_122 : memref<128x48xf32, #tpu.memory_space<vmem>>) target(%dma_start3A_128 : memref<10240x48xf32, #tpu.memory_space<vmem_shared>>) offsets(%dma_start3A_125 : memref<128xi32, #tpu.memory_space<vmem>>) semaphore(%arg14 : memref<!tpu.dma_semaphore, #tpu.memory_space<semaphore_mem>>) {add = true}
        %add3A_129 = arith.constant 2 : i32
        %add3A_130 = arith.addi %add3A_106, %add3A_129 : i32
        %lt3A = arith.constant 16 : i32
        %lt3A_131 = arith.cmpi slt, %add3A_130, %lt3A : i32
        %convert_element_type3A_132 = arith.extui %lt3A_131 : i1 to i32
        %cond3A_133 = arith.constant 0 : i32
        %cond3A_134 = arith.cmpi ne, %convert_element_type3A_132, %cond3A_133 : i32
        scf.if %cond3A_134 {
          %ge3A = arith.constant 2 : i32
          %ge3A_228 = arith.cmpi sge, %add3A_106, %ge3A : i32
          %convert_element_type3A_229 = arith.extui %ge3A_228 : i1 to i32
          %cond3A_230 = arith.constant 0 : i32
          %cond3A_231 = arith.cmpi ne, %convert_element_type3A_229, %cond3A_230 : i32
          scf.if %cond3A_231 {
            %sub3A = arith.constant 2 : i32
            %sub3A_245 = arith.subi %add3A_106, %sub3A : i32
            %dma_wait3A_246 = arith.constant 2 : i32
            %dma_wait3A_247 = arith.constant 0 : i32
            %dma_wait3A_248 = arith.constant 0 : i32
            %dma_wait3A_249 = tpu.memref_slice %arg8[%dma_wait3A_246, %dma_wait3A_247, %dma_wait3A_248] : memref<4x128x48xf32, #tpu.memory_space<vmem>> -> memref<1x128x48xf32, #tpu.memory_space<vmem>>
            %dma_wait3A_250 = tpu.memref_squeeze %dma_wait3A_249 : memref<1x128x48xf32, #tpu.memory_space<vmem>> -> memref<128x48xf32, #tpu.memory_space<vmem>>
            %dma_wait3A_251 = arith.constant 0 : i32
            %dma_wait3A_252 = tpu.memref_slice %arg7[%sub3A_245, %dma_wait3A_251] : memref<144x128xi32, #tpu.memory_space<vmem>> -> memref<1x128xi32, #tpu.memory_space<vmem>>
            %dma_wait3A_253 = tpu.memref_squeeze %dma_wait3A_252 : memref<1x128xi32, #tpu.memory_space<vmem>> -> memref<128xi32, #tpu.memory_space<vmem>>
            %dma_wait3A_254 = arith.constant 0 : i32
            %dma_wait3A_255 = arith.constant 0 : i32
            %dma_wait3A_256 = tpu.memref_slice %arg9[%dma_wait3A_254, %dma_wait3A_255] : memref<10240x48xf32, #tpu.memory_space<vmem_shared>> -> memref<10240x48xf32, #tpu.memory_space<vmem_shared>>
            tpu.wait_indirect_dma semaphore(%arg16 : memref<!tpu.dma_semaphore, #tpu.memory_space<semaphore_mem>>) src(%dma_wait3A_250 : memref<128x48xf32, #tpu.memory_space<vmem>>) dst(%dma_wait3A_256 : memref<10240x48xf32, #tpu.memory_space<vmem_shared>>)
          } else {
          }
          %add3A_232 = arith.constant 2 : i32
          %add3A_233 = arith.addi %add3A_106, %add3A_232 : i32
          %dma_start3A_234 = arith.constant 2 : i32
          %dma_start3A_235 = arith.constant 0 : i32
          %dma_start3A_236 = arith.constant 0 : i32
          %dma_start3A_237 = tpu.memref_slice %arg8[%dma_start3A_234, %dma_start3A_235, %dma_start3A_236] : memref<4x128x48xf32, #tpu.memory_space<vmem>> -> memref<1x128x48xf32, #tpu.memory_space<vmem>>
          %dma_start3A_238 = tpu.memref_squeeze %dma_start3A_237 : memref<1x128x48xf32, #tpu.memory_space<vmem>> -> memref<128x48xf32, #tpu.memory_space<vmem>>
          %dma_start3A_239 = arith.constant 0 : i32
          %dma_start3A_240 = tpu.memref_slice %arg6[%add3A_233, %dma_start3A_239] : memref<144x128xi32, #tpu.memory_space<vmem>> -> memref<1x128xi32, #tpu.memory_space<vmem>>
          %dma_start3A_241 = tpu.memref_squeeze %dma_start3A_240 : memref<1x128xi32, #tpu.memory_space<vmem>> -> memref<128xi32, #tpu.memory_space<vmem>>
          %dma_start3A_242 = arith.constant 0 : i32
          %dma_start3A_243 = arith.constant 0 : i32
          %dma_start3A_244 = tpu.memref_slice %arg2[%dma_start3A_242, %dma_start3A_243] : memref<10240x48xf32, #tpu.memory_space<hbm>> -> memref<10240x48xf32, #tpu.memory_space<hbm>>
          tpu.enqueue_indirect_dma source(%dma_start3A_244 : memref<10240x48xf32, #tpu.memory_space<hbm>>) target(%dma_start3A_238 : memref<128x48xf32, #tpu.memory_space<vmem>>) offsets(%dma_start3A_241 : memref<128xi32, #tpu.memory_space<vmem>>) semaphore(%arg12 : memref<!tpu.dma_semaphore, #tpu.memory_space<semaphore_mem>>)
        } else {
        }
        %add3A_135 = arith.constant 1 : i32
        %add3A_136 = arith.addi %add3A_104, %add3A_135 : i32
        %dma_wait3A_137 = arith.constant 1 : i32
        %dma_wait3A_138 = arith.constant 0 : i32
        %dma_wait3A_139 = arith.constant 0 : i32
        %dma_wait3A_140 = tpu.memref_slice %arg8[%dma_wait3A_137, %dma_wait3A_138, %dma_wait3A_139] : memref<4x128x48xf32, #tpu.memory_space<vmem>> -> memref<1x128x48xf32, #tpu.memory_space<vmem>>
        %dma_wait3A_141 = tpu.memref_squeeze %dma_wait3A_140 : memref<1x128x48xf32, #tpu.memory_space<vmem>> -> memref<128x48xf32, #tpu.memory_space<vmem>>
        %dma_wait3A_142 = arith.constant 0 : i32
        %dma_wait3A_143 = tpu.memref_slice %arg6[%add3A_136, %dma_wait3A_142] : memref<144x128xi32, #tpu.memory_space<vmem>> -> memref<1x128xi32, #tpu.memory_space<vmem>>
        %dma_wait3A_144 = tpu.memref_squeeze %dma_wait3A_143 : memref<1x128xi32, #tpu.memory_space<vmem>> -> memref<128xi32, #tpu.memory_space<vmem>>
        %dma_wait3A_145 = arith.constant 0 : i32
        %dma_wait3A_146 = arith.constant 0 : i32
        %dma_wait3A_147 = tpu.memref_slice %arg2[%dma_wait3A_145, %dma_wait3A_146] : memref<10240x48xf32, #tpu.memory_space<hbm>> -> memref<10240x48xf32, #tpu.memory_space<hbm>>
        tpu.wait_indirect_dma semaphore(%arg11 : memref<!tpu.dma_semaphore, #tpu.memory_space<semaphore_mem>>) src(%dma_wait3A_147 : memref<10240x48xf32, #tpu.memory_space<hbm>>) dst(%dma_wait3A_141 : memref<128x48xf32, #tpu.memory_space<vmem>>)
        %dma_start3A_148 = arith.constant 1 : i32
        %dma_start3A_149 = arith.constant 0 : i32
        %dma_start3A_150 = arith.constant 0 : i32
        %dma_start3A_151 = tpu.memref_slice %arg8[%dma_start3A_148, %dma_start3A_149, %dma_start3A_150] : memref<4x128x48xf32, #tpu.memory_space<vmem>> -> memref<1x128x48xf32, #tpu.memory_space<vmem>>
        %dma_start3A_152 = tpu.memref_squeeze %dma_start3A_151 : memref<1x128x48xf32, #tpu.memory_space<vmem>> -> memref<128x48xf32, #tpu.memory_space<vmem>>
        %dma_start3A_153 = arith.constant 0 : i32
        %dma_start3A_154 = tpu.memref_slice %arg7[%add3A_136, %dma_start3A_153] : memref<144x128xi32, #tpu.memory_space<vmem>> -> memref<1x128xi32, #tpu.memory_space<vmem>>
        %dma_start3A_155 = tpu.memref_squeeze %dma_start3A_154 : memref<1x128xi32, #tpu.memory_space<vmem>> -> memref<128xi32, #tpu.memory_space<vmem>>
        %dma_start3A_156 = arith.constant 0 : i32
        %dma_start3A_157 = arith.constant 0 : i32
        %dma_start3A_158 = tpu.memref_slice %arg9[%dma_start3A_156, %dma_start3A_157] : memref<10240x48xf32, #tpu.memory_space<vmem_shared>> -> memref<10240x48xf32, #tpu.memory_space<vmem_shared>>
        tpu.enqueue_indirect_dma source(%dma_start3A_152 : memref<128x48xf32, #tpu.memory_space<vmem>>) target(%dma_start3A_158 : memref<10240x48xf32, #tpu.memory_space<vmem_shared>>) offsets(%dma_start3A_155 : memref<128xi32, #tpu.memory_space<vmem>>) semaphore(%arg15 : memref<!tpu.dma_semaphore, #tpu.memory_space<semaphore_mem>>) {add = true}
        %add3A_159 = arith.constant 2 : i32
        %add3A_160 = arith.addi %add3A_136, %add3A_159 : i32
        %lt3A_161 = arith.constant 16 : i32
        %lt3A_162 = arith.cmpi slt, %add3A_160, %lt3A_161 : i32
        %convert_element_type3A_163 = arith.extui %lt3A_162 : i1 to i32
        %cond3A_164 = arith.constant 0 : i32
        %cond3A_165 = arith.cmpi ne, %convert_element_type3A_163, %cond3A_164 : i32
        scf.if %cond3A_165 {
          %ge3A = arith.constant 2 : i32
          %ge3A_228 = arith.cmpi sge, %add3A_136, %ge3A : i32
          %convert_element_type3A_229 = arith.extui %ge3A_228 : i1 to i32
          %cond3A_230 = arith.constant 0 : i32
          %cond3A_231 = arith.cmpi ne, %convert_element_type3A_229, %cond3A_230 : i32
          scf.if %cond3A_231 {
            %sub3A = arith.constant 2 : i32
            %sub3A_245 = arith.subi %add3A_136, %sub3A : i32
            %dma_wait3A_246 = arith.constant 3 : i32
            %dma_wait3A_247 = arith.constant 0 : i32
            %dma_wait3A_248 = arith.constant 0 : i32
            %dma_wait3A_249 = tpu.memref_slice %arg8[%dma_wait3A_246, %dma_wait3A_247, %dma_wait3A_248] : memref<4x128x48xf32, #tpu.memory_space<vmem>> -> memref<1x128x48xf32, #tpu.memory_space<vmem>>
            %dma_wait3A_250 = tpu.memref_squeeze %dma_wait3A_249 : memref<1x128x48xf32, #tpu.memory_space<vmem>> -> memref<128x48xf32, #tpu.memory_space<vmem>>
            %dma_wait3A_251 = arith.constant 0 : i32
            %dma_wait3A_252 = tpu.memref_slice %arg7[%sub3A_245, %dma_wait3A_251] : memref<144x128xi32, #tpu.memory_space<vmem>> -> memref<1x128xi32, #tpu.memory_space<vmem>>
            %dma_wait3A_253 = tpu.memref_squeeze %dma_wait3A_252 : memref<1x128xi32, #tpu.memory_space<vmem>> -> memref<128xi32, #tpu.memory_space<vmem>>
            %dma_wait3A_254 = arith.constant 0 : i32
            %dma_wait3A_255 = arith.constant 0 : i32
            %dma_wait3A_256 = tpu.memref_slice %arg9[%dma_wait3A_254, %dma_wait3A_255] : memref<10240x48xf32, #tpu.memory_space<vmem_shared>> -> memref<10240x48xf32, #tpu.memory_space<vmem_shared>>
            tpu.wait_indirect_dma semaphore(%arg17 : memref<!tpu.dma_semaphore, #tpu.memory_space<semaphore_mem>>) src(%dma_wait3A_250 : memref<128x48xf32, #tpu.memory_space<vmem>>) dst(%dma_wait3A_256 : memref<10240x48xf32, #tpu.memory_space<vmem_shared>>)
          } else {
          }
          %add3A_232 = arith.constant 2 : i32
          %add3A_233 = arith.addi %add3A_136, %add3A_232 : i32
          %dma_start3A_234 = arith.constant 3 : i32
          %dma_start3A_235 = arith.constant 0 : i32
          %dma_start3A_236 = arith.constant 0 : i32
          %dma_start3A_237 = tpu.memref_slice %arg8[%dma_start3A_234, %dma_start3A_235, %dma_start3A_236] : memref<4x128x48xf32, #tpu.memory_space<vmem>> -> memref<1x128x48xf32, #tpu.memory_space<vmem>>
          %dma_start3A_238 = tpu.memref_squeeze %dma_start3A_237 : memref<1x128x48xf32, #tpu.memory_space<vmem>> -> memref<128x48xf32, #tpu.memory_space<vmem>>
          %dma_start3A_239 = arith.constant 0 : i32
          %dma_start3A_240 = tpu.memref_slice %arg6[%add3A_233, %dma_start3A_239] : memref<144x128xi32, #tpu.memory_space<vmem>> -> memref<1x128xi32, #tpu.memory_space<vmem>>
          %dma_start3A_241 = tpu.memref_squeeze %dma_start3A_240 : memref<1x128xi32, #tpu.memory_space<vmem>> -> memref<128xi32, #tpu.memory_space<vmem>>
          %dma_start3A_242 = arith.constant 0 : i32
          %dma_start3A_243 = arith.constant 0 : i32
          %dma_start3A_244 = tpu.memref_slice %arg2[%dma_start3A_242, %dma_start3A_243] : memref<10240x48xf32, #tpu.memory_space<hbm>> -> memref<10240x48xf32, #tpu.memory_space<hbm>>
          tpu.enqueue_indirect_dma source(%dma_start3A_244 : memref<10240x48xf32, #tpu.memory_space<hbm>>) target(%dma_start3A_238 : memref<128x48xf32, #tpu.memory_space<vmem>>) offsets(%dma_start3A_241 : memref<128xi32, #tpu.memory_space<vmem>>) semaphore(%arg13 : memref<!tpu.dma_semaphore, #tpu.memory_space<semaphore_mem>>)
        } else {
        }
        %add3A_166 = arith.constant 2 : i32
        %add3A_167 = arith.addi %add3A_104, %add3A_166 : i32
        %dma_wait3A_168 = arith.constant 2 : i32
        %dma_wait3A_169 = arith.constant 0 : i32
        %dma_wait3A_170 = arith.constant 0 : i32
        %dma_wait3A_171 = tpu.memref_slice %arg8[%dma_wait3A_168, %dma_wait3A_169, %dma_wait3A_170] : memref<4x128x48xf32, #tpu.memory_space<vmem>> -> memref<1x128x48xf32, #tpu.memory_space<vmem>>
        %dma_wait3A_172 = tpu.memref_squeeze %dma_wait3A_171 : memref<1x128x48xf32, #tpu.memory_space<vmem>> -> memref<128x48xf32, #tpu.memory_space<vmem>>
        %dma_wait3A_173 = arith.constant 0 : i32
        %dma_wait3A_174 = tpu.memref_slice %arg6[%add3A_167, %dma_wait3A_173] : memref<144x128xi32, #tpu.memory_space<vmem>> -> memref<1x128xi32, #tpu.memory_space<vmem>>
        %dma_wait3A_175 = tpu.memref_squeeze %dma_wait3A_174 : memref<1x128xi32, #tpu.memory_space<vmem>> -> memref<128xi32, #tpu.memory_space<vmem>>
        %dma_wait3A_176 = arith.constant 0 : i32
        %dma_wait3A_177 = arith.constant 0 : i32
        %dma_wait3A_178 = tpu.memref_slice %arg2[%dma_wait3A_176, %dma_wait3A_177] : memref<10240x48xf32, #tpu.memory_space<hbm>> -> memref<10240x48xf32, #tpu.memory_space<hbm>>
        tpu.wait_indirect_dma semaphore(%arg12 : memref<!tpu.dma_semaphore, #tpu.memory_space<semaphore_mem>>) src(%dma_wait3A_178 : memref<10240x48xf32, #tpu.memory_space<hbm>>) dst(%dma_wait3A_172 : memref<128x48xf32, #tpu.memory_space<vmem>>)
        %dma_start3A_179 = arith.constant 2 : i32
        %dma_start3A_180 = arith.constant 0 : i32
        %dma_start3A_181 = arith.constant 0 : i32
        %dma_start3A_182 = tpu.memref_slice %arg8[%dma_start3A_179, %dma_start3A_180, %dma_start3A_181] : memref<4x128x48xf32, #tpu.memory_space<vmem>> -> memref<1x128x48xf32, #tpu.memory_space<vmem>>
        %dma_start3A_183 = tpu.memref_squeeze %dma_start3A_182 : memref<1x128x48xf32, #tpu.memory_space<vmem>> -> memref<128x48xf32, #tpu.memory_space<vmem>>
        %dma_start3A_184 = arith.constant 0 : i32
        %dma_start3A_185 = tpu.memref_slice %arg7[%add3A_167, %dma_start3A_184] : memref<144x128xi32, #tpu.memory_space<vmem>> -> memref<1x128xi32, #tpu.memory_space<vmem>>
        %dma_start3A_186 = tpu.memref_squeeze %dma_start3A_185 : memref<1x128xi32, #tpu.memory_space<vmem>> -> memref<128xi32, #tpu.memory_space<vmem>>
        %dma_start3A_187 = arith.constant 0 : i32
        %dma_start3A_188 = arith.constant 0 : i32
        %dma_start3A_189 = tpu.memref_slice %arg9[%dma_start3A_187, %dma_start3A_188] : memref<10240x48xf32, #tpu.memory_space<vmem_shared>> -> memref<10240x48xf32, #tpu.memory_space<vmem_shared>>
        tpu.enqueue_indirect_dma source(%dma_start3A_183 : memref<128x48xf32, #tpu.memory_space<vmem>>) target(%dma_start3A_189 : memref<10240x48xf32, #tpu.memory_space<vmem_shared>>) offsets(%dma_start3A_186 : memref<128xi32, #tpu.memory_space<vmem>>) semaphore(%arg16 : memref<!tpu.dma_semaphore, #tpu.memory_space<semaphore_mem>>) {add = true}
        %add3A_190 = arith.constant 2 : i32
        %add3A_191 = arith.addi %add3A_167, %add3A_190 : i32
        %lt3A_192 = arith.constant 16 : i32
        %lt3A_193 = arith.cmpi slt, %add3A_191, %lt3A_192 : i32
        %convert_element_type3A_194 = arith.extui %lt3A_193 : i1 to i32
        %cond3A_195 = arith.constant 0 : i32
        %cond3A_196 = arith.cmpi ne, %convert_element_type3A_194, %cond3A_195 : i32
        scf.if %cond3A_196 {
          %ge3A = arith.constant 2 : i32
          %ge3A_228 = arith.cmpi sge, %add3A_167, %ge3A : i32
          %convert_element_type3A_229 = arith.extui %ge3A_228 : i1 to i32
          %cond3A_230 = arith.constant 0 : i32
          %cond3A_231 = arith.cmpi ne, %convert_element_type3A_229, %cond3A_230 : i32
          scf.if %cond3A_231 {
            %sub3A = arith.constant 2 : i32
            %sub3A_245 = arith.subi %add3A_167, %sub3A : i32
            %dma_wait3A_246 = arith.constant 0 : i32
            %dma_wait3A_247 = arith.constant 0 : i32
            %dma_wait3A_248 = arith.constant 0 : i32
            %dma_wait3A_249 = tpu.memref_slice %arg8[%dma_wait3A_246, %dma_wait3A_247, %dma_wait3A_248] : memref<4x128x48xf32, #tpu.memory_space<vmem>> -> memref<1x128x48xf32, #tpu.memory_space<vmem>>
            %dma_wait3A_250 = tpu.memref_squeeze %dma_wait3A_249 : memref<1x128x48xf32, #tpu.memory_space<vmem>> -> memref<128x48xf32, #tpu.memory_space<vmem>>
            %dma_wait3A_251 = arith.constant 0 : i32
            %dma_wait3A_252 = tpu.memref_slice %arg7[%sub3A_245, %dma_wait3A_251] : memref<144x128xi32, #tpu.memory_space<vmem>> -> memref<1x128xi32, #tpu.memory_space<vmem>>
            %dma_wait3A_253 = tpu.memref_squeeze %dma_wait3A_252 : memref<1x128xi32, #tpu.memory_space<vmem>> -> memref<128xi32, #tpu.memory_space<vmem>>
            %dma_wait3A_254 = arith.constant 0 : i32
            %dma_wait3A_255 = arith.constant 0 : i32
            %dma_wait3A_256 = tpu.memref_slice %arg9[%dma_wait3A_254, %dma_wait3A_255] : memref<10240x48xf32, #tpu.memory_space<vmem_shared>> -> memref<10240x48xf32, #tpu.memory_space<vmem_shared>>
            tpu.wait_indirect_dma semaphore(%arg14 : memref<!tpu.dma_semaphore, #tpu.memory_space<semaphore_mem>>) src(%dma_wait3A_250 : memref<128x48xf32, #tpu.memory_space<vmem>>) dst(%dma_wait3A_256 : memref<10240x48xf32, #tpu.memory_space<vmem_shared>>)
          } else {
          }
          %add3A_232 = arith.constant 2 : i32
          %add3A_233 = arith.addi %add3A_167, %add3A_232 : i32
          %dma_start3A_234 = arith.constant 0 : i32
          %dma_start3A_235 = arith.constant 0 : i32
          %dma_start3A_236 = arith.constant 0 : i32
          %dma_start3A_237 = tpu.memref_slice %arg8[%dma_start3A_234, %dma_start3A_235, %dma_start3A_236] : memref<4x128x48xf32, #tpu.memory_space<vmem>> -> memref<1x128x48xf32, #tpu.memory_space<vmem>>
          %dma_start3A_238 = tpu.memref_squeeze %dma_start3A_237 : memref<1x128x48xf32, #tpu.memory_space<vmem>> -> memref<128x48xf32, #tpu.memory_space<vmem>>
          %dma_start3A_239 = arith.constant 0 : i32
          %dma_start3A_240 = tpu.memref_slice %arg6[%add3A_233, %dma_start3A_239] : memref<144x128xi32, #tpu.memory_space<vmem>> -> memref<1x128xi32, #tpu.memory_space<vmem>>
          %dma_start3A_241 = tpu.memref_squeeze %dma_start3A_240 : memref<1x128xi32, #tpu.memory_space<vmem>> -> memref<128xi32, #tpu.memory_space<vmem>>
          %dma_start3A_242 = arith.constant 0 : i32
          %dma_start3A_243 = arith.constant 0 : i32
          %dma_start3A_244 = tpu.memref_slice %arg2[%dma_start3A_242, %dma_start3A_243] : memref<10240x48xf32, #tpu.memory_space<hbm>> -> memref<10240x48xf32, #tpu.memory_space<hbm>>
          tpu.enqueue_indirect_dma source(%dma_start3A_244 : memref<10240x48xf32, #tpu.memory_space<hbm>>) target(%dma_start3A_238 : memref<128x48xf32, #tpu.memory_space<vmem>>) offsets(%dma_start3A_241 : memref<128xi32, #tpu.memory_space<vmem>>) semaphore(%arg10 : memref<!tpu.dma_semaphore, #tpu.memory_space<semaphore_mem>>)
        } else {
        }
        %add3A_197 = arith.constant 3 : i32
        %add3A_198 = arith.addi %add3A_104, %add3A_197 : i32
        %dma_wait3A_199 = arith.constant 3 : i32
        %dma_wait3A_200 = arith.constant 0 : i32
        %dma_wait3A_201 = arith.constant 0 : i32
        %dma_wait3A_202 = tpu.memref_slice %arg8[%dma_wait3A_199, %dma_wait3A_200, %dma_wait3A_201] : memref<4x128x48xf32, #tpu.memory_space<vmem>> -> memref<1x128x48xf32, #tpu.memory_space<vmem>>
        %dma_wait3A_203 = tpu.memref_squeeze %dma_wait3A_202 : memref<1x128x48xf32, #tpu.memory_space<vmem>> -> memref<128x48xf32, #tpu.memory_space<vmem>>
        %dma_wait3A_204 = arith.constant 0 : i32
        %dma_wait3A_205 = tpu.memref_slice %arg6[%add3A_198, %dma_wait3A_204] : memref<144x128xi32, #tpu.memory_space<vmem>> -> memref<1x128xi32, #tpu.memory_space<vmem>>
        %dma_wait3A_206 = tpu.memref_squeeze %dma_wait3A_205 : memref<1x128xi32, #tpu.memory_space<vmem>> -> memref<128xi32, #tpu.memory_space<vmem>>
        %dma_wait3A_207 = arith.constant 0 : i32
        %dma_wait3A_208 = arith.constant 0 : i32
        %dma_wait3A_209 = tpu.memref_slice %arg2[%dma_wait3A_207, %dma_wait3A_208] : memref<10240x48xf32, #tpu.memory_space<hbm>> -> memref<10240x48xf32, #tpu.memory_space<hbm>>
        tpu.wait_indirect_dma semaphore(%arg13 : memref<!tpu.dma_semaphore, #tpu.memory_space<semaphore_mem>>) src(%dma_wait3A_209 : memref<10240x48xf32, #tpu.memory_space<hbm>>) dst(%dma_wait3A_203 : memref<128x48xf32, #tpu.memory_space<vmem>>)
        %dma_start3A_210 = arith.constant 3 : i32
        %dma_start3A_211 = arith.constant 0 : i32
        %dma_start3A_212 = arith.constant 0 : i32
        %dma_start3A_213 = tpu.memref_slice %arg8[%dma_start3A_210, %dma_start3A_211, %dma_start3A_212] : memref<4x128x48xf32, #tpu.memory_space<vmem>> -> memref<1x128x48xf32, #tpu.memory_space<vmem>>
        %dma_start3A_214 = tpu.memref_squeeze %dma_start3A_213 : memref<1x128x48xf32, #tpu.memory_space<vmem>> -> memref<128x48xf32, #tpu.memory_space<vmem>>
        %dma_start3A_215 = arith.constant 0 : i32
        %dma_start3A_216 = tpu.memref_slice %arg7[%add3A_198, %dma_start3A_215] : memref<144x128xi32, #tpu.memory_space<vmem>> -> memref<1x128xi32, #tpu.memory_space<vmem>>
        %dma_start3A_217 = tpu.memref_squeeze %dma_start3A_216 : memref<1x128xi32, #tpu.memory_space<vmem>> -> memref<128xi32, #tpu.memory_space<vmem>>
        %dma_start3A_218 = arith.constant 0 : i32
        %dma_start3A_219 = arith.constant 0 : i32
        %dma_start3A_220 = tpu.memref_slice %arg9[%dma_start3A_218, %dma_start3A_219] : memref<10240x48xf32, #tpu.memory_space<vmem_shared>> -> memref<10240x48xf32, #tpu.memory_space<vmem_shared>>
        tpu.enqueue_indirect_dma source(%dma_start3A_214 : memref<128x48xf32, #tpu.memory_space<vmem>>) target(%dma_start3A_220 : memref<10240x48xf32, #tpu.memory_space<vmem_shared>>) offsets(%dma_start3A_217 : memref<128xi32, #tpu.memory_space<vmem>>) semaphore(%arg17 : memref<!tpu.dma_semaphore, #tpu.memory_space<semaphore_mem>>) {add = true}
        %add3A_221 = arith.constant 2 : i32
        %add3A_222 = arith.addi %add3A_198, %add3A_221 : i32
        %lt3A_223 = arith.constant 16 : i32
        %lt3A_224 = arith.cmpi slt, %add3A_222, %lt3A_223 : i32
        %convert_element_type3A_225 = arith.extui %lt3A_224 : i1 to i32
        %cond3A_226 = arith.constant 0 : i32
        %cond3A_227 = arith.cmpi ne, %convert_element_type3A_225, %cond3A_226 : i32
        scf.if %cond3A_227 {
          %ge3A = arith.constant 2 : i32
          %ge3A_228 = arith.cmpi sge, %add3A_198, %ge3A : i32
          %convert_element_type3A_229 = arith.extui %ge3A_228 : i1 to i32
          %cond3A_230 = arith.constant 0 : i32
          %cond3A_231 = arith.cmpi ne, %convert_element_type3A_229, %cond3A_230 : i32
          scf.if %cond3A_231 {
            %sub3A = arith.constant 2 : i32
            %sub3A_245 = arith.subi %add3A_198, %sub3A : i32
            %dma_wait3A_246 = arith.constant 1 : i32
            %dma_wait3A_247 = arith.constant 0 : i32
            %dma_wait3A_248 = arith.constant 0 : i32
            %dma_wait3A_249 = tpu.memref_slice %arg8[%dma_wait3A_246, %dma_wait3A_247, %dma_wait3A_248] : memref<4x128x48xf32, #tpu.memory_space<vmem>> -> memref<1x128x48xf32, #tpu.memory_space<vmem>>
            %dma_wait3A_250 = tpu.memref_squeeze %dma_wait3A_249 : memref<1x128x48xf32, #tpu.memory_space<vmem>> -> memref<128x48xf32, #tpu.memory_space<vmem>>
            %dma_wait3A_251 = arith.constant 0 : i32
            %dma_wait3A_252 = tpu.memref_slice %arg7[%sub3A_245, %dma_wait3A_251] : memref<144x128xi32, #tpu.memory_space<vmem>> -> memref<1x128xi32, #tpu.memory_space<vmem>>
            %dma_wait3A_253 = tpu.memref_squeeze %dma_wait3A_252 : memref<1x128xi32, #tpu.memory_space<vmem>> -> memref<128xi32, #tpu.memory_space<vmem>>
            %dma_wait3A_254 = arith.constant 0 : i32
            %dma_wait3A_255 = arith.constant 0 : i32
            %dma_wait3A_256 = tpu.memref_slice %arg9[%dma_wait3A_254, %dma_wait3A_255] : memref<10240x48xf32, #tpu.memory_space<vmem_shared>> -> memref<10240x48xf32, #tpu.memory_space<vmem_shared>>
            tpu.wait_indirect_dma semaphore(%arg15 : memref<!tpu.dma_semaphore, #tpu.memory_space<semaphore_mem>>) src(%dma_wait3A_250 : memref<128x48xf32, #tpu.memory_space<vmem>>) dst(%dma_wait3A_256 : memref<10240x48xf32, #tpu.memory_space<vmem_shared>>)
          } else {
          }
          %add3A_232 = arith.constant 2 : i32
          %add3A_233 = arith.addi %add3A_198, %add3A_232 : i32
          %dma_start3A_234 = arith.constant 1 : i32
          %dma_start3A_235 = arith.constant 0 : i32
          %dma_start3A_236 = arith.constant 0 : i32
          %dma_start3A_237 = tpu.memref_slice %arg8[%dma_start3A_234, %dma_start3A_235, %dma_start3A_236] : memref<4x128x48xf32, #tpu.memory_space<vmem>> -> memref<1x128x48xf32, #tpu.memory_space<vmem>>
          %dma_start3A_238 = tpu.memref_squeeze %dma_start3A_237 : memref<1x128x48xf32, #tpu.memory_space<vmem>> -> memref<128x48xf32, #tpu.memory_space<vmem>>
          %dma_start3A_239 = arith.constant 0 : i32
          %dma_start3A_240 = tpu.memref_slice %arg6[%add3A_233, %dma_start3A_239] : memref<144x128xi32, #tpu.memory_space<vmem>> -> memref<1x128xi32, #tpu.memory_space<vmem>>
          %dma_start3A_241 = tpu.memref_squeeze %dma_start3A_240 : memref<1x128xi32, #tpu.memory_space<vmem>> -> memref<128xi32, #tpu.memory_space<vmem>>
          %dma_start3A_242 = arith.constant 0 : i32
          %dma_start3A_243 = arith.constant 0 : i32
          %dma_start3A_244 = tpu.memref_slice %arg2[%dma_start3A_242, %dma_start3A_243] : memref<10240x48xf32, #tpu.memory_space<hbm>> -> memref<10240x48xf32, #tpu.memory_space<hbm>>
          tpu.enqueue_indirect_dma source(%dma_start3A_244 : memref<10240x48xf32, #tpu.memory_space<hbm>>) target(%dma_start3A_238 : memref<128x48xf32, #tpu.memory_space<vmem>>) offsets(%dma_start3A_241 : memref<128xi32, #tpu.memory_space<vmem>>) semaphore(%arg11 : memref<!tpu.dma_semaphore, #tpu.memory_space<semaphore_mem>>)
        } else {
        }
      }
      %scan3A_52 = arith.constant 4 : i32
      %dma_wait3A = arith.constant 0 : i32
      %dma_wait3A_53 = arith.constant 12 : i32
      %dma_wait3A_54 = arith.constant 0 : i32
      %dma_wait3A_55 = arith.constant 0 : i32
      %dma_wait3A_56 = tpu.memref_slice %arg8[%dma_wait3A, %dma_wait3A_54, %dma_wait3A_55] : memref<4x128x48xf32, #tpu.memory_space<vmem>> -> memref<1x128x48xf32, #tpu.memory_space<vmem>>
      %dma_wait3A_57 = tpu.memref_squeeze %dma_wait3A_56 : memref<1x128x48xf32, #tpu.memory_space<vmem>> -> memref<128x48xf32, #tpu.memory_space<vmem>>
      %dma_wait3A_58 = arith.constant 0 : i32
      %dma_wait3A_59 = tpu.memref_slice %arg7[%dma_wait3A_53, %dma_wait3A_58] : memref<144x128xi32, #tpu.memory_space<vmem>> -> memref<1x128xi32, #tpu.memory_space<vmem>>
      %dma_wait3A_60 = tpu.memref_squeeze %dma_wait3A_59 : memref<1x128xi32, #tpu.memory_space<vmem>> -> memref<128xi32, #tpu.memory_space<vmem>>
      %dma_wait3A_61 = arith.constant 0 : i32
      %dma_wait3A_62 = arith.constant 0 : i32
      %dma_wait3A_63 = tpu.memref_slice %arg9[%dma_wait3A_61, %dma_wait3A_62] : memref<10240x48xf32, #tpu.memory_space<vmem_shared>> -> memref<10240x48xf32, #tpu.memory_space<vmem_shared>>
      tpu.wait_indirect_dma semaphore(%arg14 : memref<!tpu.dma_semaphore, #tpu.memory_space<semaphore_mem>>) src(%dma_wait3A_57 : memref<128x48xf32, #tpu.memory_space<vmem>>) dst(%dma_wait3A_63 : memref<10240x48xf32, #tpu.memory_space<vmem_shared>>)
      %dma_wait3A_64 = arith.constant 1 : i32
      %dma_wait3A_65 = arith.constant 13 : i32
      %dma_wait3A_66 = arith.constant 0 : i32
      %dma_wait3A_67 = arith.constant 0 : i32
      %dma_wait3A_68 = tpu.memref_slice %arg8[%dma_wait3A_64, %dma_wait3A_66, %dma_wait3A_67] : memref<4x128x48xf32, #tpu.memory_space<vmem>> -> memref<1x128x48xf32, #tpu.memory_space<vmem>>
      %dma_wait3A_69 = tpu.memref_squeeze %dma_wait3A_68 : memref<1x128x48xf32, #tpu.memory_space<vmem>> -> memref<128x48xf32, #tpu.memory_space<vmem>>
      %dma_wait3A_70 = arith.constant 0 : i32
      %dma_wait3A_71 = tpu.memref_slice %arg7[%dma_wait3A_65, %dma_wait3A_70] : memref<144x128xi32, #tpu.memory_space<vmem>> -> memref<1x128xi32, #tpu.memory_space<vmem>>
      %dma_wait3A_72 = tpu.memref_squeeze %dma_wait3A_71 : memref<1x128xi32, #tpu.memory_space<vmem>> -> memref<128xi32, #tpu.memory_space<vmem>>
      %dma_wait3A_73 = arith.constant 0 : i32
      %dma_wait3A_74 = arith.constant 0 : i32
      %dma_wait3A_75 = tpu.memref_slice %arg9[%dma_wait3A_73, %dma_wait3A_74] : memref<10240x48xf32, #tpu.memory_space<vmem_shared>> -> memref<10240x48xf32, #tpu.memory_space<vmem_shared>>
      tpu.wait_indirect_dma semaphore(%arg15 : memref<!tpu.dma_semaphore, #tpu.memory_space<semaphore_mem>>) src(%dma_wait3A_69 : memref<128x48xf32, #tpu.memory_space<vmem>>) dst(%dma_wait3A_75 : memref<10240x48xf32, #tpu.memory_space<vmem_shared>>)
      %dma_wait3A_76 = arith.constant 2 : i32
      %dma_wait3A_77 = arith.constant 14 : i32
      %dma_wait3A_78 = arith.constant 0 : i32
      %dma_wait3A_79 = arith.constant 0 : i32
      %dma_wait3A_80 = tpu.memref_slice %arg8[%dma_wait3A_76, %dma_wait3A_78, %dma_wait3A_79] : memref<4x128x48xf32, #tpu.memory_space<vmem>> -> memref<1x128x48xf32, #tpu.memory_space<vmem>>
      %dma_wait3A_81 = tpu.memref_squeeze %dma_wait3A_80 : memref<1x128x48xf32, #tpu.memory_space<vmem>> -> memref<128x48xf32, #tpu.memory_space<vmem>>
      %dma_wait3A_82 = arith.constant 0 : i32
      %dma_wait3A_83 = tpu.memref_slice %arg7[%dma_wait3A_77, %dma_wait3A_82] : memref<144x128xi32, #tpu.memory_space<vmem>> -> memref<1x128xi32, #tpu.memory_space<vmem>>
      %dma_wait3A_84 = tpu.memref_squeeze %dma_wait3A_83 : memref<1x128xi32, #tpu.memory_space<vmem>> -> memref<128xi32, #tpu.memory_space<vmem>>
      %dma_wait3A_85 = arith.constant 0 : i32
      %dma_wait3A_86 = arith.constant 0 : i32
      %dma_wait3A_87 = tpu.memref_slice %arg9[%dma_wait3A_85, %dma_wait3A_86] : memref<10240x48xf32, #tpu.memory_space<vmem_shared>> -> memref<10240x48xf32, #tpu.memory_space<vmem_shared>>
      tpu.wait_indirect_dma semaphore(%arg16 : memref<!tpu.dma_semaphore, #tpu.memory_space<semaphore_mem>>) src(%dma_wait3A_81 : memref<128x48xf32, #tpu.memory_space<vmem>>) dst(%dma_wait3A_87 : memref<10240x48xf32, #tpu.memory_space<vmem_shared>>)
      %dma_wait3A_88 = arith.constant 3 : i32
      %dma_wait3A_89 = arith.constant 15 : i32
      %dma_wait3A_90 = arith.constant 0 : i32
      %dma_wait3A_91 = arith.constant 0 : i32
      %dma_wait3A_92 = tpu.memref_slice %arg8[%dma_wait3A_88, %dma_wait3A_90, %dma_wait3A_91] : memref<4x128x48xf32, #tpu.memory_space<vmem>> -> memref<1x128x48xf32, #tpu.memory_space<vmem>>
      %dma_wait3A_93 = tpu.memref_squeeze %dma_wait3A_92 : memref<1x128x48xf32, #tpu.memory_space<vmem>> -> memref<128x48xf32, #tpu.memory_space<vmem>>
      %dma_wait3A_94 = arith.constant 0 : i32
      %dma_wait3A_95 = tpu.memref_slice %arg7[%dma_wait3A_89, %dma_wait3A_94] : memref<144x128xi32, #tpu.memory_space<vmem>> -> memref<1x128xi32, #tpu.memory_space<vmem>>
      %dma_wait3A_96 = tpu.memref_squeeze %dma_wait3A_95 : memref<1x128xi32, #tpu.memory_space<vmem>> -> memref<128xi32, #tpu.memory_space<vmem>>
      %dma_wait3A_97 = arith.constant 0 : i32
      %dma_wait3A_98 = arith.constant 0 : i32
      %dma_wait3A_99 = tpu.memref_slice %arg9[%dma_wait3A_97, %dma_wait3A_98] : memref<10240x48xf32, #tpu.memory_space<vmem_shared>> -> memref<10240x48xf32, #tpu.memory_space<vmem_shared>>
      tpu.wait_indirect_dma semaphore(%arg17 : memref<!tpu.dma_semaphore, #tpu.memory_space<semaphore_mem>>) src(%dma_wait3A_93 : memref<128x48xf32, #tpu.memory_space<vmem>>) dst(%dma_wait3A_99 : memref<10240x48xf32, #tpu.memory_space<vmem_shared>>)
    } else {
    }
    %barrier3A = arith.constant 0 : index
    tpu.barrier barrier_id(%barrier3A)
    "tpu.region"() ({
      %run_scoped3A = tpu.sem_alloc : memref<!tpu.dma_semaphore, #tpu.memory_space<semaphore_mem>>
      %dma_start3A = arith.constant 0 : i32
      %dma_start3A_17 = tpu.memref_slice %arg5[%arg0, %mul3A_4, %dma_start3A] : memref<2x10240x48xf32, #tpu.memory_space<hbm>> -> memref<1x640x48xf32, #tpu.memory_space<hbm>>
      %dma_start3A_18 = tpu.memref_squeeze %dma_start3A_17 : memref<1x640x48xf32, #tpu.memory_space<hbm>> -> memref<640x48xf32, #tpu.memory_space<hbm>>
      %dma_start3A_19 = arith.constant 0 : i32
      %dma_start3A_20 = tpu.memref_slice %arg9[%mul3A_4, %dma_start3A_19] : memref<10240x48xf32, #tpu.memory_space<vmem_shared>> -> memref<640x48xf32, #tpu.memory_space<vmem_shared>>
      tpu.enqueue_dma source(%dma_start3A_20 : memref<640x48xf32, #tpu.memory_space<vmem_shared>>) target(%dma_start3A_18 : memref<640x48xf32, #tpu.memory_space<hbm>>) target_semaphore(%run_scoped3A : memref<!tpu.dma_semaphore, #tpu.memory_space<semaphore_mem>>)
      %dma_wait3A = arith.constant 0 : i32
      %dma_wait3A_21 = tpu.memref_slice %arg5[%arg0, %mul3A_4, %dma_wait3A] : memref<2x10240x48xf32, #tpu.memory_space<hbm>> -> memref<1x640x48xf32, #tpu.memory_space<hbm>>
      %dma_wait3A_22 = tpu.memref_squeeze %dma_wait3A_21 : memref<1x640x48xf32, #tpu.memory_space<hbm>> -> memref<640x48xf32, #tpu.memory_space<hbm>>
      %dma_wait3A_23 = arith.constant 0 : i32
      %dma_wait3A_24 = tpu.memref_slice %arg9[%mul3A_4, %dma_wait3A_23] : memref<10240x48xf32, #tpu.memory_space<vmem_shared>> -> memref<640x48xf32, #tpu.memory_space<vmem_shared>>
      tpu.wait_dma2 semaphore(%run_scoped3A : memref<!tpu.dma_semaphore, #tpu.memory_space<semaphore_mem>>) src(%dma_wait3A_24 : memref<640x48xf32, #tpu.memory_space<vmem_shared>>) dst(%dma_wait3A_22 : memref<640x48xf32, #tpu.memory_space<hbm>>)
      tpu.yield
    }) : () -> ()
    return
  }
}

#map = affine_map<(d0, d1) -> (0, 0)>
#map1 = affine_map<(d0, d1) -> (0, 0, 0)>
module attributes {stable_mosaic.version = 14 : i64} {
  func.func @k(%arg0: i32, %arg1: i32, %arg2: memref<2560x128xi32, #tpu.memory_space<hbm>>, %arg3: memref<2x10240x16xf32, #tpu.memory_space<hbm>>, %arg4: memref<80x128xi32, #tpu.memory_space<vmem>>, %arg5: memref<128x16xf32, #tpu.memory_space<vmem>>, %arg6: memref<640x16xf32, #tpu.memory_space<vmem>>, %arg7: memref<10240x16xf32, #tpu.memory_space<vmem_shared>>) attributes {dimension_semantics = [#tpu.dimension_semantics<core_parallel>, #tpu.dimension_semantics<subcore_parallel>], iteration_bounds = array<i64: 2, 16>, scalar_prefetch = 0 : i64, scratch_operands = 4 : i64, tpu.core_type = #tpu.core_type<sc_vector_subcore>, window_params = [{transform_indices = #map}, {transform_indices = #map1}]} {
    %mul3A = arith.constant 2 : i32
    %mul3A_0 = arith.muli %arg1, %mul3A : i32
    %add3A = arith.addi %mul3A_0, %arg0 : i32
    %scan3A = arith.constant 0 : i32
    %scan3A_1 = arith.constant 128 : i32
    %scan3A_2 = arith.addi %scan3A, %scan3A_1 : i32
    %scan3A_3 = arith.constant 1 : i32
    scf.for %scan3A_20 = %scan3A to %scan3A_2 step %scan3A_3  : i32 {
      %mul3A_21 = arith.constant 1 : i32
      %mul3A_22 = arith.muli %scan3A_20, %mul3A_21 : i32
      %add3A_23 = arith.constant 0 : i32
      %add3A_24 = arith.addi %add3A_23, %mul3A_22 : i32
      %broadcast_in_dim3A = arith.constant 1.000000e+00 : f32
      %broadcast_in_dim3A_25 = vector.broadcast %broadcast_in_dim3A : f32 to vector<16xf32>
      %swap3A = arith.index_cast %add3A_24 : i32 to index
      %swap3A_26 = arith.constant 0 : index
      %swap3A_27 = tpu.vector_load %arg5[%swap3A, %swap3A_26] {strides = array<i32>} : memref<128x16xf32, #tpu.memory_space<vmem>>, vector<1x16xf32>,
      %swap3A_28 = vector.shape_cast %swap3A_27 : vector<1x16xf32> to vector<16xf32>
      %swap3A_29 = vector.shape_cast %broadcast_in_dim3A_25 : vector<16xf32> to vector<1x16xf32>
      tpu.vector_store %arg5[%swap3A, %swap3A_26], %swap3A_29 {strides = array<i32>} : memref<128x16xf32, #tpu.memory_space<vmem>>, vector<1x16xf32>,
    }
    %scan3A_4 = arith.constant 128 : i32
    %scan3A_5 = arith.constant 0 : i32
    %scan3A_6 = arith.constant 640 : i32
    %scan3A_7 = arith.addi %scan3A_5, %scan3A_6 : i32
    %scan3A_8 = arith.constant 1 : i32
    scf.for %scan3A_20 = %scan3A_5 to %scan3A_7 step %scan3A_8  : i32 {
      %mul3A_21 = arith.constant 1 : i32
      %mul3A_22 = arith.muli %scan3A_20, %mul3A_21 : i32
      %add3A_23 = arith.constant 0 : i32
      %add3A_24 = arith.addi %add3A_23, %mul3A_22 : i32
      %broadcast_in_dim3A = arith.constant 0.000000e+00 : f32
      %broadcast_in_dim3A_25 = vector.broadcast %broadcast_in_dim3A : f32 to vector<16xf32>
      %swap3A = arith.index_cast %add3A_24 : i32 to index
      %swap3A_26 = arith.constant 0 : index
      %swap3A_27 = tpu.vector_load %arg6[%swap3A, %swap3A_26] {strides = array<i32>} : memref<640x16xf32, #tpu.memory_space<vmem>>, vector<1x16xf32>,
      %swap3A_28 = vector.shape_cast %swap3A_27 : vector<1x16xf32> to vector<16xf32>
      %swap3A_29 = vector.shape_cast %broadcast_in_dim3A_25 : vector<16xf32> to vector<1x16xf32>
      tpu.vector_store %arg6[%swap3A, %swap3A_26], %swap3A_29 {strides = array<i32>} : memref<640x16xf32, #tpu.memory_space<vmem>>, vector<1x16xf32>,
    }
    %scan3A_9 = arith.constant 640 : i32
    %mul3A_10 = arith.constant 640 : i32
    %mul3A_11 = arith.muli %arg1, %mul3A_10 : i32
    "tpu.region"() ({
      %run_scoped3A = tpu.sem_alloc : memref<!tpu.dma_semaphore, #tpu.memory_space<semaphore_mem>>
      %dma_start3A = arith.constant 0 : i32
      %dma_start3A_20 = tpu.memref_slice %arg7[%mul3A_11, %dma_start3A] : memref<10240x16xf32, #tpu.memory_space<vmem_shared>> -> memref<640x16xf32, #tpu.memory_space<vmem_shared>>
      %dma_start3A_21 = arith.constant 0 : i32
      %dma_start3A_22 = tpu.memref_slice %arg7[%mul3A_11, %dma_start3A_21] : memref<10240x16xf32, #tpu.memory_space<vmem_shared>> -> memref<640x16xf32, #tpu.memory_space<vmem_shared>>
      tpu.enqueue_dma source(%arg6 : memref<640x16xf32, #tpu.memory_space<vmem>>) target(%dma_start3A_22 : memref<640x16xf32, #tpu.memory_space<vmem_shared>>) target_semaphore(%run_scoped3A : memref<!tpu.dma_semaphore, #tpu.memory_space<semaphore_mem>>)
      %dma_wait3A = arith.constant 0 : i32
      %dma_wait3A_23 = tpu.memref_slice %arg7[%mul3A_11, %dma_wait3A] : memref<10240x16xf32, #tpu.memory_space<vmem_shared>> -> memref<640x16xf32, #tpu.memory_space<vmem_shared>>
      %dma_wait3A_24 = arith.constant 0 : i32
      %dma_wait3A_25 = tpu.memref_slice %arg7[%mul3A_11, %dma_wait3A_24] : memref<10240x16xf32, #tpu.memory_space<vmem_shared>> -> memref<640x16xf32, #tpu.memory_space<vmem_shared>>
      tpu.wait_dma2 semaphore(%run_scoped3A : memref<!tpu.dma_semaphore, #tpu.memory_space<semaphore_mem>>) src(%arg6 : memref<640x16xf32, #tpu.memory_space<vmem>>) dst(%dma_wait3A_25 : memref<640x16xf32, #tpu.memory_space<vmem_shared>>)
      tpu.yield
    }) : () -> ()
    %mul3A_12 = arith.constant 80 : i32
    %mul3A_13 = arith.muli %add3A, %mul3A_12 : i32
    "tpu.region"() ({
      %run_scoped3A = tpu.sem_alloc : memref<!tpu.dma_semaphore, #tpu.memory_space<semaphore_mem>>
      %dma_start3A = arith.constant 0 : i32
      %dma_start3A_20 = tpu.memref_slice %arg2[%mul3A_13, %dma_start3A] : memref<2560x128xi32, #tpu.memory_space<hbm>> -> memref<80x128xi32, #tpu.memory_space<hbm>>
      %dma_start3A_21 = arith.constant 0 : i32
      %dma_start3A_22 = tpu.memref_slice %arg2[%mul3A_13, %dma_start3A_21] : memref<2560x128xi32, #tpu.memory_space<hbm>> -> memref<80x128xi32, #tpu.memory_space<hbm>>
      tpu.enqueue_dma source(%dma_start3A_22 : memref<80x128xi32, #tpu.memory_space<hbm>>) target(%arg4 : memref<80x128xi32, #tpu.memory_space<vmem>>) target_semaphore(%run_scoped3A : memref<!tpu.dma_semaphore, #tpu.memory_space<semaphore_mem>>)
      %dma_wait3A = arith.constant 0 : i32
      %dma_wait3A_23 = tpu.memref_slice %arg2[%mul3A_13, %dma_wait3A] : memref<2560x128xi32, #tpu.memory_space<hbm>> -> memref<80x128xi32, #tpu.memory_space<hbm>>
      %dma_wait3A_24 = arith.constant 0 : i32
      %dma_wait3A_25 = tpu.memref_slice %arg2[%mul3A_13, %dma_wait3A_24] : memref<2560x128xi32, #tpu.memory_space<hbm>> -> memref<80x128xi32, #tpu.memory_space<hbm>>
      tpu.wait_dma2 semaphore(%run_scoped3A : memref<!tpu.dma_semaphore, #tpu.memory_space<semaphore_mem>>) src(%dma_wait3A_25 : memref<80x128xi32, #tpu.memory_space<hbm>>) dst(%arg4 : memref<80x128xi32, #tpu.memory_space<vmem>>)
      tpu.yield
    }) : () -> ()
    %barrier3A = arith.constant 0 : index
    tpu.barrier barrier_id(%barrier3A)
    %scan3A_14 = arith.constant 0 : i32
    %scan3A_15 = arith.constant 80 : i32
    %scan3A_16 = arith.addi %scan3A_14, %scan3A_15 : i32
    %scan3A_17 = arith.constant 1 : i32
    scf.for %scan3A_20 = %scan3A_14 to %scan3A_16 step %scan3A_17  : i32 {
      %mul3A_21 = arith.constant 1 : i32
      %mul3A_22 = arith.muli %scan3A_20, %mul3A_21 : i32
      %add3A_23 = arith.constant 0 : i32
      %add3A_24 = arith.addi %add3A_23, %mul3A_22 : i32
      "tpu.region"() ({
        %run_scoped3A = tpu.sem_alloc : memref<!tpu.dma_semaphore, #tpu.memory_space<semaphore_mem>>
        %dma_start3A = arith.constant 0 : i32
        %dma_start3A_25 = tpu.memref_slice %arg4[%add3A_24, %dma_start3A] : memref<80x128xi32, #tpu.memory_space<vmem>> -> memref<1x128xi32, #tpu.memory_space<vmem>>
        %dma_start3A_26 = tpu.memref_squeeze %dma_start3A_25 : memref<1x128xi32, #tpu.memory_space<vmem>> -> memref<128xi32, #tpu.memory_space<vmem>>
        %dma_start3A_27 = arith.constant 0 : i32
        %dma_start3A_28 = arith.constant 0 : i32
        %dma_start3A_29 = tpu.memref_slice %arg7[%dma_start3A_27, %dma_start3A_28] : memref<10240x16xf32, #tpu.memory_space<vmem_shared>> -> memref<10240x16xf32, #tpu.memory_space<vmem_shared>>
        tpu.enqueue_indirect_dma source(%arg5 : memref<128x16xf32, #tpu.memory_space<vmem>>) target(%dma_start3A_29 : memref<10240x16xf32, #tpu.memory_space<vmem_shared>>) offsets(%dma_start3A_26 : memref<128xi32, #tpu.memory_space<vmem>>) semaphore(%run_scoped3A : memref<!tpu.dma_semaphore, #tpu.memory_space<semaphore_mem>>) {add = true}
        %dma_wait3A = arith.constant 0 : i32
        %dma_wait3A_30 = tpu.memref_slice %arg4[%add3A_24, %dma_wait3A] : memref<80x128xi32, #tpu.memory_space<vmem>> -> memref<1x128xi32, #tpu.memory_space<vmem>>
        %dma_wait3A_31 = tpu.memref_squeeze %dma_wait3A_30 : memref<1x128xi32, #tpu.memory_space<vmem>> -> memref<128xi32, #tpu.memory_space<vmem>>
        %dma_wait3A_32 = arith.constant 0 : i32
        %dma_wait3A_33 = arith.constant 0 : i32
        %dma_wait3A_34 = tpu.memref_slice %arg7[%dma_wait3A_32, %dma_wait3A_33] : memref<10240x16xf32, #tpu.memory_space<vmem_shared>> -> memref<10240x16xf32, #tpu.memory_space<vmem_shared>>
        tpu.wait_indirect_dma semaphore(%run_scoped3A : memref<!tpu.dma_semaphore, #tpu.memory_space<semaphore_mem>>) src(%arg5 : memref<128x16xf32, #tpu.memory_space<vmem>>) dst(%dma_wait3A_34 : memref<10240x16xf32, #tpu.memory_space<vmem_shared>>)
        tpu.yield
      }) : () -> ()
    }
    %scan3A_18 = arith.constant 80 : i32
    %barrier3A_19 = arith.constant 0 : index
    tpu.barrier barrier_id(%barrier3A_19)
    "tpu.region"() ({
      %run_scoped3A = tpu.sem_alloc : memref<!tpu.dma_semaphore, #tpu.memory_space<semaphore_mem>>
      %dma_start3A = arith.constant 0 : i32
      %dma_start3A_20 = tpu.memref_slice %arg3[%arg0, %mul3A_11, %dma_start3A] : memref<2x10240x16xf32, #tpu.memory_space<hbm>> -> memref<1x640x16xf32, #tpu.memory_space<hbm>>
      %dma_start3A_21 = tpu.memref_squeeze %dma_start3A_20 : memref<1x640x16xf32, #tpu.memory_space<hbm>> -> memref<640x16xf32, #tpu.memory_space<hbm>>
      %dma_start3A_22 = arith.constant 0 : i32
      %dma_start3A_23 = tpu.memref_slice %arg7[%mul3A_11, %dma_start3A_22] : memref<10240x16xf32, #tpu.memory_space<vmem_shared>> -> memref<640x16xf32, #tpu.memory_space<vmem_shared>>
      tpu.enqueue_dma source(%dma_start3A_23 : memref<640x16xf32, #tpu.memory_space<vmem_shared>>) target(%dma_start3A_21 : memref<640x16xf32, #tpu.memory_space<hbm>>) target_semaphore(%run_scoped3A : memref<!tpu.dma_semaphore, #tpu.memory_space<semaphore_mem>>)
      %dma_wait3A = arith.constant 0 : i32
      %dma_wait3A_24 = tpu.memref_slice %arg3[%arg0, %mul3A_11, %dma_wait3A] : memref<2x10240x16xf32, #tpu.memory_space<hbm>> -> memref<1x640x16xf32, #tpu.memory_space<hbm>>
      %dma_wait3A_25 = tpu.memref_squeeze %dma_wait3A_24 : memref<1x640x16xf32, #tpu.memory_space<hbm>> -> memref<640x16xf32, #tpu.memory_space<hbm>>
      %dma_wait3A_26 = arith.constant 0 : i32
      %dma_wait3A_27 = tpu.memref_slice %arg7[%mul3A_11, %dma_wait3A_26] : memref<10240x16xf32, #tpu.memory_space<vmem_shared>> -> memref<640x16xf32, #tpu.memory_space<vmem_shared>>
      tpu.wait_dma2 semaphore(%run_scoped3A : memref<!tpu.dma_semaphore, #tpu.memory_space<semaphore_mem>>) src(%dma_wait3A_27 : memref<640x16xf32, #tpu.memory_space<vmem_shared>>) dst(%dma_wait3A_25 : memref<640x16xf32, #tpu.memory_space<hbm>>)
      tpu.yield
    }) : () -> ()
    return
  }
}

#map = affine_map<(d0, d1) -> (0, 0)>
module attributes {stable_mosaic.version = 14 : i64} {
  func.func @k(%arg0: i32, %arg1: i32, %arg2: memref<20480x64xf32, #tpu.memory_space<hbm>>, %arg3: memref<5120x128xi32, #tpu.memory_space<hbm>>, %arg4: memref<2560x128xi32, #tpu.memory_space<hbm>>, %arg5: memref<10240x128xf32, #tpu.memory_space<hbm>>, %arg6: memref<160x128xi32, #tpu.memory_space<vmem>>, %arg7: memref<160x128xi32, #tpu.memory_space<vmem>>, %arg8: memref<4x128x64xf32, #tpu.memory_space<vmem>>, %arg9: memref<10240x64xf32, #tpu.memory_space<vmem_shared>>, %arg10: memref<!tpu.dma_semaphore, #tpu.memory_space<semaphore_mem>>, %arg11: memref<!tpu.dma_semaphore, #tpu.memory_space<semaphore_mem>>, %arg12: memref<!tpu.dma_semaphore, #tpu.memory_space<semaphore_mem>>, %arg13: memref<!tpu.dma_semaphore, #tpu.memory_space<semaphore_mem>>, %arg14: memref<!tpu.dma_semaphore, #tpu.memory_space<semaphore_mem>>, %arg15: memref<!tpu.dma_semaphore, #tpu.memory_space<semaphore_mem>>, %arg16: memref<!tpu.dma_semaphore, #tpu.memory_space<semaphore_mem>>, %arg17: memref<!tpu.dma_semaphore, #tpu.memory_space<semaphore_mem>>) attributes {dimension_semantics = [#tpu.dimension_semantics<core_parallel>, #tpu.dimension_semantics<subcore_parallel>], iteration_bounds = array<i64: 2, 16>, scalar_prefetch = 0 : i64, scratch_operands = 12 : i64, tpu.core_type = #tpu.core_type<sc_vector_subcore>, window_params = [{transform_indices = #map}, {transform_indices = #map}, {transform_indices = #map}, {transform_indices = #map}]} {
    %scan3A = arith.constant 0 : i32
    %scan3A_0 = arith.constant 128 : i32
    %scan3A_1 = arith.addi %scan3A, %scan3A_0 : i32
    %scan3A_2 = arith.constant 1 : i32
    scf.for %scan3A_94 = %scan3A to %scan3A_1 step %scan3A_2  : i32 {
      %mul3A_95 = arith.constant 1 : i32
      %mul3A_96 = arith.muli %scan3A_94, %mul3A_95 : i32
      %add3A_97 = arith.constant 0 : i32
      %add3A_98 = arith.addi %add3A_97, %mul3A_96 : i32
      %scan3A_99 = arith.constant 0 : i32
      %scan3A_100 = arith.constant 4 : i32
      %scan3A_101 = arith.addi %scan3A_99, %scan3A_100 : i32
      %scan3A_102 = arith.constant 1 : i32
      scf.for %scan3A_104 = %scan3A_99 to %scan3A_101 step %scan3A_102  : i32 {
        %mul3A_105 = arith.constant 1 : i32
        %mul3A_106 = arith.muli %scan3A_104, %mul3A_105 : i32
        %add3A_107 = arith.constant 0 : i32
        %add3A_108 = arith.addi %add3A_107, %mul3A_106 : i32
        %broadcast_in_dim3A = arith.constant 0.000000e+00 : f32
        %broadcast_in_dim3A_109 = vector.broadcast %broadcast_in_dim3A : f32 to vector<16xf32>
        %mul3A_110 = arith.constant 16 : i32
        %mul3A_111 = arith.muli %add3A_108, %mul3A_110 : i32
        %swap3A = arith.constant 0 : i32
        %swap3A_112 = arith.index_cast %swap3A : i32 to index
        %swap3A_113 = arith.index_cast %add3A_98 : i32 to index
        %swap3A_114 = arith.index_cast %mul3A_111 : i32 to index
        %swap3A_115 = tpu.vector_load %arg8[%swap3A_112, %swap3A_113, %swap3A_114] {strides = array<i32>} : memref<4x128x64xf32, #tpu.memory_space<vmem>>, vector<1x1x16xf32>,
        %swap3A_116 = vector.shape_cast %swap3A_115 : vector<1x1x16xf32> to vector<16xf32>
        %swap3A_117 = vector.shape_cast %broadcast_in_dim3A_109 : vector<16xf32> to vector<1x1x16xf32>
        tpu.vector_store %arg8[%swap3A_112, %swap3A_113, %swap3A_114], %swap3A_117 {strides = array<i32>} : memref<4x128x64xf32, #tpu.memory_space<vmem>>, vector<1x1x16xf32>,
      }
      %scan3A_103 = arith.constant 4 : i32
    }
    %scan3A_3 = arith.constant 128 : i32
    %mul3A = arith.constant 640 : i32
    %mul3A_4 = arith.muli %arg1, %mul3A : i32
    %scan3A_5 = arith.constant 0 : i32
    %scan3A_6 = arith.constant 5 : i32
    %scan3A_7 = arith.addi %scan3A_5, %scan3A_6 : i32
    %scan3A_8 = arith.constant 1 : i32
    scf.for %scan3A_94 = %scan3A_5 to %scan3A_7 step %scan3A_8  : i32 {
      %mul3A_95 = arith.constant 1 : i32
      %mul3A_96 = arith.muli %scan3A_94, %mul3A_95 : i32
      %add3A_97 = arith.constant 0 : i32
      %add3A_98 = arith.addi %add3A_97, %mul3A_96 : i32
      %mul3A_99 = arith.constant 128 : i32
      %mul3A_100 = arith.muli %add3A_98, %mul3A_99 : i32
      %add3A_101 = arith.addi %mul3A_4, %mul3A_100 : i32
      %run_scoped3A = arith.constant 0 : i32
      "tpu.region"() ({
        %run_scoped3A_102 = tpu.sem_alloc : memref<!tpu.dma_semaphore, #tpu.memory_space<semaphore_mem>>
        %dma_start3A_103 = arith.constant 0 : i32
        %dma_start3A_104 = arith.constant 0 : i32
        %dma_start3A_105 = tpu.memref_slice %arg8[%run_scoped3A, %dma_start3A_103, %dma_start3A_104] : memref<4x128x64xf32, #tpu.memory_space<vmem>> -> memref<1x128x64xf32, #tpu.memory_space<vmem>>
        %dma_start3A_106 = tpu.memref_squeeze %dma_start3A_105 : memref<1x128x64xf32, #tpu.memory_space<vmem>> -> memref<128x64xf32, #tpu.memory_space<vmem>>
        %dma_start3A_107 = arith.constant 0 : i32
        %dma_start3A_108 = tpu.memref_slice %arg9[%add3A_101, %dma_start3A_107] : memref<10240x64xf32, #tpu.memory_space<vmem_shared>> -> memref<128x64xf32, #tpu.memory_space<vmem_shared>>
        %dma_start3A_109 = arith.constant 0 : i32
        %dma_start3A_110 = tpu.memref_slice %arg9[%add3A_101, %dma_start3A_109] : memref<10240x64xf32, #tpu.memory_space<vmem_shared>> -> memref<128x64xf32, #tpu.memory_space<vmem_shared>>
        %dma_start3A_111 = arith.constant 0 : i32
        %dma_start3A_112 = arith.constant 0 : i32
        %dma_start3A_113 = tpu.memref_slice %arg8[%run_scoped3A, %dma_start3A_111, %dma_start3A_112] : memref<4x128x64xf32, #tpu.memory_space<vmem>> -> memref<1x128x64xf32, #tpu.memory_space<vmem>>
        %dma_start3A_114 = tpu.memref_squeeze %dma_start3A_113 : memref<1x128x64xf32, #tpu.memory_space<vmem>> -> memref<128x64xf32, #tpu.memory_space<vmem>>
        tpu.enqueue_dma source(%dma_start3A_114 : memref<128x64xf32, #tpu.memory_space<vmem>>) target(%dma_start3A_110 : memref<128x64xf32, #tpu.memory_space<vmem_shared>>) target_semaphore(%run_scoped3A_102 : memref<!tpu.dma_semaphore, #tpu.memory_space<semaphore_mem>>)
        %dma_wait3A_115 = arith.constant 0 : i32
        %dma_wait3A_116 = arith.constant 0 : i32
        %dma_wait3A_117 = tpu.memref_slice %arg8[%run_scoped3A, %dma_wait3A_115, %dma_wait3A_116] : memref<4x128x64xf32, #tpu.memory_space<vmem>> -> memref<1x128x64xf32, #tpu.memory_space<vmem>>
        %dma_wait3A_118 = tpu.memref_squeeze %dma_wait3A_117 : memref<1x128x64xf32, #tpu.memory_space<vmem>> -> memref<128x64xf32, #tpu.memory_space<vmem>>
        %dma_wait3A_119 = arith.constant 0 : i32
        %dma_wait3A_120 = tpu.memref_slice %arg9[%add3A_101, %dma_wait3A_119] : memref<10240x64xf32, #tpu.memory_space<vmem_shared>> -> memref<128x64xf32, #tpu.memory_space<vmem_shared>>
        %dma_wait3A_121 = arith.constant 0 : i32
        %dma_wait3A_122 = tpu.memref_slice %arg9[%add3A_101, %dma_wait3A_121] : memref<10240x64xf32, #tpu.memory_space<vmem_shared>> -> memref<128x64xf32, #tpu.memory_space<vmem_shared>>
        %dma_wait3A_123 = arith.constant 0 : i32
        %dma_wait3A_124 = arith.constant 0 : i32
        %dma_wait3A_125 = tpu.memref_slice %arg8[%run_scoped3A, %dma_wait3A_123, %dma_wait3A_124] : memref<4x128x64xf32, #tpu.memory_space<vmem>> -> memref<1x128x64xf32, #tpu.memory_space<vmem>>
        %dma_wait3A_126 = tpu.memref_squeeze %dma_wait3A_125 : memref<1x128x64xf32, #tpu.memory_space<vmem>> -> memref<128x64xf32, #tpu.memory_space<vmem>>
        tpu.wait_dma2 semaphore(%run_scoped3A_102 : memref<!tpu.dma_semaphore, #tpu.memory_space<semaphore_mem>>) src(%dma_wait3A_126 : memref<128x64xf32, #tpu.memory_space<vmem>>) dst(%dma_wait3A_122 : memref<128x64xf32, #tpu.memory_space<vmem_shared>>)
        tpu.yield
      }) : () -> ()
    }
    %scan3A_9 = arith.constant 5 : i32
    %mul3A_10 = arith.constant 16 : i32
    %mul3A_11 = arith.muli %arg0, %mul3A_10 : i32
    %add3A = arith.addi %mul3A_11, %arg1 : i32
    %mul3A_12 = arith.constant 160 : i32
    %mul3A_13 = arith.muli %add3A, %mul3A_12 : i32
    "tpu.region"() ({
      %run_scoped3A = tpu.sem_alloc : memref<!tpu.dma_semaphore, #tpu.memory_space<semaphore_mem>>
      %dma_start3A_94 = arith.constant 0 : i32
      %dma_start3A_95 = tpu.memref_slice %arg3[%mul3A_13, %dma_start3A_94] : memref<5120x128xi32, #tpu.memory_space<hbm>> -> memref<160x128xi32, #tpu.memory_space<hbm>>
      %dma_start3A_96 = arith.constant 0 : i32
      %dma_start3A_97 = tpu.memref_slice %arg3[%mul3A_13, %dma_start3A_96] : memref<5120x128xi32, #tpu.memory_space<hbm>> -> memref<160x128xi32, #tpu.memory_space<hbm>>
      tpu.enqueue_dma source(%dma_start3A_97 : memref<160x128xi32, #tpu.memory_space<hbm>>) target(%arg6 : memref<160x128xi32, #tpu.memory_space<vmem>>) target_semaphore(%run_scoped3A : memref<!tpu.dma_semaphore, #tpu.memory_space<semaphore_mem>>)
      %dma_wait3A_98 = arith.constant 0 : i32
      %dma_wait3A_99 = tpu.memref_slice %arg3[%mul3A_13, %dma_wait3A_98] : memref<5120x128xi32, #tpu.memory_space<hbm>> -> memref<160x128xi32, #tpu.memory_space<hbm>>
      %dma_wait3A_100 = arith.constant 0 : i32
      %dma_wait3A_101 = tpu.memref_slice %arg3[%mul3A_13, %dma_wait3A_100] : memref<5120x128xi32, #tpu.memory_space<hbm>> -> memref<160x128xi32, #tpu.memory_space<hbm>>
      tpu.wait_dma2 semaphore(%run_scoped3A : memref<!tpu.dma_semaphore, #tpu.memory_space<semaphore_mem>>) src(%dma_wait3A_101 : memref<160x128xi32, #tpu.memory_space<hbm>>) dst(%arg6 : memref<160x128xi32, #tpu.memory_space<vmem>>)
      tpu.yield
    }) : () -> ()
    %mul3A_14 = arith.constant 160 : i32
    %mul3A_15 = arith.muli %arg1, %mul3A_14 : i32
    "tpu.region"() ({
      %run_scoped3A = tpu.sem_alloc : memref<!tpu.dma_semaphore, #tpu.memory_space<semaphore_mem>>
      %dma_start3A_94 = arith.constant 0 : i32
      %dma_start3A_95 = tpu.memref_slice %arg4[%mul3A_15, %dma_start3A_94] : memref<2560x128xi32, #tpu.memory_space<hbm>> -> memref<160x128xi32, #tpu.memory_space<hbm>>
      %dma_start3A_96 = arith.constant 0 : i32
      %dma_start3A_97 = tpu.memref_slice %arg4[%mul3A_15, %dma_start3A_96] : memref<2560x128xi32, #tpu.memory_space<hbm>> -> memref<160x128xi32, #tpu.memory_space<hbm>>
      tpu.enqueue_dma source(%dma_start3A_97 : memref<160x128xi32, #tpu.memory_space<hbm>>) target(%arg7 : memref<160x128xi32, #tpu.memory_space<vmem>>) target_semaphore(%run_scoped3A : memref<!tpu.dma_semaphore, #tpu.memory_space<semaphore_mem>>)
      %dma_wait3A_98 = arith.constant 0 : i32
      %dma_wait3A_99 = tpu.memref_slice %arg4[%mul3A_15, %dma_wait3A_98] : memref<2560x128xi32, #tpu.memory_space<hbm>> -> memref<160x128xi32, #tpu.memory_space<hbm>>
      %dma_wait3A_100 = arith.constant 0 : i32
      %dma_wait3A_101 = tpu.memref_slice %arg4[%mul3A_15, %dma_wait3A_100] : memref<2560x128xi32, #tpu.memory_space<hbm>> -> memref<160x128xi32, #tpu.memory_space<hbm>>
      tpu.wait_dma2 semaphore(%run_scoped3A : memref<!tpu.dma_semaphore, #tpu.memory_space<semaphore_mem>>) src(%dma_wait3A_101 : memref<160x128xi32, #tpu.memory_space<hbm>>) dst(%arg7 : memref<160x128xi32, #tpu.memory_space<vmem>>)
      tpu.yield
    }) : () -> ()
    %barrier3A = arith.constant 0 : index
    tpu.barrier barrier_id(%barrier3A)
    %dma_start3A = arith.constant 0 : i32
    %dma_start3A_16 = arith.constant 0 : i32
    %dma_start3A_17 = arith.constant 0 : i32
    %dma_start3A_18 = arith.constant 0 : i32
    %dma_start3A_19 = tpu.memref_slice %arg8[%dma_start3A_16, %dma_start3A_17, %dma_start3A_18] : memref<4x128x64xf32, #tpu.memory_space<vmem>> -> memref<1x128x64xf32, #tpu.memory_space<vmem>>
    %dma_start3A_20 = tpu.memref_squeeze %dma_start3A_19 : memref<1x128x64xf32, #tpu.memory_space<vmem>> -> memref<128x64xf32, #tpu.memory_space<vmem>>
    %dma_start3A_21 = arith.constant 0 : i32
    %dma_start3A_22 = tpu.memref_slice %arg6[%dma_start3A, %dma_start3A_21] : memref<160x128xi32, #tpu.memory_space<vmem>> -> memref<1x128xi32, #tpu.memory_space<vmem>>
    %dma_start3A_23 = tpu.memref_squeeze %dma_start3A_22 : memref<1x128xi32, #tpu.memory_space<vmem>> -> memref<128xi32, #tpu.memory_space<vmem>>
    %dma_start3A_24 = arith.constant 0 : i32
    %dma_start3A_25 = arith.constant 0 : i32
    %dma_start3A_26 = tpu.memref_slice %arg2[%dma_start3A_24, %dma_start3A_25] : memref<20480x64xf32, #tpu.memory_space<hbm>> -> memref<20480x64xf32, #tpu.memory_space<hbm>>
    tpu.enqueue_indirect_dma source(%dma_start3A_26 : memref<20480x64xf32, #tpu.memory_space<hbm>>) target(%dma_start3A_20 : memref<128x64xf32, #tpu.memory_space<vmem>>) offsets(%dma_start3A_23 : memref<128xi32, #tpu.memory_space<vmem>>) semaphore(%arg10 : memref<!tpu.dma_semaphore, #tpu.memory_space<semaphore_mem>>)
    %dma_start3A_27 = arith.constant 1 : i32
    %dma_start3A_28 = arith.constant 1 : i32
    %dma_start3A_29 = arith.constant 0 : i32
    %dma_start3A_30 = arith.constant 0 : i32
    %dma_start3A_31 = tpu.memref_slice %arg8[%dma_start3A_28, %dma_start3A_29, %dma_start3A_30] : memref<4x128x64xf32, #tpu.memory_space<vmem>> -> memref<1x128x64xf32, #tpu.memory_space<vmem>>
    %dma_start3A_32 = tpu.memref_squeeze %dma_start3A_31 : memref<1x128x64xf32, #tpu.memory_space<vmem>> -> memref<128x64xf32, #tpu.memory_space<vmem>>
    %dma_start3A_33 = arith.constant 0 : i32
    %dma_start3A_34 = tpu.memref_slice %arg6[%dma_start3A_27, %dma_start3A_33] : memref<160x128xi32, #tpu.memory_space<vmem>> -> memref<1x128xi32, #tpu.memory_space<vmem>>
    %dma_start3A_35 = tpu.memref_squeeze %dma_start3A_34 : memref<1x128xi32, #tpu.memory_space<vmem>> -> memref<128xi32, #tpu.memory_space<vmem>>
    %dma_start3A_36 = arith.constant 0 : i32
    %dma_start3A_37 = arith.constant 0 : i32
    %dma_start3A_38 = tpu.memref_slice %arg2[%dma_start3A_36, %dma_start3A_37] : memref<20480x64xf32, #tpu.memory_space<hbm>> -> memref<20480x64xf32, #tpu.memory_space<hbm>>
    tpu.enqueue_indirect_dma source(%dma_start3A_38 : memref<20480x64xf32, #tpu.memory_space<hbm>>) target(%dma_start3A_32 : memref<128x64xf32, #tpu.memory_space<vmem>>) offsets(%dma_start3A_35 : memref<128xi32, #tpu.memory_space<vmem>>) semaphore(%arg11 : memref<!tpu.dma_semaphore, #tpu.memory_space<semaphore_mem>>)
    %scan3A_39 = arith.constant 0 : i32
    %scan3A_40 = arith.constant 40 : i32
    %scan3A_41 = arith.addi %scan3A_39, %scan3A_40 : i32
    %scan3A_42 = arith.constant 1 : i32
    scf.for %scan3A_94 = %scan3A_39 to %scan3A_41 step %scan3A_42  : i32 {
      %mul3A_95 = arith.constant 4 : i32
      %mul3A_96 = arith.muli %scan3A_94, %mul3A_95 : i32
      %add3A_97 = arith.constant 0 : i32
      %add3A_98 = arith.addi %add3A_97, %mul3A_96 : i32
      %add3A_99 = arith.constant 0 : i32
      %add3A_100 = arith.addi %add3A_98, %add3A_99 : i32
      %dma_wait3A_101 = arith.constant 0 : i32
      %dma_wait3A_102 = arith.constant 0 : i32
      %dma_wait3A_103 = arith.constant 0 : i32
      %dma_wait3A_104 = tpu.memref_slice %arg8[%dma_wait3A_101, %dma_wait3A_102, %dma_wait3A_103] : memref<4x128x64xf32, #tpu.memory_space<vmem>> -> memref<1x128x64xf32, #tpu.memory_space<vmem>>
      %dma_wait3A_105 = tpu.memref_squeeze %dma_wait3A_104 : memref<1x128x64xf32, #tpu.memory_space<vmem>> -> memref<128x64xf32, #tpu.memory_space<vmem>>
      %dma_wait3A_106 = arith.constant 0 : i32
      %dma_wait3A_107 = tpu.memref_slice %arg6[%add3A_100, %dma_wait3A_106] : memref<160x128xi32, #tpu.memory_space<vmem>> -> memref<1x128xi32, #tpu.memory_space<vmem>>
      %dma_wait3A_108 = tpu.memref_squeeze %dma_wait3A_107 : memref<1x128xi32, #tpu.memory_space<vmem>> -> memref<128xi32, #tpu.memory_space<vmem>>
      %dma_wait3A_109 = arith.constant 0 : i32
      %dma_wait3A_110 = arith.constant 0 : i32
      %dma_wait3A_111 = tpu.memref_slice %arg2[%dma_wait3A_109, %dma_wait3A_110] : memref<20480x64xf32, #tpu.memory_space<hbm>> -> memref<20480x64xf32, #tpu.memory_space<hbm>>
      tpu.wait_indirect_dma semaphore(%arg10 : memref<!tpu.dma_semaphore, #tpu.memory_space<semaphore_mem>>) src(%dma_wait3A_111 : memref<20480x64xf32, #tpu.memory_space<hbm>>) dst(%dma_wait3A_105 : memref<128x64xf32, #tpu.memory_space<vmem>>)
      %dma_start3A_112 = arith.constant 0 : i32
      %dma_start3A_113 = arith.constant 0 : i32
      %dma_start3A_114 = arith.constant 0 : i32
      %dma_start3A_115 = tpu.memref_slice %arg8[%dma_start3A_112, %dma_start3A_113, %dma_start3A_114] : memref<4x128x64xf32, #tpu.memory_space<vmem>> -> memref<1x128x64xf32, #tpu.memory_space<vmem>>
      %dma_start3A_116 = tpu.memref_squeeze %dma_start3A_115 : memref<1x128x64xf32, #tpu.memory_space<vmem>> -> memref<128x64xf32, #tpu.memory_space<vmem>>
      %dma_start3A_117 = arith.constant 0 : i32
      %dma_start3A_118 = tpu.memref_slice %arg7[%add3A_100, %dma_start3A_117] : memref<160x128xi32, #tpu.memory_space<vmem>> -> memref<1x128xi32, #tpu.memory_space<vmem>>
      %dma_start3A_119 = tpu.memref_squeeze %dma_start3A_118 : memref<1x128xi32, #tpu.memory_space<vmem>> -> memref<128xi32, #tpu.memory_space<vmem>>
      %dma_start3A_120 = arith.constant 0 : i32
      %dma_start3A_121 = arith.constant 0 : i32
      %dma_start3A_122 = tpu.memref_slice %arg9[%dma_start3A_120, %dma_start3A_121] : memref<10240x64xf32, #tpu.memory_space<vmem_shared>> -> memref<10240x64xf32, #tpu.memory_space<vmem_shared>>
      tpu.enqueue_indirect_dma source(%dma_start3A_116 : memref<128x64xf32, #tpu.memory_space<vmem>>) target(%dma_start3A_122 : memref<10240x64xf32, #tpu.memory_space<vmem_shared>>) offsets(%dma_start3A_119 : memref<128xi32, #tpu.memory_space<vmem>>) semaphore(%arg14 : memref<!tpu.dma_semaphore, #tpu.memory_space<semaphore_mem>>) {add = true}
      %add3A_123 = arith.constant 2 : i32
      %add3A_124 = arith.addi %add3A_100, %add3A_123 : i32
      %lt3A = arith.constant 160 : i32
      %lt3A_125 = arith.cmpi slt, %add3A_124, %lt3A : i32
      %convert_element_type3A = arith.extui %lt3A_125 : i1 to i32
      %cond3A = arith.constant 0 : i32
      %cond3A_126 = arith.cmpi ne, %convert_element_type3A, %cond3A : i32
      scf.if %cond3A_126 {
        %ge3A = arith.constant 2 : i32
        %ge3A_220 = arith.cmpi sge, %add3A_100, %ge3A : i32
        %convert_element_type3A_221 = arith.extui %ge3A_220 : i1 to i32
        %cond3A_222 = arith.constant 0 : i32
        %cond3A_223 = arith.cmpi ne, %convert_element_type3A_221, %cond3A_222 : i32
        scf.if %cond3A_223 {
          %sub3A = arith.constant 2 : i32
          %sub3A_237 = arith.subi %add3A_100, %sub3A : i32
          %dma_wait3A_238 = arith.constant 2 : i32
          %dma_wait3A_239 = arith.constant 0 : i32
          %dma_wait3A_240 = arith.constant 0 : i32
          %dma_wait3A_241 = tpu.memref_slice %arg8[%dma_wait3A_238, %dma_wait3A_239, %dma_wait3A_240] : memref<4x128x64xf32, #tpu.memory_space<vmem>> -> memref<1x128x64xf32, #tpu.memory_space<vmem>>
          %dma_wait3A_242 = tpu.memref_squeeze %dma_wait3A_241 : memref<1x128x64xf32, #tpu.memory_space<vmem>> -> memref<128x64xf32, #tpu.memory_space<vmem>>
          %dma_wait3A_243 = arith.constant 0 : i32
          %dma_wait3A_244 = tpu.memref_slice %arg7[%sub3A_237, %dma_wait3A_243] : memref<160x128xi32, #tpu.memory_space<vmem>> -> memref<1x128xi32, #tpu.memory_space<vmem>>
          %dma_wait3A_245 = tpu.memref_squeeze %dma_wait3A_244 : memref<1x128xi32, #tpu.memory_space<vmem>> -> memref<128xi32, #tpu.memory_space<vmem>>
          %dma_wait3A_246 = arith.constant 0 : i32
          %dma_wait3A_247 = arith.constant 0 : i32
          %dma_wait3A_248 = tpu.memref_slice %arg9[%dma_wait3A_246, %dma_wait3A_247] : memref<10240x64xf32, #tpu.memory_space<vmem_shared>> -> memref<10240x64xf32, #tpu.memory_space<vmem_shared>>
          tpu.wait_indirect_dma semaphore(%arg16 : memref<!tpu.dma_semaphore, #tpu.memory_space<semaphore_mem>>) src(%dma_wait3A_242 : memref<128x64xf32, #tpu.memory_space<vmem>>) dst(%dma_wait3A_248 : memref<10240x64xf32, #tpu.memory_space<vmem_shared>>)
        } else {
        }
        %add3A_224 = arith.constant 2 : i32
        %add3A_225 = arith.addi %add3A_100, %add3A_224 : i32
        %dma_start3A_226 = arith.constant 2 : i32
        %dma_start3A_227 = arith.constant 0 : i32
        %dma_start3A_228 = arith.constant 0 : i32
        %dma_start3A_229 = tpu.memref_slice %arg8[%dma_start3A_226, %dma_start3A_227, %dma_start3A_228] : memref<4x128x64xf32, #tpu.memory_space<vmem>> -> memref<1x128x64xf32, #tpu.memory_space<vmem>>
        %dma_start3A_230 = tpu.memref_squeeze %dma_start3A_229 : memref<1x128x64xf32, #tpu.memory_space<vmem>> -> memref<128x64xf32, #tpu.memory_space<vmem>>
        %dma_start3A_231 = arith.constant 0 : i32
        %dma_start3A_232 = tpu.memref_slice %arg6[%add3A_225, %dma_start3A_231] : memref<160x128xi32, #tpu.memory_space<vmem>> -> memref<1x128xi32, #tpu.memory_space<vmem>>
        %dma_start3A_233 = tpu.memref_squeeze %dma_start3A_232 : memref<1x128xi32, #tpu.memory_space<vmem>> -> memref<128xi32, #tpu.memory_space<vmem>>
        %dma_start3A_234 = arith.constant 0 : i32
        %dma_start3A_235 = arith.constant 0 : i32
        %dma_start3A_236 = tpu.memref_slice %arg2[%dma_start3A_234, %dma_start3A_235] : memref<20480x64xf32, #tpu.memory_space<hbm>> -> memref<20480x64xf32, #tpu.memory_space<hbm>>
        tpu.enqueue_indirect_dma source(%dma_start3A_236 : memref<20480x64xf32, #tpu.memory_space<hbm>>) target(%dma_start3A_230 : memref<128x64xf32, #tpu.memory_space<vmem>>) offsets(%dma_start3A_233 : memref<128xi32, #tpu.memory_space<vmem>>) semaphore(%arg12 : memref<!tpu.dma_semaphore, #tpu.memory_space<semaphore_mem>>)
      } else {
      }
      %add3A_127 = arith.constant 1 : i32
      %add3A_128 = arith.addi %add3A_98, %add3A_127 : i32
      %dma_wait3A_129 = arith.constant 1 : i32
      %dma_wait3A_130 = arith.constant 0 : i32
      %dma_wait3A_131 = arith.constant 0 : i32
      %dma_wait3A_132 = tpu.memref_slice %arg8[%dma_wait3A_129, %dma_wait3A_130, %dma_wait3A_131] : memref<4x128x64xf32, #tpu.memory_space<vmem>> -> memref<1x128x64xf32, #tpu.memory_space<vmem>>
      %dma_wait3A_133 = tpu.memref_squeeze %dma_wait3A_132 : memref<1x128x64xf32, #tpu.memory_space<vmem>> -> memref<128x64xf32, #tpu.memory_space<vmem>>
      %dma_wait3A_134 = arith.constant 0 : i32
      %dma_wait3A_135 = tpu.memref_slice %arg6[%add3A_128, %dma_wait3A_134] : memref<160x128xi32, #tpu.memory_space<vmem>> -> memref<1x128xi32, #tpu.memory_space<vmem>>
      %dma_wait3A_136 = tpu.memref_squeeze %dma_wait3A_135 : memref<1x128xi32, #tpu.memory_space<vmem>> -> memref<128xi32, #tpu.memory_space<vmem>>
      %dma_wait3A_137 = arith.constant 0 : i32
      %dma_wait3A_138 = arith.constant 0 : i32
      %dma_wait3A_139 = tpu.memref_slice %arg2[%dma_wait3A_137, %dma_wait3A_138] : memref<20480x64xf32, #tpu.memory_space<hbm>> -> memref<20480x64xf32, #tpu.memory_space<hbm>>
      tpu.wait_indirect_dma semaphore(%arg11 : memref<!tpu.dma_semaphore, #tpu.memory_space<semaphore_mem>>) src(%dma_wait3A_139 : memref<20480x64xf32, #tpu.memory_space<hbm>>) dst(%dma_wait3A_133 : memref<128x64xf32, #tpu.memory_space<vmem>>)
      %dma_start3A_140 = arith.constant 1 : i32
      %dma_start3A_141 = arith.constant 0 : i32
      %dma_start3A_142 = arith.constant 0 : i32
      %dma_start3A_143 = tpu.memref_slice %arg8[%dma_start3A_140, %dma_start3A_141, %dma_start3A_142] : memref<4x128x64xf32, #tpu.memory_space<vmem>> -> memref<1x128x64xf32, #tpu.memory_space<vmem>>
      %dma_start3A_144 = tpu.memref_squeeze %dma_start3A_143 : memref<1x128x64xf32, #tpu.memory_space<vmem>> -> memref<128x64xf32, #tpu.memory_space<vmem>>
      %dma_start3A_145 = arith.constant 0 : i32
      %dma_start3A_146 = tpu.memref_slice %arg7[%add3A_128, %dma_start3A_145] : memref<160x128xi32, #tpu.memory_space<vmem>> -> memref<1x128xi32, #tpu.memory_space<vmem>>
      %dma_start3A_147 = tpu.memref_squeeze %dma_start3A_146 : memref<1x128xi32, #tpu.memory_space<vmem>> -> memref<128xi32, #tpu.memory_space<vmem>>
      %dma_start3A_148 = arith.constant 0 : i32
      %dma_start3A_149 = arith.constant 0 : i32
      %dma_start3A_150 = tpu.memref_slice %arg9[%dma_start3A_148, %dma_start3A_149] : memref<10240x64xf32, #tpu.memory_space<vmem_shared>> -> memref<10240x64xf32, #tpu.memory_space<vmem_shared>>
      tpu.enqueue_indirect_dma source(%dma_start3A_144 : memref<128x64xf32, #tpu.memory_space<vmem>>) target(%dma_start3A_150 : memref<10240x64xf32, #tpu.memory_space<vmem_shared>>) offsets(%dma_start3A_147 : memref<128xi32, #tpu.memory_space<vmem>>) semaphore(%arg15 : memref<!tpu.dma_semaphore, #tpu.memory_space<semaphore_mem>>) {add = true}
      %add3A_151 = arith.constant 2 : i32
      %add3A_152 = arith.addi %add3A_128, %add3A_151 : i32
      %lt3A_153 = arith.constant 160 : i32
      %lt3A_154 = arith.cmpi slt, %add3A_152, %lt3A_153 : i32
      %convert_element_type3A_155 = arith.extui %lt3A_154 : i1 to i32
      %cond3A_156 = arith.constant 0 : i32
      %cond3A_157 = arith.cmpi ne, %convert_element_type3A_155, %cond3A_156 : i32
      scf.if %cond3A_157 {
        %ge3A = arith.constant 2 : i32
        %ge3A_220 = arith.cmpi sge, %add3A_128, %ge3A : i32
        %convert_element_type3A_221 = arith.extui %ge3A_220 : i1 to i32
        %cond3A_222 = arith.constant 0 : i32
        %cond3A_223 = arith.cmpi ne, %convert_element_type3A_221, %cond3A_222 : i32
        scf.if %cond3A_223 {
          %sub3A = arith.constant 2 : i32
          %sub3A_237 = arith.subi %add3A_128, %sub3A : i32
          %dma_wait3A_238 = arith.constant 3 : i32
          %dma_wait3A_239 = arith.constant 0 : i32
          %dma_wait3A_240 = arith.constant 0 : i32
          %dma_wait3A_241 = tpu.memref_slice %arg8[%dma_wait3A_238, %dma_wait3A_239, %dma_wait3A_240] : memref<4x128x64xf32, #tpu.memory_space<vmem>> -> memref<1x128x64xf32, #tpu.memory_space<vmem>>
          %dma_wait3A_242 = tpu.memref_squeeze %dma_wait3A_241 : memref<1x128x64xf32, #tpu.memory_space<vmem>> -> memref<128x64xf32, #tpu.memory_space<vmem>>
          %dma_wait3A_243 = arith.constant 0 : i32
          %dma_wait3A_244 = tpu.memref_slice %arg7[%sub3A_237, %dma_wait3A_243] : memref<160x128xi32, #tpu.memory_space<vmem>> -> memref<1x128xi32, #tpu.memory_space<vmem>>
          %dma_wait3A_245 = tpu.memref_squeeze %dma_wait3A_244 : memref<1x128xi32, #tpu.memory_space<vmem>> -> memref<128xi32, #tpu.memory_space<vmem>>
          %dma_wait3A_246 = arith.constant 0 : i32
          %dma_wait3A_247 = arith.constant 0 : i32
          %dma_wait3A_248 = tpu.memref_slice %arg9[%dma_wait3A_246, %dma_wait3A_247] : memref<10240x64xf32, #tpu.memory_space<vmem_shared>> -> memref<10240x64xf32, #tpu.memory_space<vmem_shared>>
          tpu.wait_indirect_dma semaphore(%arg17 : memref<!tpu.dma_semaphore, #tpu.memory_space<semaphore_mem>>) src(%dma_wait3A_242 : memref<128x64xf32, #tpu.memory_space<vmem>>) dst(%dma_wait3A_248 : memref<10240x64xf32, #tpu.memory_space<vmem_shared>>)
        } else {
        }
        %add3A_224 = arith.constant 2 : i32
        %add3A_225 = arith.addi %add3A_128, %add3A_224 : i32
        %dma_start3A_226 = arith.constant 3 : i32
        %dma_start3A_227 = arith.constant 0 : i32
        %dma_start3A_228 = arith.constant 0 : i32
        %dma_start3A_229 = tpu.memref_slice %arg8[%dma_start3A_226, %dma_start3A_227, %dma_start3A_228] : memref<4x128x64xf32, #tpu.memory_space<vmem>> -> memref<1x128x64xf32, #tpu.memory_space<vmem>>
        %dma_start3A_230 = tpu.memref_squeeze %dma_start3A_229 : memref<1x128x64xf32, #tpu.memory_space<vmem>> -> memref<128x64xf32, #tpu.memory_space<vmem>>
        %dma_start3A_231 = arith.constant 0 : i32
        %dma_start3A_232 = tpu.memref_slice %arg6[%add3A_225, %dma_start3A_231] : memref<160x128xi32, #tpu.memory_space<vmem>> -> memref<1x128xi32, #tpu.memory_space<vmem>>
        %dma_start3A_233 = tpu.memref_squeeze %dma_start3A_232 : memref<1x128xi32, #tpu.memory_space<vmem>> -> memref<128xi32, #tpu.memory_space<vmem>>
        %dma_start3A_234 = arith.constant 0 : i32
        %dma_start3A_235 = arith.constant 0 : i32
        %dma_start3A_236 = tpu.memref_slice %arg2[%dma_start3A_234, %dma_start3A_235] : memref<20480x64xf32, #tpu.memory_space<hbm>> -> memref<20480x64xf32, #tpu.memory_space<hbm>>
        tpu.enqueue_indirect_dma source(%dma_start3A_236 : memref<20480x64xf32, #tpu.memory_space<hbm>>) target(%dma_start3A_230 : memref<128x64xf32, #tpu.memory_space<vmem>>) offsets(%dma_start3A_233 : memref<128xi32, #tpu.memory_space<vmem>>) semaphore(%arg13 : memref<!tpu.dma_semaphore, #tpu.memory_space<semaphore_mem>>)
      } else {
      }
      %add3A_158 = arith.constant 2 : i32
      %add3A_159 = arith.addi %add3A_98, %add3A_158 : i32
      %dma_wait3A_160 = arith.constant 2 : i32
      %dma_wait3A_161 = arith.constant 0 : i32
      %dma_wait3A_162 = arith.constant 0 : i32
      %dma_wait3A_163 = tpu.memref_slice %arg8[%dma_wait3A_160, %dma_wait3A_161, %dma_wait3A_162] : memref<4x128x64xf32, #tpu.memory_space<vmem>> -> memref<1x128x64xf32, #tpu.memory_space<vmem>>
      %dma_wait3A_164 = tpu.memref_squeeze %dma_wait3A_163 : memref<1x128x64xf32, #tpu.memory_space<vmem>> -> memref<128x64xf32, #tpu.memory_space<vmem>>
      %dma_wait3A_165 = arith.constant 0 : i32
      %dma_wait3A_166 = tpu.memref_slice %arg6[%add3A_159, %dma_wait3A_165] : memref<160x128xi32, #tpu.memory_space<vmem>> -> memref<1x128xi32, #tpu.memory_space<vmem>>
      %dma_wait3A_167 = tpu.memref_squeeze %dma_wait3A_166 : memref<1x128xi32, #tpu.memory_space<vmem>> -> memref<128xi32, #tpu.memory_space<vmem>>
      %dma_wait3A_168 = arith.constant 0 : i32
      %dma_wait3A_169 = arith.constant 0 : i32
      %dma_wait3A_170 = tpu.memref_slice %arg2[%dma_wait3A_168, %dma_wait3A_169] : memref<20480x64xf32, #tpu.memory_space<hbm>> -> memref<20480x64xf32, #tpu.memory_space<hbm>>
      tpu.wait_indirect_dma semaphore(%arg12 : memref<!tpu.dma_semaphore, #tpu.memory_space<semaphore_mem>>) src(%dma_wait3A_170 : memref<20480x64xf32, #tpu.memory_space<hbm>>) dst(%dma_wait3A_164 : memref<128x64xf32, #tpu.memory_space<vmem>>)
      %dma_start3A_171 = arith.constant 2 : i32
      %dma_start3A_172 = arith.constant 0 : i32
      %dma_start3A_173 = arith.constant 0 : i32
      %dma_start3A_174 = tpu.memref_slice %arg8[%dma_start3A_171, %dma_start3A_172, %dma_start3A_173] : memref<4x128x64xf32, #tpu.memory_space<vmem>> -> memref<1x128x64xf32, #tpu.memory_space<vmem>>
      %dma_start3A_175 = tpu.memref_squeeze %dma_start3A_174 : memref<1x128x64xf32, #tpu.memory_space<vmem>> -> memref<128x64xf32, #tpu.memory_space<vmem>>
      %dma_start3A_176 = arith.constant 0 : i32
      %dma_start3A_177 = tpu.memref_slice %arg7[%add3A_159, %dma_start3A_176] : memref<160x128xi32, #tpu.memory_space<vmem>> -> memref<1x128xi32, #tpu.memory_space<vmem>>
      %dma_start3A_178 = tpu.memref_squeeze %dma_start3A_177 : memref<1x128xi32, #tpu.memory_space<vmem>> -> memref<128xi32, #tpu.memory_space<vmem>>
      %dma_start3A_179 = arith.constant 0 : i32
      %dma_start3A_180 = arith.constant 0 : i32
      %dma_start3A_181 = tpu.memref_slice %arg9[%dma_start3A_179, %dma_start3A_180] : memref<10240x64xf32, #tpu.memory_space<vmem_shared>> -> memref<10240x64xf32, #tpu.memory_space<vmem_shared>>
      tpu.enqueue_indirect_dma source(%dma_start3A_175 : memref<128x64xf32, #tpu.memory_space<vmem>>) target(%dma_start3A_181 : memref<10240x64xf32, #tpu.memory_space<vmem_shared>>) offsets(%dma_start3A_178 : memref<128xi32, #tpu.memory_space<vmem>>) semaphore(%arg16 : memref<!tpu.dma_semaphore, #tpu.memory_space<semaphore_mem>>) {add = true}
      %add3A_182 = arith.constant 2 : i32
      %add3A_183 = arith.addi %add3A_159, %add3A_182 : i32
      %lt3A_184 = arith.constant 160 : i32
      %lt3A_185 = arith.cmpi slt, %add3A_183, %lt3A_184 : i32
      %convert_element_type3A_186 = arith.extui %lt3A_185 : i1 to i32
      %cond3A_187 = arith.constant 0 : i32
      %cond3A_188 = arith.cmpi ne, %convert_element_type3A_186, %cond3A_187 : i32
      scf.if %cond3A_188 {
        %ge3A = arith.constant 2 : i32
        %ge3A_220 = arith.cmpi sge, %add3A_159, %ge3A : i32
        %convert_element_type3A_221 = arith.extui %ge3A_220 : i1 to i32
        %cond3A_222 = arith.constant 0 : i32
        %cond3A_223 = arith.cmpi ne, %convert_element_type3A_221, %cond3A_222 : i32
        scf.if %cond3A_223 {
          %sub3A = arith.constant 2 : i32
          %sub3A_237 = arith.subi %add3A_159, %sub3A : i32
          %dma_wait3A_238 = arith.constant 0 : i32
          %dma_wait3A_239 = arith.constant 0 : i32
          %dma_wait3A_240 = arith.constant 0 : i32
          %dma_wait3A_241 = tpu.memref_slice %arg8[%dma_wait3A_238, %dma_wait3A_239, %dma_wait3A_240] : memref<4x128x64xf32, #tpu.memory_space<vmem>> -> memref<1x128x64xf32, #tpu.memory_space<vmem>>
          %dma_wait3A_242 = tpu.memref_squeeze %dma_wait3A_241 : memref<1x128x64xf32, #tpu.memory_space<vmem>> -> memref<128x64xf32, #tpu.memory_space<vmem>>
          %dma_wait3A_243 = arith.constant 0 : i32
          %dma_wait3A_244 = tpu.memref_slice %arg7[%sub3A_237, %dma_wait3A_243] : memref<160x128xi32, #tpu.memory_space<vmem>> -> memref<1x128xi32, #tpu.memory_space<vmem>>
          %dma_wait3A_245 = tpu.memref_squeeze %dma_wait3A_244 : memref<1x128xi32, #tpu.memory_space<vmem>> -> memref<128xi32, #tpu.memory_space<vmem>>
          %dma_wait3A_246 = arith.constant 0 : i32
          %dma_wait3A_247 = arith.constant 0 : i32
          %dma_wait3A_248 = tpu.memref_slice %arg9[%dma_wait3A_246, %dma_wait3A_247] : memref<10240x64xf32, #tpu.memory_space<vmem_shared>> -> memref<10240x64xf32, #tpu.memory_space<vmem_shared>>
          tpu.wait_indirect_dma semaphore(%arg14 : memref<!tpu.dma_semaphore, #tpu.memory_space<semaphore_mem>>) src(%dma_wait3A_242 : memref<128x64xf32, #tpu.memory_space<vmem>>) dst(%dma_wait3A_248 : memref<10240x64xf32, #tpu.memory_space<vmem_shared>>)
        } else {
        }
        %add3A_224 = arith.constant 2 : i32
        %add3A_225 = arith.addi %add3A_159, %add3A_224 : i32
        %dma_start3A_226 = arith.constant 0 : i32
        %dma_start3A_227 = arith.constant 0 : i32
        %dma_start3A_228 = arith.constant 0 : i32
        %dma_start3A_229 = tpu.memref_slice %arg8[%dma_start3A_226, %dma_start3A_227, %dma_start3A_228] : memref<4x128x64xf32, #tpu.memory_space<vmem>> -> memref<1x128x64xf32, #tpu.memory_space<vmem>>
        %dma_start3A_230 = tpu.memref_squeeze %dma_start3A_229 : memref<1x128x64xf32, #tpu.memory_space<vmem>> -> memref<128x64xf32, #tpu.memory_space<vmem>>
        %dma_start3A_231 = arith.constant 0 : i32
        %dma_start3A_232 = tpu.memref_slice %arg6[%add3A_225, %dma_start3A_231] : memref<160x128xi32, #tpu.memory_space<vmem>> -> memref<1x128xi32, #tpu.memory_space<vmem>>
        %dma_start3A_233 = tpu.memref_squeeze %dma_start3A_232 : memref<1x128xi32, #tpu.memory_space<vmem>> -> memref<128xi32, #tpu.memory_space<vmem>>
        %dma_start3A_234 = arith.constant 0 : i32
        %dma_start3A_235 = arith.constant 0 : i32
        %dma_start3A_236 = tpu.memref_slice %arg2[%dma_start3A_234, %dma_start3A_235] : memref<20480x64xf32, #tpu.memory_space<hbm>> -> memref<20480x64xf32, #tpu.memory_space<hbm>>
        tpu.enqueue_indirect_dma source(%dma_start3A_236 : memref<20480x64xf32, #tpu.memory_space<hbm>>) target(%dma_start3A_230 : memref<128x64xf32, #tpu.memory_space<vmem>>) offsets(%dma_start3A_233 : memref<128xi32, #tpu.memory_space<vmem>>) semaphore(%arg10 : memref<!tpu.dma_semaphore, #tpu.memory_space<semaphore_mem>>)
      } else {
      }
      %add3A_189 = arith.constant 3 : i32
      %add3A_190 = arith.addi %add3A_98, %add3A_189 : i32
      %dma_wait3A_191 = arith.constant 3 : i32
      %dma_wait3A_192 = arith.constant 0 : i32
      %dma_wait3A_193 = arith.constant 0 : i32
      %dma_wait3A_194 = tpu.memref_slice %arg8[%dma_wait3A_191, %dma_wait3A_192, %dma_wait3A_193] : memref<4x128x64xf32, #tpu.memory_space<vmem>> -> memref<1x128x64xf32, #tpu.memory_space<vmem>>
      %dma_wait3A_195 = tpu.memref_squeeze %dma_wait3A_194 : memref<1x128x64xf32, #tpu.memory_space<vmem>> -> memref<128x64xf32, #tpu.memory_space<vmem>>
      %dma_wait3A_196 = arith.constant 0 : i32
      %dma_wait3A_197 = tpu.memref_slice %arg6[%add3A_190, %dma_wait3A_196] : memref<160x128xi32, #tpu.memory_space<vmem>> -> memref<1x128xi32, #tpu.memory_space<vmem>>
      %dma_wait3A_198 = tpu.memref_squeeze %dma_wait3A_197 : memref<1x128xi32, #tpu.memory_space<vmem>> -> memref<128xi32, #tpu.memory_space<vmem>>
      %dma_wait3A_199 = arith.constant 0 : i32
      %dma_wait3A_200 = arith.constant 0 : i32
      %dma_wait3A_201 = tpu.memref_slice %arg2[%dma_wait3A_199, %dma_wait3A_200] : memref<20480x64xf32, #tpu.memory_space<hbm>> -> memref<20480x64xf32, #tpu.memory_space<hbm>>
      tpu.wait_indirect_dma semaphore(%arg13 : memref<!tpu.dma_semaphore, #tpu.memory_space<semaphore_mem>>) src(%dma_wait3A_201 : memref<20480x64xf32, #tpu.memory_space<hbm>>) dst(%dma_wait3A_195 : memref<128x64xf32, #tpu.memory_space<vmem>>)
      %dma_start3A_202 = arith.constant 3 : i32
      %dma_start3A_203 = arith.constant 0 : i32
      %dma_start3A_204 = arith.constant 0 : i32
      %dma_start3A_205 = tpu.memref_slice %arg8[%dma_start3A_202, %dma_start3A_203, %dma_start3A_204] : memref<4x128x64xf32, #tpu.memory_space<vmem>> -> memref<1x128x64xf32, #tpu.memory_space<vmem>>
      %dma_start3A_206 = tpu.memref_squeeze %dma_start3A_205 : memref<1x128x64xf32, #tpu.memory_space<vmem>> -> memref<128x64xf32, #tpu.memory_space<vmem>>
      %dma_start3A_207 = arith.constant 0 : i32
      %dma_start3A_208 = tpu.memref_slice %arg7[%add3A_190, %dma_start3A_207] : memref<160x128xi32, #tpu.memory_space<vmem>> -> memref<1x128xi32, #tpu.memory_space<vmem>>
      %dma_start3A_209 = tpu.memref_squeeze %dma_start3A_208 : memref<1x128xi32, #tpu.memory_space<vmem>> -> memref<128xi32, #tpu.memory_space<vmem>>
      %dma_start3A_210 = arith.constant 0 : i32
      %dma_start3A_211 = arith.constant 0 : i32
      %dma_start3A_212 = tpu.memref_slice %arg9[%dma_start3A_210, %dma_start3A_211] : memref<10240x64xf32, #tpu.memory_space<vmem_shared>> -> memref<10240x64xf32, #tpu.memory_space<vmem_shared>>
      tpu.enqueue_indirect_dma source(%dma_start3A_206 : memref<128x64xf32, #tpu.memory_space<vmem>>) target(%dma_start3A_212 : memref<10240x64xf32, #tpu.memory_space<vmem_shared>>) offsets(%dma_start3A_209 : memref<128xi32, #tpu.memory_space<vmem>>) semaphore(%arg17 : memref<!tpu.dma_semaphore, #tpu.memory_space<semaphore_mem>>) {add = true}
      %add3A_213 = arith.constant 2 : i32
      %add3A_214 = arith.addi %add3A_190, %add3A_213 : i32
      %lt3A_215 = arith.constant 160 : i32
      %lt3A_216 = arith.cmpi slt, %add3A_214, %lt3A_215 : i32
      %convert_element_type3A_217 = arith.extui %lt3A_216 : i1 to i32
      %cond3A_218 = arith.constant 0 : i32
      %cond3A_219 = arith.cmpi ne, %convert_element_type3A_217, %cond3A_218 : i32
      scf.if %cond3A_219 {
        %ge3A = arith.constant 2 : i32
        %ge3A_220 = arith.cmpi sge, %add3A_190, %ge3A : i32
        %convert_element_type3A_221 = arith.extui %ge3A_220 : i1 to i32
        %cond3A_222 = arith.constant 0 : i32
        %cond3A_223 = arith.cmpi ne, %convert_element_type3A_221, %cond3A_222 : i32
        scf.if %cond3A_223 {
          %sub3A = arith.constant 2 : i32
          %sub3A_237 = arith.subi %add3A_190, %sub3A : i32
          %dma_wait3A_238 = arith.constant 1 : i32
          %dma_wait3A_239 = arith.constant 0 : i32
          %dma_wait3A_240 = arith.constant 0 : i32
          %dma_wait3A_241 = tpu.memref_slice %arg8[%dma_wait3A_238, %dma_wait3A_239, %dma_wait3A_240] : memref<4x128x64xf32, #tpu.memory_space<vmem>> -> memref<1x128x64xf32, #tpu.memory_space<vmem>>
          %dma_wait3A_242 = tpu.memref_squeeze %dma_wait3A_241 : memref<1x128x64xf32, #tpu.memory_space<vmem>> -> memref<128x64xf32, #tpu.memory_space<vmem>>
          %dma_wait3A_243 = arith.constant 0 : i32
          %dma_wait3A_244 = tpu.memref_slice %arg7[%sub3A_237, %dma_wait3A_243] : memref<160x128xi32, #tpu.memory_space<vmem>> -> memref<1x128xi32, #tpu.memory_space<vmem>>
          %dma_wait3A_245 = tpu.memref_squeeze %dma_wait3A_244 : memref<1x128xi32, #tpu.memory_space<vmem>> -> memref<128xi32, #tpu.memory_space<vmem>>
          %dma_wait3A_246 = arith.constant 0 : i32
          %dma_wait3A_247 = arith.constant 0 : i32
          %dma_wait3A_248 = tpu.memref_slice %arg9[%dma_wait3A_246, %dma_wait3A_247] : memref<10240x64xf32, #tpu.memory_space<vmem_shared>> -> memref<10240x64xf32, #tpu.memory_space<vmem_shared>>
          tpu.wait_indirect_dma semaphore(%arg15 : memref<!tpu.dma_semaphore, #tpu.memory_space<semaphore_mem>>) src(%dma_wait3A_242 : memref<128x64xf32, #tpu.memory_space<vmem>>) dst(%dma_wait3A_248 : memref<10240x64xf32, #tpu.memory_space<vmem_shared>>)
        } else {
        }
        %add3A_224 = arith.constant 2 : i32
        %add3A_225 = arith.addi %add3A_190, %add3A_224 : i32
        %dma_start3A_226 = arith.constant 1 : i32
        %dma_start3A_227 = arith.constant 0 : i32
        %dma_start3A_228 = arith.constant 0 : i32
        %dma_start3A_229 = tpu.memref_slice %arg8[%dma_start3A_226, %dma_start3A_227, %dma_start3A_228] : memref<4x128x64xf32, #tpu.memory_space<vmem>> -> memref<1x128x64xf32, #tpu.memory_space<vmem>>
        %dma_start3A_230 = tpu.memref_squeeze %dma_start3A_229 : memref<1x128x64xf32, #tpu.memory_space<vmem>> -> memref<128x64xf32, #tpu.memory_space<vmem>>
        %dma_start3A_231 = arith.constant 0 : i32
        %dma_start3A_232 = tpu.memref_slice %arg6[%add3A_225, %dma_start3A_231] : memref<160x128xi32, #tpu.memory_space<vmem>> -> memref<1x128xi32, #tpu.memory_space<vmem>>
        %dma_start3A_233 = tpu.memref_squeeze %dma_start3A_232 : memref<1x128xi32, #tpu.memory_space<vmem>> -> memref<128xi32, #tpu.memory_space<vmem>>
        %dma_start3A_234 = arith.constant 0 : i32
        %dma_start3A_235 = arith.constant 0 : i32
        %dma_start3A_236 = tpu.memref_slice %arg2[%dma_start3A_234, %dma_start3A_235] : memref<20480x64xf32, #tpu.memory_space<hbm>> -> memref<20480x64xf32, #tpu.memory_space<hbm>>
        tpu.enqueue_indirect_dma source(%dma_start3A_236 : memref<20480x64xf32, #tpu.memory_space<hbm>>) target(%dma_start3A_230 : memref<128x64xf32, #tpu.memory_space<vmem>>) offsets(%dma_start3A_233 : memref<128xi32, #tpu.memory_space<vmem>>) semaphore(%arg11 : memref<!tpu.dma_semaphore, #tpu.memory_space<semaphore_mem>>)
      } else {
      }
    }
    %scan3A_43 = arith.constant 40 : i32
    %dma_wait3A = arith.constant 0 : i32
    %dma_wait3A_44 = arith.constant 156 : i32
    %dma_wait3A_45 = arith.constant 0 : i32
    %dma_wait3A_46 = arith.constant 0 : i32
    %dma_wait3A_47 = tpu.memref_slice %arg8[%dma_wait3A, %dma_wait3A_45, %dma_wait3A_46] : memref<4x128x64xf32, #tpu.memory_space<vmem>> -> memref<1x128x64xf32, #tpu.memory_space<vmem>>
    %dma_wait3A_48 = tpu.memref_squeeze %dma_wait3A_47 : memref<1x128x64xf32, #tpu.memory_space<vmem>> -> memref<128x64xf32, #tpu.memory_space<vmem>>
    %dma_wait3A_49 = arith.constant 0 : i32
    %dma_wait3A_50 = tpu.memref_slice %arg7[%dma_wait3A_44, %dma_wait3A_49] : memref<160x128xi32, #tpu.memory_space<vmem>> -> memref<1x128xi32, #tpu.memory_space<vmem>>
    %dma_wait3A_51 = tpu.memref_squeeze %dma_wait3A_50 : memref<1x128xi32, #tpu.memory_space<vmem>> -> memref<128xi32, #tpu.memory_space<vmem>>
    %dma_wait3A_52 = arith.constant 0 : i32
    %dma_wait3A_53 = arith.constant 0 : i32
    %dma_wait3A_54 = tpu.memref_slice %arg9[%dma_wait3A_52, %dma_wait3A_53] : memref<10240x64xf32, #tpu.memory_space<vmem_shared>> -> memref<10240x64xf32, #tpu.memory_space<vmem_shared>>
    tpu.wait_indirect_dma semaphore(%arg14 : memref<!tpu.dma_semaphore, #tpu.memory_space<semaphore_mem>>) src(%dma_wait3A_48 : memref<128x64xf32, #tpu.memory_space<vmem>>) dst(%dma_wait3A_54 : memref<10240x64xf32, #tpu.memory_space<vmem_shared>>)
    %dma_wait3A_55 = arith.constant 1 : i32
    %dma_wait3A_56 = arith.constant 157 : i32
    %dma_wait3A_57 = arith.constant 0 : i32
    %dma_wait3A_58 = arith.constant 0 : i32
    %dma_wait3A_59 = tpu.memref_slice %arg8[%dma_wait3A_55, %dma_wait3A_57, %dma_wait3A_58] : memref<4x128x64xf32, #tpu.memory_space<vmem>> -> memref<1x128x64xf32, #tpu.memory_space<vmem>>
    %dma_wait3A_60 = tpu.memref_squeeze %dma_wait3A_59 : memref<1x128x64xf32, #tpu.memory_space<vmem>> -> memref<128x64xf32, #tpu.memory_space<vmem>>
    %dma_wait3A_61 = arith.constant 0 : i32
    %dma_wait3A_62 = tpu.memref_slice %arg7[%dma_wait3A_56, %dma_wait3A_61] : memref<160x128xi32, #tpu.memory_space<vmem>> -> memref<1x128xi32, #tpu.memory_space<vmem>>
    %dma_wait3A_63 = tpu.memref_squeeze %dma_wait3A_62 : memref<1x128xi32, #tpu.memory_space<vmem>> -> memref<128xi32, #tpu.memory_space<vmem>>
    %dma_wait3A_64 = arith.constant 0 : i32
    %dma_wait3A_65 = arith.constant 0 : i32
    %dma_wait3A_66 = tpu.memref_slice %arg9[%dma_wait3A_64, %dma_wait3A_65] : memref<10240x64xf32, #tpu.memory_space<vmem_shared>> -> memref<10240x64xf32, #tpu.memory_space<vmem_shared>>
    tpu.wait_indirect_dma semaphore(%arg15 : memref<!tpu.dma_semaphore, #tpu.memory_space<semaphore_mem>>) src(%dma_wait3A_60 : memref<128x64xf32, #tpu.memory_space<vmem>>) dst(%dma_wait3A_66 : memref<10240x64xf32, #tpu.memory_space<vmem_shared>>)
    %dma_wait3A_67 = arith.constant 2 : i32
    %dma_wait3A_68 = arith.constant 158 : i32
    %dma_wait3A_69 = arith.constant 0 : i32
    %dma_wait3A_70 = arith.constant 0 : i32
    %dma_wait3A_71 = tpu.memref_slice %arg8[%dma_wait3A_67, %dma_wait3A_69, %dma_wait3A_70] : memref<4x128x64xf32, #tpu.memory_space<vmem>> -> memref<1x128x64xf32, #tpu.memory_space<vmem>>
    %dma_wait3A_72 = tpu.memref_squeeze %dma_wait3A_71 : memref<1x128x64xf32, #tpu.memory_space<vmem>> -> memref<128x64xf32, #tpu.memory_space<vmem>>
    %dma_wait3A_73 = arith.constant 0 : i32
    %dma_wait3A_74 = tpu.memref_slice %arg7[%dma_wait3A_68, %dma_wait3A_73] : memref<160x128xi32, #tpu.memory_space<vmem>> -> memref<1x128xi32, #tpu.memory_space<vmem>>
    %dma_wait3A_75 = tpu.memref_squeeze %dma_wait3A_74 : memref<1x128xi32, #tpu.memory_space<vmem>> -> memref<128xi32, #tpu.memory_space<vmem>>
    %dma_wait3A_76 = arith.constant 0 : i32
    %dma_wait3A_77 = arith.constant 0 : i32
    %dma_wait3A_78 = tpu.memref_slice %arg9[%dma_wait3A_76, %dma_wait3A_77] : memref<10240x64xf32, #tpu.memory_space<vmem_shared>> -> memref<10240x64xf32, #tpu.memory_space<vmem_shared>>
    tpu.wait_indirect_dma semaphore(%arg16 : memref<!tpu.dma_semaphore, #tpu.memory_space<semaphore_mem>>) src(%dma_wait3A_72 : memref<128x64xf32, #tpu.memory_space<vmem>>) dst(%dma_wait3A_78 : memref<10240x64xf32, #tpu.memory_space<vmem_shared>>)
    %dma_wait3A_79 = arith.constant 3 : i32
    %dma_wait3A_80 = arith.constant 159 : i32
    %dma_wait3A_81 = arith.constant 0 : i32
    %dma_wait3A_82 = arith.constant 0 : i32
    %dma_wait3A_83 = tpu.memref_slice %arg8[%dma_wait3A_79, %dma_wait3A_81, %dma_wait3A_82] : memref<4x128x64xf32, #tpu.memory_space<vmem>> -> memref<1x128x64xf32, #tpu.memory_space<vmem>>
    %dma_wait3A_84 = tpu.memref_squeeze %dma_wait3A_83 : memref<1x128x64xf32, #tpu.memory_space<vmem>> -> memref<128x64xf32, #tpu.memory_space<vmem>>
    %dma_wait3A_85 = arith.constant 0 : i32
    %dma_wait3A_86 = tpu.memref_slice %arg7[%dma_wait3A_80, %dma_wait3A_85] : memref<160x128xi32, #tpu.memory_space<vmem>> -> memref<1x128xi32, #tpu.memory_space<vmem>>
    %dma_wait3A_87 = tpu.memref_squeeze %dma_wait3A_86 : memref<1x128xi32, #tpu.memory_space<vmem>> -> memref<128xi32, #tpu.memory_space<vmem>>
    %dma_wait3A_88 = arith.constant 0 : i32
    %dma_wait3A_89 = arith.constant 0 : i32
    %dma_wait3A_90 = tpu.memref_slice %arg9[%dma_wait3A_88, %dma_wait3A_89] : memref<10240x64xf32, #tpu.memory_space<vmem_shared>> -> memref<10240x64xf32, #tpu.memory_space<vmem_shared>>
    tpu.wait_indirect_dma semaphore(%arg17 : memref<!tpu.dma_semaphore, #tpu.memory_space<semaphore_mem>>) src(%dma_wait3A_84 : memref<128x64xf32, #tpu.memory_space<vmem>>) dst(%dma_wait3A_90 : memref<10240x64xf32, #tpu.memory_space<vmem_shared>>)
    %barrier3A_91 = arith.constant 0 : index
    tpu.barrier barrier_id(%barrier3A_91)
    %mul3A_92 = arith.constant 64 : i32
    %mul3A_93 = arith.muli %arg0, %mul3A_92 : i32
    "tpu.region"() ({
      %run_scoped3A = tpu.sem_alloc : memref<!tpu.dma_semaphore, #tpu.memory_space<semaphore_mem>>
      %dma_start3A_94 = tpu.memref_slice %arg5[%mul3A_4, %mul3A_93] : memref<10240x128xf32, #tpu.memory_space<hbm>> -> memref<640x64xf32, #tpu.memory_space<hbm>>
      %dma_start3A_95 = arith.constant 0 : i32
      %dma_start3A_96 = tpu.memref_slice %arg9[%mul3A_4, %dma_start3A_95] : memref<10240x64xf32, #tpu.memory_space<vmem_shared>> -> memref<640x64xf32, #tpu.memory_space<vmem_shared>>
      tpu.enqueue_dma source(%dma_start3A_96 : memref<640x64xf32, #tpu.memory_space<vmem_shared>>) target(%dma_start3A_94 : memref<640x64xf32, #tpu.memory_space<hbm>>) target_semaphore(%run_scoped3A : memref<!tpu.dma_semaphore, #tpu.memory_space<semaphore_mem>>)
      %dma_wait3A_97 = tpu.memref_slice %arg5[%mul3A_4, %mul3A_93] : memref<10240x128xf32, #tpu.memory_space<hbm>> -> memref<640x64xf32, #tpu.memory_space<hbm>>
      %dma_wait3A_98 = arith.constant 0 : i32
      %dma_wait3A_99 = tpu.memref_slice %arg9[%mul3A_4, %dma_wait3A_98] : memref<10240x64xf32, #tpu.memory_space<vmem_shared>> -> memref<640x64xf32, #tpu.memory_space<vmem_shared>>
      tpu.wait_dma2 semaphore(%run_scoped3A : memref<!tpu.dma_semaphore, #tpu.memory_space<semaphore_mem>>) src(%dma_wait3A_99 : memref<640x64xf32, #tpu.memory_space<vmem_shared>>) dst(%dma_wait3A_97 : memref<640x64xf32, #tpu.memory_space<hbm>>)
      tpu.yield
    }) : () -> ()
    return
  }
}

module attributes {stable_mosaic.version = 14 : i64} {
  func.func @body(%arg0: i32, %arg1: i32, %arg2: memref<512x128xf32, #tpu.memory_space<vmem>>, %arg3: memref<1x128x64xf32, #tpu.memory_space<vmem>>, %arg4: memref<512x64xf32, #tpu.memory_space<vmem>>) attributes {dimension_semantics = [#tpu.dimension_semantics<arbitrary>, #tpu.dimension_semantics<arbitrary>], iteration_bounds = array<i64: 20, 2>, scalar_prefetch = 0 : i64, scratch_operands = 0 : i64, tpu.core_type = #tpu.core_type<tc>, window_params = [{transform_indices = @transform_0, window_bounds = array<i64: 512, 128>}, {transform_indices = @transform_1, window_bounds = array<i64: 1, 128, 64>}, {transform_indices = @transform_2, window_bounds = array<i64: 512, 64>}]} {
    %get3A = arith.constant 0 : index
    %get3A_0 = arith.constant 0 : index
    %get3A_1 = vector.load %arg2[%get3A, %get3A_0] : memref<512x128xf32, #tpu.memory_space<vmem>>, vector<512x128xf32>
    %get3A_2 = arith.constant 0 : index
    %get3A_3 = arith.constant 0 : index
    %get3A_4 = arith.constant 0 : index
    %get3A_5 = vector.load %arg3[%get3A_2, %get3A_3, %get3A_4] : memref<1x128x64xf32, #tpu.memory_space<vmem>>, vector<1x128x64xf32>
    %get3A_6 = vector.shape_cast %get3A_5 : vector<1x128x64xf32> to vector<128x64xf32>
    %dot_general3A = arith.constant dense<0.000000e+00> : vector<512x64xf32>
    %dot_general3A_7 = tpu.matmul %get3A_1, %get3A_6, %dot_general3A {dimension_numbers = #tpu.dot_dimension_numbers<[1], [0], [0], [1], [0, 0, 1, 1], [], []>, transpose_lhs_hint = false} : vector<512x128xf32>, vector<128x64xf32>, vector<512x64xf32> -> vector<512x64xf32>
    %swap3A = arith.constant 0 : index
    %swap3A_8 = arith.constant 0 : index
    %swap3A_9 = vector.load %arg4[%swap3A, %swap3A_8] : memref<512x64xf32, #tpu.memory_space<vmem>>, vector<512x64xf32>
    tpu.vector_store %arg4[%swap3A, %swap3A_8], %dot_general3A_7 {strides = array<i32>} : memref<512x64xf32, #tpu.memory_space<vmem>>, vector<512x64xf32>,
    return
  }
  func.func @transform_0(%arg0: i32, %arg1: i32) -> (i32, i32) {
    %c0_i32 = arith.constant 0 : i32
    %c0_i32_0 = arith.constant 0 : i32
    return %arg0, %c0_i32 : i32, i32
  }
  func.func @transform_1(%arg0: i32, %arg1: i32) -> (i32, i32, i32) {
    %c0_i32 = arith.constant 0 : i32
    %c0_i32_0 = arith.constant 0 : i32
    %c0_i32_1 = arith.constant 0 : i32
    return %arg1, %c0_i32, %c0_i32_0 : i32, i32, i32
  }
  func.func @transform_2(%arg0: i32, %arg1: i32) -> (i32, i32) {
    %mul3A = arith.constant 20 : i32
    %mul3A_0 = arith.muli %arg1, %mul3A : i32
    %add3A = arith.addi %mul3A_0, %arg0 : i32
    %c0_i32 = arith.constant 0 : i32
    %c0_i32_1 = arith.constant 0 : i32
    return %add3A, %c0_i32 : i32, i32
  }
}

module attributes {stable_mosaic.version = 14 : i64} {
  func.func @body(%arg0: i32, %arg1: i32, %arg2: memref<512x64xf32, #tpu.memory_space<vmem>>, %arg3: memref<2x512x16xf32, #tpu.memory_space<vmem>>, %arg4: memref<512x64xf32, #tpu.memory_space<vmem>>) attributes {dimension_semantics = [#tpu.dimension_semantics<arbitrary>, #tpu.dimension_semantics<arbitrary>], iteration_bounds = array<i64: 20, 2>, scalar_prefetch = 0 : i64, scratch_operands = 0 : i64, tpu.core_type = #tpu.core_type<tc>, window_params = [{transform_indices = @transform_0, window_bounds = array<i64: 512, 64>}, {transform_indices = @transform_1, window_bounds = array<i64: 2, 512, 16>}, {transform_indices = @transform_2, window_bounds = array<i64: 512, 64>}]} {
    %get3A = arith.constant 0 : index
    %get3A_0 = arith.constant 0 : index
    %get3A_1 = vector.load %arg2[%get3A, %get3A_0] : memref<512x64xf32, #tpu.memory_space<vmem>>, vector<512x64xf32>
    %get3A_2 = arith.constant 0 : index
    %get3A_3 = arith.constant 0 : index
    %get3A_4 = arith.constant 0 : index
    %get3A_5 = vector.load %arg3[%get3A_2, %get3A_3, %get3A_4] : memref<2x512x16xf32, #tpu.memory_space<vmem>>, vector<1x512x1xf32>
    %get3A_6 = vector.shape_cast %get3A_5 : vector<1x512x1xf32> to vector<512x1xf32>
    %get3A_7 = arith.constant 1 : index
    %get3A_8 = arith.constant 0 : index
    %get3A_9 = arith.constant 0 : index
    %get3A_10 = vector.load %arg3[%get3A_7, %get3A_8, %get3A_9] : memref<2x512x16xf32, #tpu.memory_space<vmem>>, vector<1x512x1xf32>
    %get3A_11 = vector.shape_cast %get3A_10 : vector<1x512x1xf32> to vector<512x1xf32>
    %add3A = arith.addf %get3A_6, %get3A_11 : vector<512x1xf32>
    %add3A_12 = arith.constant 1.000000e+00 : f32
    %add3A_13 = vector.broadcast %add3A_12 : f32 to vector<512x1xf32>
    %add3A_14 = arith.addf %add3A, %add3A_13 : vector<512x1xf32>
    %rsqrt3A = math.rsqrt %add3A_14 : vector<512x1xf32>
    %mul3A = vector.broadcast %rsqrt3A : vector<512x1xf32> to vector<512x64xf32>
    %mul3A_15 = arith.mulf %get3A_1, %mul3A : vector<512x64xf32>
    %swap3A = arith.constant 0 : index
    %swap3A_16 = arith.constant 0 : index
    %swap3A_17 = vector.load %arg4[%swap3A, %swap3A_16] : memref<512x64xf32, #tpu.memory_space<vmem>>, vector<512x64xf32>
    tpu.vector_store %arg4[%swap3A, %swap3A_16], %mul3A_15 {strides = array<i32>} : memref<512x64xf32, #tpu.memory_space<vmem>>, vector<512x64xf32>,
    return
  }
  func.func @transform_0(%arg0: i32, %arg1: i32) -> (i32, i32) {
    %mul3A = arith.constant 20 : i32
    %mul3A_0 = arith.muli %arg1, %mul3A : i32
    %add3A = arith.addi %mul3A_0, %arg0 : i32
    %c0_i32 = arith.constant 0 : i32
    %c0_i32_1 = arith.constant 0 : i32
    return %add3A, %c0_i32 : i32, i32
  }
  func.func @transform_1(%arg0: i32, %arg1: i32) -> (i32, i32, i32) {
    %c0_i32 = arith.constant 0 : i32
    %c0_i32_0 = arith.constant 0 : i32
    %c0_i32_1 = arith.constant 0 : i32
    return %c0_i32, %arg0, %c0_i32_0 : i32, i32, i32
  }
  func.func @transform_2(%arg0: i32, %arg1: i32) -> (i32, i32) {
    %mul3A = arith.constant 20 : i32
    %mul3A_0 = arith.muli %arg1, %mul3A : i32
    %add3A = arith.addi %mul3A_0, %arg0 : i32
    %c0_i32 = arith.constant 0 : i32
    %c0_i32_1 = arith.constant 0 : i32
    return %add3A, %c0_i32 : i32, i32
  }
}

module attributes {stable_mosaic.version = 14 : i64} {
  func.func @body(%arg0: i32, %arg1: memref<512x128xf32, #tpu.memory_space<vmem>>, %arg2: memref<512x64xf32, #tpu.memory_space<vmem>>, %arg3: memref<512x64xf32, #tpu.memory_space<vmem>>, %arg4: memref<2x512x16xf32, #tpu.memory_space<vmem>>, %arg5: memref<128x48xf32, #tpu.memory_space<vmem>>, %arg6: memref<1x128xf32, #tpu.memory_space<vmem>>, %arg7: memref<512x48xf32, #tpu.memory_space<vmem>>) attributes {dimension_semantics = [#tpu.dimension_semantics<arbitrary>], iteration_bounds = array<i64: 20>, scalar_prefetch = 0 : i64, scratch_operands = 0 : i64, tpu.core_type = #tpu.core_type<tc>, window_params = [{transform_indices = @transform_0, window_bounds = array<i64: 512, 128>}, {transform_indices = @transform_1, window_bounds = array<i64: 512, 64>}, {transform_indices = @transform_2, window_bounds = array<i64: 512, 64>}, {transform_indices = @transform_3, window_bounds = array<i64: 2, 512, 16>}, {pipeline_mode = #tpu.pipeline_mode<synchronous>, transform_indices = @transform_4, window_bounds = array<i64: 128, 48>}, {pipeline_mode = #tpu.pipeline_mode<synchronous>, transform_indices = @transform_5, window_bounds = array<i64: 1, 128>}, {transform_indices = @transform_6, window_bounds = array<i64: 512, 48>}]} {
    %get3A = arith.constant 0 : index
    %get3A_0 = arith.constant 0 : index
    %get3A_1 = arith.constant 0 : index
    %get3A_2 = vector.load %arg4[%get3A, %get3A_0, %get3A_1] : memref<2x512x16xf32, #tpu.memory_space<vmem>>, vector<1x512x1xf32>
    %get3A_3 = vector.shape_cast %get3A_2 : vector<1x512x1xf32> to vector<512x1xf32>
    %get3A_4 = arith.constant 1 : index
    %get3A_5 = arith.constant 0 : index
    %get3A_6 = arith.constant 0 : index
    %get3A_7 = vector.load %arg4[%get3A_4, %get3A_5, %get3A_6] : memref<2x512x16xf32, #tpu.memory_space<vmem>>, vector<1x512x1xf32>
    %get3A_8 = vector.shape_cast %get3A_7 : vector<1x512x1xf32> to vector<512x1xf32>
    %add3A = arith.addf %get3A_3, %get3A_8 : vector<512x1xf32>
    %add3A_9 = arith.constant 1.000000e+00 : f32
    %add3A_10 = vector.broadcast %add3A_9 : f32 to vector<512x1xf32>
    %add3A_11 = arith.addf %add3A, %add3A_10 : vector<512x1xf32>
    %rsqrt3A = math.rsqrt %add3A_11 : vector<512x1xf32>
    %get3A_12 = arith.constant 0 : index
    %get3A_13 = arith.constant 0 : index
    %get3A_14 = vector.load %arg2[%get3A_12, %get3A_13] : memref<512x64xf32, #tpu.memory_space<vmem>>, vector<512x64xf32>
    %get3A_15 = arith.constant 0 : index
    %get3A_16 = arith.constant 0 : index
    %get3A_17 = vector.load %arg3[%get3A_15, %get3A_16] : memref<512x64xf32, #tpu.memory_space<vmem>>, vector<512x64xf32>
    %concatenate3A = tpu.concatenate %get3A_14, %get3A_17 in 1 : vector<512x64xf32>, vector<512x64xf32> -> vector<512x128xf32>
    %get3A_18 = arith.constant 0 : index
    %get3A_19 = arith.constant 0 : index
    %get3A_20 = vector.load %arg1[%get3A_18, %get3A_19] : memref<512x128xf32, #tpu.memory_space<vmem>>, vector<512x128xf32>
    %add3A_21 = arith.addf %get3A_20, %concatenate3A : vector<512x128xf32>
    %mul3A = vector.broadcast %rsqrt3A : vector<512x1xf32> to vector<512x128xf32>
    %mul3A_22 = arith.mulf %mul3A, %add3A_21 : vector<512x128xf32>
    %get3A_23 = arith.constant 0 : index
    %get3A_24 = arith.constant 0 : index
    %get3A_25 = vector.load %arg6[%get3A_23, %get3A_24] : memref<1x128xf32, #tpu.memory_space<vmem>>, vector<1x128xf32>
    %add3A_26 = vector.broadcast %get3A_25 : vector<1x128xf32> to vector<512x128xf32>
    %add3A_27 = arith.addf %mul3A_22, %add3A_26 : vector<512x128xf32>
    %max3A = arith.constant 0.000000e+00 : f32
    %max3A_28 = vector.broadcast %max3A : f32 to vector<512x128xf32>
    %max3A_29 = arith.maximumf %add3A_27, %max3A_28 : vector<512x128xf32>
    %get3A_30 = arith.constant 0 : index
    %get3A_31 = arith.constant 0 : index
    %get3A_32 = vector.load %arg5[%get3A_30, %get3A_31] : memref<128x48xf32, #tpu.memory_space<vmem>>, vector<128x48xf32>
    %dot_general3A = arith.constant dense<0.000000e+00> : vector<512x48xf32>
    %dot_general3A_33 = tpu.matmul %max3A_29, %get3A_32, %dot_general3A {dimension_numbers = #tpu.dot_dimension_numbers<[1], [0], [0], [1], [0, 0, 1, 1], [], []>, transpose_lhs_hint = false} : vector<512x128xf32>, vector<128x48xf32>, vector<512x48xf32> -> vector<512x48xf32>
    %mul3A_34 = vector.broadcast %rsqrt3A : vector<512x1xf32> to vector<512x48xf32>
    %mul3A_35 = arith.mulf %dot_general3A_33, %mul3A_34 : vector<512x48xf32>
    %swap3A = arith.constant 0 : index
    %swap3A_36 = arith.constant 0 : index
    %swap3A_37 = vector.load %arg7[%swap3A, %swap3A_36] : memref<512x48xf32, #tpu.memory_space<vmem>>, vector<512x48xf32>
    tpu.vector_store %arg7[%swap3A, %swap3A_36], %mul3A_35 {strides = array<i32>} : memref<512x48xf32, #tpu.memory_space<vmem>>, vector<512x48xf32>,
    return
  }
  func.func @transform_0(%arg0: i32) -> (i32, i32) {
    %c0_i32 = arith.constant 0 : i32
    %c0_i32_0 = arith.constant 0 : i32
    return %arg0, %c0_i32 : i32, i32
  }
  func.func @transform_1(%arg0: i32) -> (i32, i32) {
    %c0_i32 = arith.constant 0 : i32
    %c0_i32_0 = arith.constant 0 : i32
    return %arg0, %c0_i32 : i32, i32
  }
  func.func @transform_2(%arg0: i32) -> (i32, i32) {
    %add3A = arith.constant 20 : i32
    %add3A_0 = arith.addi %add3A, %arg0 : i32
    %c0_i32 = arith.constant 0 : i32
    %c0_i32_1 = arith.constant 0 : i32
    return %add3A_0, %c0_i32 : i32, i32
  }
  func.func @transform_3(%arg0: i32) -> (i32, i32, i32) {
    %c0_i32 = arith.constant 0 : i32
    %c0_i32_0 = arith.constant 0 : i32
    %c0_i32_1 = arith.constant 0 : i32
    return %c0_i32, %arg0, %c0_i32_0 : i32, i32, i32
  }
  func.func @transform_4(%arg0: i32) -> (i32, i32) {
    %c0_i32 = arith.constant 0 : i32
    %c0_i32_0 = arith.constant 0 : i32
    %c0_i32_1 = arith.constant 0 : i32
    return %c0_i32, %c0_i32_0 : i32, i32
  }
  func.func @transform_5(%arg0: i32) -> (i32, i32) {
    %c0_i32 = arith.constant 0 : i32
    %c0_i32_0 = arith.constant 0 : i32
    %c0_i32_1 = arith.constant 0 : i32
    return %c0_i32, %c0_i32_0 : i32, i32
  }
  func.func @transform_6(%arg0: i32) -> (i32, i32) {
    %c0_i32 = arith.constant 0 : i32
    %c0_i32_0 = arith.constant 0 : i32
    return %arg0, %c0_i32 : i32, i32
  }
}

module attributes {stable_mosaic.version = 14 : i64} {
  func.func @body(%arg0: i32, %arg1: memref<2x512x48xf32, #tpu.memory_space<vmem>>, %arg2: memref<512x48xf32, #tpu.memory_space<vmem>>, %arg3: memref<2x512x16xf32, #tpu.memory_space<vmem>>, %arg4: memref<1x48xf32, #tpu.memory_space<vmem>>, %arg5: memref<512x48xf32, #tpu.memory_space<vmem>>) attributes {dimension_semantics = [#tpu.dimension_semantics<arbitrary>], iteration_bounds = array<i64: 20>, scalar_prefetch = 0 : i64, scratch_operands = 0 : i64, tpu.core_type = #tpu.core_type<tc>, window_params = [{transform_indices = @transform_0, window_bounds = array<i64: 2, 512, 48>}, {transform_indices = @transform_1, window_bounds = array<i64: 512, 48>}, {transform_indices = @transform_2, window_bounds = array<i64: 2, 512, 16>}, {pipeline_mode = #tpu.pipeline_mode<synchronous>, transform_indices = @transform_3, window_bounds = array<i64: 1, 48>}, {transform_indices = @transform_4, window_bounds = array<i64: 512, 48>}]} {
    %get3A = arith.constant 0 : index
    %get3A_0 = arith.constant 0 : index
    %get3A_1 = arith.constant 0 : index
    %get3A_2 = vector.load %arg3[%get3A, %get3A_0, %get3A_1] : memref<2x512x16xf32, #tpu.memory_space<vmem>>, vector<1x512x1xf32>
    %get3A_3 = vector.shape_cast %get3A_2 : vector<1x512x1xf32> to vector<512x1xf32>
    %get3A_4 = arith.constant 1 : index
    %get3A_5 = arith.constant 0 : index
    %get3A_6 = arith.constant 0 : index
    %get3A_7 = vector.load %arg3[%get3A_4, %get3A_5, %get3A_6] : memref<2x512x16xf32, #tpu.memory_space<vmem>>, vector<1x512x1xf32>
    %get3A_8 = vector.shape_cast %get3A_7 : vector<1x512x1xf32> to vector<512x1xf32>
    %add3A = arith.addf %get3A_3, %get3A_8 : vector<512x1xf32>
    %add3A_9 = arith.constant 1.000000e+00 : f32
    %add3A_10 = vector.broadcast %add3A_9 : f32 to vector<512x1xf32>
    %add3A_11 = arith.addf %add3A, %add3A_10 : vector<512x1xf32>
    %rsqrt3A = math.rsqrt %add3A_11 : vector<512x1xf32>
    %get3A_12 = arith.constant 0 : index
    %get3A_13 = arith.constant 0 : index
    %get3A_14 = arith.constant 0 : index
    %get3A_15 = vector.load %arg1[%get3A_12, %get3A_13, %get3A_14] : memref<2x512x48xf32, #tpu.memory_space<vmem>>, vector<1x512x48xf32>
    %get3A_16 = vector.shape_cast %get3A_15 : vector<1x512x48xf32> to vector<512x48xf32>
    %get3A_17 = arith.constant 1 : index
    %get3A_18 = arith.constant 0 : index
    %get3A_19 = arith.constant 0 : index
    %get3A_20 = vector.load %arg1[%get3A_17, %get3A_18, %get3A_19] : memref<2x512x48xf32, #tpu.memory_space<vmem>>, vector<1x512x48xf32>
    %get3A_21 = vector.shape_cast %get3A_20 : vector<1x512x48xf32> to vector<512x48xf32>
    %add3A_22 = arith.addf %get3A_16, %get3A_21 : vector<512x48xf32>
    %get3A_23 = arith.constant 0 : index
    %get3A_24 = arith.constant 0 : index
    %get3A_25 = vector.load %arg2[%get3A_23, %get3A_24] : memref<512x48xf32, #tpu.memory_space<vmem>>, vector<512x48xf32>
    %add3A_26 = arith.addf %add3A_22, %get3A_25 : vector<512x48xf32>
    %mul3A = vector.broadcast %rsqrt3A : vector<512x1xf32> to vector<512x48xf32>
    %mul3A_27 = arith.mulf %mul3A, %add3A_26 : vector<512x48xf32>
    %get3A_28 = arith.constant 0 : index
    %get3A_29 = arith.constant 0 : index
    %get3A_30 = vector.load %arg4[%get3A_28, %get3A_29] : memref<1x48xf32, #tpu.memory_space<vmem>>, vector<1x48xf32>
    %add3A_31 = vector.broadcast %get3A_30 : vector<1x48xf32> to vector<512x48xf32>
    %add3A_32 = arith.addf %mul3A_27, %add3A_31 : vector<512x48xf32>
    %iota3A = tpu.iota {dimensions = array<i32: 1>} : vector<512x48xi32>
    %lt3A = arith.constant 40 : i32
    %lt3A_33 = vector.broadcast %lt3A : i32 to vector<512x48xi32>
    %lt3A_34 = arith.cmpi slt, %iota3A, %lt3A_33 : vector<512x48xi32>
    %jit3A = arith.constant -1.000000e+30 : f32
    %broadcast_in_dim3A = vector.broadcast %jit3A : f32 to vector<512x48xf32>
    %select_n3A = arith.select %lt3A_34, %add3A_32, %broadcast_in_dim3A : vector<512x48xi1>, vector<512x48xf32>
    %reduce_max3A = arith.constant dense<0xFF800000> : vector<512xf32>
    %reduce_max3A_35 = vector.multi_reduction <maximumf>, %select_n3A, %reduce_max3A [1] : vector<512x48xf32> to vector<512xf32>
    %broadcast_in_dim3A_36 = vector.shape_cast %reduce_max3A_35 : vector<512xf32> to vector<512x1xf32>
    %sub3A = vector.broadcast %broadcast_in_dim3A_36 : vector<512x1xf32> to vector<512x48xf32>
    %sub3A_37 = arith.subf %select_n3A, %sub3A : vector<512x48xf32>
    %exp3A = math.exp %sub3A_37 : vector<512x48xf32>
    %reduce_sum3A = arith.constant dense<0.000000e+00> : vector<512xf32>
    %reduce_sum3A_38 = vector.multi_reduction <add>, %exp3A, %reduce_sum3A [1] : vector<512x48xf32> to vector<512xf32>
    %broadcast_in_dim3A_39 = vector.shape_cast %reduce_sum3A_38 : vector<512xf32> to vector<512x1xf32>
    %log3A = math.log %broadcast_in_dim3A_39 : vector<512x1xf32>
    %sub3A_40 = vector.broadcast %broadcast_in_dim3A_36 : vector<512x1xf32> to vector<512x48xf32>
    %sub3A_41 = arith.subf %select_n3A, %sub3A_40 : vector<512x48xf32>
    %sub3A_42 = vector.broadcast %log3A : vector<512x1xf32> to vector<512x48xf32>
    %sub3A_43 = arith.subf %sub3A_41, %sub3A_42 : vector<512x48xf32>
    %swap3A = arith.constant 0 : index
    %swap3A_44 = arith.constant 0 : index
    %swap3A_45 = vector.load %arg5[%swap3A, %swap3A_44] : memref<512x48xf32, #tpu.memory_space<vmem>>, vector<512x48xf32>
    tpu.vector_store %arg5[%swap3A, %swap3A_44], %sub3A_43 {strides = array<i32>} : memref<512x48xf32, #tpu.memory_space<vmem>>, vector<512x48xf32>,
    return
  }
  func.func @transform_0(%arg0: i32) -> (i32, i32, i32) {
    %c0_i32 = arith.constant 0 : i32
    %c0_i32_0 = arith.constant 0 : i32
    %c0_i32_1 = arith.constant 0 : i32
    return %c0_i32, %arg0, %c0_i32_0 : i32, i32, i32
  }
  func.func @transform_1(%arg0: i32) -> (i32, i32) {
    %c0_i32 = arith.constant 0 : i32
    %c0_i32_0 = arith.constant 0 : i32
    return %arg0, %c0_i32 : i32, i32
  }
  func.func @transform_2(%arg0: i32) -> (i32, i32, i32) {
    %c0_i32 = arith.constant 0 : i32
    %c0_i32_0 = arith.constant 0 : i32
    %c0_i32_1 = arith.constant 0 : i32
    return %c0_i32, %arg0, %c0_i32_0 : i32, i32, i32
  }
  func.func @transform_3(%arg0: i32) -> (i32, i32) {
    %c0_i32 = arith.constant 0 : i32
    %c0_i32_0 = arith.constant 0 : i32
    %c0_i32_1 = arith.constant 0 : i32
    return %c0_i32, %c0_i32_0 : i32, i32
  }
  func.func @transform_4(%arg0: i32) -> (i32, i32) {
    %c0_i32 = arith.constant 0 : i32
    %c0_i32_0 = arith.constant 0 : i32
    return %arg0, %c0_i32 : i32, i32
  }
}

</mosaic_0001>

<sc_bundles>
// kernel: kernel.12.cloned.1.call-start
scs
__scs_entry_jumppad:
0x0: {  	(pc) =	sbr.rel $0x88, $3  }
0x1: {  	(tag) =	ssettag $0x0;
	lr =	simm.s32 $0x1  }
0x2: {  	[smem:$0x3F9B] =	sst lr;
	_ =	strace $0xD0000000  }
0x3: {  	_ = 	snop  }
0x4: {  	_ = 	snop  }
0x5: {  	_ = 	snop  }
0x6: {  	_ = 	snop  }
0x7: {  	_ = 	snop  }
__scs_overlays_trampoline_lowered:
0x8: {  	[smem:$0x3FAA] =	sst s0  }
0x9: {  	[smem:$0x3FAB] =	sst s1  }
0xa: {  	[smem:$0x3FAC] =	sst s2  }
0xb: {  	[smem:$0x3FAD] =	sst s3  }
0xc: {  	[smem:$0x3FAE] =	sst s4  }
0xd: {  	[smem:$0x3FAF] =	sst s5  }
0xe: {  	[smem:$0x3FB0] =	sst s6  }
0xf: {  	[smem:$0x3FB1] =	sst s7  }
0x10: {  	[smem:$0x3FB2] =	sst s8  }
0x11: {  	[smem:$0x3FB3] =	sst s9;
	s0 =	simm.s32 @!p0 $0x0  }
0x12: {  	s1 =	sld [smem:$0x3F99];
	s0 =	simm.s32 @p0 $0x1  }
0x13: {  	[smem:$0x3FB4] =	sst s0;
	s0 =	simm.s32 @!p1 $0x0  }
0x14: {  	s2 =	sld [smem:$0x3F98];
	s0 =	simm.s32 @p1 $0x1  }
0x15: {  	[smem:$0x3FB5] =	sst s0;
	s0 =	simm.s32 @!p2 $0x0  }
0x16: {  	s3 =	sld [smem:$0x3FDB];
	s0 =	simm.s32 @p2 $0x1  }
0x17: {  	s4 =	simm.s32 $0x1BF5;
	[smem:$0x3FB7] =	sst s0  }
0x18: {  	s0 =	sld [smem:$0x3F9A];
	_ =	swait.ge [sflag:s4], $0x0  }
0x19: {  	s7 =	sld [smem:$0x3F9B]  }
0x1a: {  	s8 =	sadd.s32 $0xFFFFE003, lr  }
0x1b: {  	s9 =	sadd.s32 $0xFFFFFEF7, lr;
	s5 =	simm.s32 $0xFFFFFFFF;
	p2 =	slt.u32 s8, $0xFFFFF086  }
0x1c: {  	p1 =	slt.u32 s9, $0xF7A;
	s5 =	simm.s32 @!p2 $0x0  }
0x1d: {  	s5 =	simm.s32 @p1 $0x1;
	p0 =	seq.s32 s7, s2  }
0x1e: {  	s7 =	smul.u32 @!p0 $0xF7A, s2;
	p2 =	seq.s32 @!p0 s5, $0x0  }
0x1f: {  	s9 =	smul.u32 $0xF7A, s1;
	s8 =	simm.s32 @!p0 $0x1BF5;
	p2 =	por !p2, p0  }
0x20: {  	[sflag:s8] =	ssyncset.s32 @!p0 $0xFFFFF086;
	s6 =	sadd.s32 @!p0 s3, s7;
	s7 =	simm.s32 @!p0 $0x108  }
0x21: {  	s3 =	sadd.s32 s3, s9;
	s6 =	sadd.s32 @!p0 $0x88, s6;
	s7 =	simm.s32 @p2 $0x1082  }
0x22: {  	[simem:s7], [sflag:s8] =	dma.local @!p0 [hbm:s6], $0xF7A  }
0x23: {  	s9 =	sor.u32 $0xD0000000, s2;
	s6 =	simm.s32 $0x108;
	_ =	swait.ge @!p0 [sflag:s8], $0x0  }
0x24: {  	s3 =	sadd.s32 $0x88, s3;
	s6 =	simm.s32 @!p1 $0x1082;
	[sflag:s4] =	ssyncset.s32 $0xFFFFF086  }
0x25: {  	[simem:s6], [sflag:s4] =	dma.local [hbm:s3], $0xF7A  }
0x26: {  	[smem:$0x3F9B] =	sst s1;
	(tag) =	ssettag s2;
	_ =	strace s9  }
0x27: {  	s1 =	sld [smem:$0x3FAB]  }
0x28: {  	s2 =	sld [smem:$0x3FAC]  }
0x29: {  	s4 =	sld [smem:$0x3FAE]  }
0x2a: {  	p0 =	seq.s32 s5, $0x0;
	s5 =	sld [smem:$0x3FAF]  }
0x2b: {  	s6 =	sld [smem:$0x3FB0]  }
0x2c: {  	s7 =	sld [smem:$0x3FB1]  }
0x2d: {  	s3 =	simm.s32 $0x108;
	s8 =	sld [smem:$0x3FB2]  }
0x2e: {  	s3 =	simm.s32 @!p0 $0x1082;
	s9 =	sld [smem:$0x3FB3]  }
0x2f: {  	lr =	sadd.s32 s0, s3;
	s0 =	sld [smem:$0x3FAA]  }
0x30: {  	s3 =	sld [smem:$0x3FAD]  }
0x31: {  	[smem:$0x3FB6] =	sst s10  }
0x32: {  	s10 =	sld [smem:$0x3FB4];
	_ =	sdelay $0x3  }
0x33: {  	p0 =	seq.s32 s10, $0x1;
	s10 =	sld [smem:$0x3FB6];
	_ =	sdelay $0x3  }
0x34: {  	[smem:$0x3FB6] =	sst s10  }
0x35: {  	s10 =	sld [smem:$0x3FB5];
	_ =	sdelay $0x3  }
0x36: {  	p1 =	seq.s32 s10, $0x1;
	s10 =	sld [smem:$0x3FB6];
	_ =	sdelay $0x3  }
0x37: {  	[smem:$0x3FB6] =	sst s10  }
0x38: {  	s10 =	sld [smem:$0x3FB7]  }
0x39: {  	_ = 	snop;
	(pc) =	sbr.ind lr, $3  }
0x3a: {  	_ = 	snop  }
0x3b: {  	_ = 	snop  }
0x3c: {  	p2 =	seq.s32 s10, $0x1;
	s10 =	sld [smem:$0x3FB6]  }
0x3d: {  	_ =	shalt  }
0x3e: {  	_ =	shalt  }
0x3f: {  	_ =	shalt  }
0x40: {  	_ =	shalt  }
0x41: {  	_ =	shalt  }
0x42: {  	_ =	shalt  }
0x43: {  	_ =	shalt  }
0x44: {  	_ =	shalt  }
0x45: {  	_ =	shalt  }
0x46: {  	_ =	shalt  }
0x47: {  	_ =	shalt  }
0x48: {  	_ =	shalt  }
0x49: {  	_ =	shalt  }
0x4a: {  	_ =	shalt  }
0x4b: {  	_ =	shalt  }
0x4c: {  	_ =	shalt  }
0x4d: {  	_ =	shalt  }
0x4e: {  	_ =	shalt  }
0x4f: {  	_ =	shalt  }
0x50: {  	_ =	shalt  }
0x51: {  	_ =	shalt  }
0x52: {  	_ =	shalt  }
0x53: {  	_ =	shalt  }
0x54: {  	_ =	shalt  }
0x55: {  	_ =	shalt  }
0x56: {  	_ =	shalt  }
0x57: {  	_ =	shalt  }
0x58: {  	_ =	shalt  }
0x59: {  	_ =	shalt  }
0x5a: {  	_ =	shalt  }
0x5b: {  	_ =	shalt  }
0x5c: {  	_ =	shalt  }
0x5d: {  	_ =	shalt  }
0x5e: {  	_ =	shalt  }
0x5f: {  	_ =	shalt  }
0x60: {  	_ =	shalt  }
0x61: {  	_ =	shalt  }
0x62: {  	_ =	shalt  }
0x63: {  	_ =	shalt  }
0x64: {  	_ =	shalt  }
0x65: {  	_ =	shalt  }
0x66: {  	_ =	shalt  }
0x67: {  	_ =	shalt  }
0x68: {  	_ =	shalt  }
0x69: {  	_ =	shalt  }
0x6a: {  	_ =	shalt  }
0x6b: {  	_ =	shalt  }
0x6c: {  	_ =	shalt  }
0x6d: {  	_ =	shalt  }
0x6e: {  	_ =	shalt  }
0x6f: {  	_ =	shalt  }
0x70: {  	_ =	shalt  }
0x71: {  	_ =	shalt  }
0x72: {  	_ =	shalt  }
0x73: {  	_ =	shalt  }
0x74: {  	_ =	shalt  }
0x75: {  	_ =	shalt  }
0x76: {  	_ =	shalt  }
0x77: {  	_ =	shalt  }
0x78: {  	_ =	shalt  }
0x79: {  	_ =	shalt  }
0x7a: {  	_ =	shalt  }
0x7b: {  	_ =	shalt  }
0x7c: {  	_ =	shalt  }
0x7d: {  	_ =	shalt  }
0x7e: {  	_ =	shalt  }
0x7f: {  	_ =	shalt  }
0x80: {  	_ =	shalt  }
0x81: {  	_ =	shalt  }
0x82: {  	_ =	shalt  }
0x83: {  	_ =	shalt  }
0x84: {  	_ =	shalt  }
0x85: {  	_ =	shalt  }
0x86: {  	_ =	shalt  }
0x87: {  	_ =	shalt  }
.Lfunc_end0:
.L_simem_size_0:
called_computation.1_lowered:
.L_overlay_start_0:
0x88: {  	s2 =	sld [smem:$0x3FD9]  }
0x89: {  	s3 =	sld [smem:$0x3FFE];
	_ =	sdelay $0x1  }
0x8a: {  	s1 =	srdreg.scid  }
0x8b: {  	s0 =	sand.u32 $0x1, s1  }
0x8c: {  	s17 =	sshll.u32 s0, $0xA;
	s2 =	sadd.s32 s3, s2  }
0x8d: {  	s2 =	sadd.s32 s2, s17  }
0x8e: {  	[smem:$0x3FC2] =	sst s2  }
0x8f: {  	_ = 	snop  }
0x90: {  	s2 =	sld [smem:$0x3FD0];
	(tm) =	ssettm $0x1  }
0x91: {  	s18 =	sld [smem:$0x3FFB];
	_ =	sdelay $0x3  }
0x92: {  	_ =	strace s18  }
0x93: {  	s3 =	sld [smem:$0x3FFC];
	_ =	sdelay $0x3  }
0x94: {  	_ =	strace s3  }
0x95: {  	s3 =	sld [smem:$0x3FFD];
	_ =	sdelay $0x3  }
0x96: {  	_ =	strace s3  }
0x97: {  	_ =	strace $0x8FFFFFFF  }
0x98: {  	s19 =	sld [smem:$0x3FDB];
	_ =	sdelay $0x1  }
0x99: {  	s4 =	simm.s32 $_scs_section_size  }
0x9a: {  	s5 =	simm.s32 $_size__tile_overlayer_lowered;
	s6 =	simm.s32 $_tile_overlayer_lowered  }
0x9b: {  	s22 =	simm.s32 $0x1BFF;
	s21 =	sshll.u32 s6, $0x1;
	s3 =	sadd.s32 s4, s19  }
0x9c: {  	s7 =	simm.s32 $0x0;
	s20 =	sshll.u32 s5, $0x1;
	s5 =	sadd.s32 s21, s3  }
0x9d: {  	[timem:s7], [sflag:s22] =	dma.local [hbm:s5], s20  }
0x9e: {  	_ =	swait.ge [sflag:s22], s20  }
0x9f: {  	s4 =	ssub.s32 $0x0, s20;
	[sflag:s22] =	ssyncset.done $0x0  }
0xa0: {  	[sflag:s22] =	ssyncadd.s32 s4;
	_ =	sdelay $0x1  }
0xa1: {  	s23 =	simm.s32 $0x1B8B  }
0xa2: {  	_ =	swait.ge [sflag:s23], $0x1  }
0xa3: {  	[sflag:s23] =	ssyncset.done $0x0  }
0xa4: {  	s25 =	simm.s32 $0x1B8E;
	s24 =	sld [smem:$0x3FFE];
	[sflag:s23] =	ssyncadd.s32 $0xFFFFFFFF  }
0xa5: {  	s26 =	simm.s32 $execute0_lowered;
	[smem:$0x3FD2] =	sst s25  }
0xa6: {  	s5 =	sshll.u32 s26, $0x1;
	_ =	strace $0x80000049;
	[dreg:$0x1] =	wrdreg $0xFFFFFFFF  }
0xa7: {  	s28 =	simm.s32 $_size_execute0_lowered;
	s3 =	sadd.s32 s3, s5;
	[dreg:$0x0] =	wrdreg $0x0  }
0xa8: {  	s5 =	sshll.u32 s28, $0x1;
	[dreg:$0x2] =	wrdreg s3  }
0xa9: {  	[dreg:$0x3] =	wrdreg s5  }
0xaa: {  	[dreg:$0x4] =	wrdreg $0xC0  }
0xab: {  	_ =	task [dreg:s7], $0x5FFFF  }
0xac: {  	[dreg:$0x1] =	wrdreg $0xFFFFFFFF  }
0xad: {  	[dreg:$0x0] =	wrdreg $0x60  }
0xae: {  	[dreg:$0x2] =	wrdreg s24  }
0xaf: {  	[dreg:$0x3] =	wrdreg s2  }
0xb0: {  	[dreg:$0x4] =	wrdreg $0x120000  }
0xb1: {  	[dreg:$0x5] =	wrdreg $0x9  }
0xb2: {  	_ =	task.clear_ibuf [dreg:s7], $0x6FFFF;
	_ =	strace $0x90000049  }
0xb3: {  	s29 =	simm.s32 $0x9;
	_ =	strace $0x8000004B  }
0xb4: {  	_ =	swait.ge [sflag:s29], $0x1  }
0xb5: {  	[sflag:s29] =	ssyncadd.s32 $0xFFFFFFFF  }
0xb6: {  	_ =	strace $0x9000004B  }
0xb7: {  	_ =	sfence  }
0xb8: {  	s30 =	sld [smem:$0x0];
	_ =	sdelay $0x2  }
0xb9: {  	s31 =	sshll.u32 s1, $0xD;
	s1 =	sshrl.u32 s1, $0x2  }
0xba: {  	s3 =	sand.u32 $0x4000, s31;
	s1 =	sadd.s32 s1, s30  }
0xbb: {  	s0 =	sor.u32 s3, s0;
	s1 =	sshll.u32 s1, $0x11  }
0xbc: {  	s0 =	sor.u32 s1, s0  }
0xbd: {  	s0 =	sadd.s32 $0x8F2B, s0  }
0xbe: {  	[sflag:s0] =	ssyncadd.remote.s32 $0x1  }
0xbf: {  	_ =	sfence.sel $0xFFFF  }
0xc0: {  	[dreg:$0x0] =	wrdreg $0xFFFFFFFF;
	(pc) =	sbr.abs _section_cstart, $3  }
0xc1: {  	[dreg:$0x1] =	wrdreg $0xFFFFFFFF  }
0xc2: {  	_ =	task.clear_ibuf [dreg:s7], $0x2FFFF;
	_ =	strace $0x9FFFFFFF  }
0xc3: {  	(tm) =	ssettm $0x7FFFFFFF  }
tec
execute0_lowered:
.L_overlay_start_1:
0x0: {  	(tag) =	ssettag $0x1  }
0x1: {  	s0 =	rddreg [dreg:$0x0]  }
0x2: {  	s1 =	rddreg [dreg:$0x1]  }
0x3: {  	s2 =	rddreg [dreg:$0x2]  }
0x4: {  	s3 =	srdreg.scid;
	s9 =	stileid.u32  }
0x5: {  	s14 =	simm.s32 $0xA000;
	s15 =	simm.s32 $0x9;
	s16 =	simm.s32 $0x5000  }
0x6: {  	s17 =	simm.s32 $0x80;
	s18 =	simm.s32 $0xC000;
	s19 =	simm.s32 $0x1  }
0x7: {  	s21 =	simm.s32 $0xE000;
	s22 =	simm.s32 $0x2;
	s25 =	simm.s32 $0x10000  }
0x8: {  	s26 =	simm.s32 $0x3;
	s29 =	simm.s32 $0x5;
	s31 =	simm.s32 $0x4  }
0x9: {  	s23 =	simm.s32 $0x7;
	s24 =	simm.s32 $0x8;
	s6 =	smul.u32 $0x14000, s9  }
0xa: {  	s5 =	sand.u32 $0x1, s3;
	s3 =	simm.s32 $0x0;
	s28 =	smul.u32 $0x28000, s9  }
0xb: {  	s4 =	sshll.u32 s5, $0x4;
	[smem:$0x7FF] =	sst s3;
	s7 =	sshll.u32 s5, $0x6  }
0xc: {  	s5 =	ssub.s32 $0x2, s5;
	s4 =	sor.u32 s9, s4;
	_ =	strace $0x8000004A  }
0xd: {  	s6 =	sor.u32 s7, s6;
	s30 =	sshrl.u32 s5, $0x1;
	s9 =	smul.u32 $0xA00, s9  }
0xe: {  	s7 =	sshrl.u32 s28, $0x2;
	s8 =	smul.u32 $0xA00, s4;
	s4 =	sadd.s32 $0x79C00, s0  }
.Ltmp0:
0xf: {  	s6 =	sshrl.u32 s6, $0x3;
	s10 =	ssub.s32 s5, s30;
	(pc) =	sbr.rel .LBB2_1-.Ltmp0, $4  }
0x10: {  	s5 =	sadd.s32 s7, s2;
	s7 =	sadd.s32 s1, s9;
	s9 =	smax.u32 s10, $0x1  }
0x11: {  	s10 =	sadd.s32 $0x2000, s5;
	s11 =	sadd.s32 $0x4000, s5;
	s12 =	sadd.s32 $0x6000, s5  }
0x12: {  	s13 =	sadd.s32 $0x8000, s5;
	s8 =	sadd.s32 s8, s0;
	s0 =	sadd.s32 s6, s0  }
0x13: {  	v0 =	vimm.f32 $0.0e+00;
	s1 =	simm.s32 $0x6;
	s6 =	sadd.s32 $0x15C00, s8;
	s8 =	sadd.s32 $0xA1C00, s0  }
.LBB2_6:
0x14: {  	_ =	swait.ge [sflag:s31], $0x2000  }
0x15: {  	[sflag:s31] =	ssyncset.done $0x0  }
0x16: {  	[sflag:s31] =	ssyncadd.s32 $0xFFFFE000  }
0x17: {  	[spmem:s2] =	stream.indirect.scatter.add.f32 [tilespmem:s25], [sflag:$0x8], $0x40, s20, s17, $0xb8;
	[tilespmem:$0x1C000] =	vst v63  }
0x18: {  	_ =	swait.ge [sflag:s29], $0x2000  }
0x19: {  	[sflag:s29] =	ssyncset.done $0x0  }
0x1a: {  	[sflag:s29] =	ssyncadd.s32 $0xFFFFE000  }
0x1b: {  	_ =	swait.ge [sflag:s1], $0x2000  }
0x1c: {  	[sflag:s1] =	ssyncset.done $0x0  }
0x1d: {  	[sflag:s1] =	ssyncadd.s32 $0xFFFFE000  }
0x1e: {  	_ =	swait.ge [sflag:s23], $0x2000  }
0x1f: {  	[sflag:s23] =	ssyncset.done $0x0  }
0x20: {  	[sflag:s23] =	ssyncadd.s32 $0xFFFFE000  }
0x21: {  	s0 =	stileid.u32;
	s30 =	sshrl.u32 s5, $0x3;
	_ =	swait.ge [sflag:s24], $0x2000  }
0x22: {  	s28 =	simm.s32 $0x10;
	s3 =	sadd.s32 $0x1, s3;
	[sflag:s24] =	ssyncset.done $0x0  }
0x23: {  	s0 =	sshll.u32 s0, $0x6;
	p0 =	sne.s32 s3, s9;
	[sflag:s24] =	ssyncadd.s32 $0xFFFFE000  }
.Ltmp1:
0x24: {  	s0 =	sor.u32 $0x1C09, s0;
	[bflag:$0x0] =	sbarrier.arrive $0xFFFF;
	(pc) =	sbr.rel @!p0 .LBB2_7-.Ltmp1, $4  }
0x25: {  	[hbm:s8@s28], [sflag:s0] =	dma.strided [spmem:s30@s24], $0x1400, s19, $0x8   }
0x26: {  	_ =	swait.ge [sflag:s15], $0x1400  }
0x27: {  	[sflag:s15] =	ssyncset.done $0x0  }
0x28: {  	[sflag:s15] =	ssyncadd.s32 $0xFFFFEC00  }
.LBB2_1:
0x29: {  	s30 =	simm.s32 $0x100;
	s0 =	simm.s32 $0x0  }
.LBB2_2:
0x2a: {  	p0 =	sne.s32 s30, $0x7F00;
	[tilespmem:s0+$0xA030] =	vst v0;
	s20 =	smov.u32 s30;
	s30 =	sadd.s32 $0x100, s30  }
.Ltmp2:
0x2b: {  	[tilespmem:s0+$0xA020] =	vst v0;
	(pc) =	sbr.rel @p0 .LBB2_2-.Ltmp2, $3  }
0x2c: {  	[tilespmem:s0+$0xA000] =	vst v0  }
0x2d: {  	[tilespmem:s0+$0xA010] =	vst v0;
	_ =	sdelay $0x1  }
0x2e: {  	s0 =	sshra.s32 s20, $0x2  }
0x2f: {  	[tilespmem:s0+$0xA030] =	vst v0  }
0x30: {  	[tilespmem:s0+$0xA020] =	vst v0  }
0x31: {  	[tilespmem:s0+$0xA000] =	vst v0  }
0x32: {  	[tilespmem:s0+$0xA010] =	vst v0  }
0x33: {  	[spmem:s5] =	stream.linear.scatter [tilespmem:s14], [sflag:$0x9], $0x2000, $0x38;
	[tilespmem:$0x1C000] =	vst v63  }
0x34: {  	_ =	swait.ge [sflag:s15], $0x2000  }
0x35: {  	[sflag:s15] =	ssyncset.done $0x0  }
0x36: {  	[sflag:s15] =	ssyncadd.s32 $0xFFFFE000  }
0x37: {  	[spmem:s10] =	stream.linear.scatter [tilespmem:s14], [sflag:$0x9], $0x2000, $0x38;
	[tilespmem:$0x1C000] =	vst v63  }
0x38: {  	_ =	swait.ge [sflag:s15], $0x2000  }
0x39: {  	[sflag:s15] =	ssyncset.done $0x0  }
0x3a: {  	[sflag:s15] =	ssyncadd.s32 $0xFFFFE000  }
0x3b: {  	[spmem:s11] =	stream.linear.scatter [tilespmem:s14], [sflag:$0x9], $0x2000, $0x38;
	[tilespmem:$0x1C000] =	vst v63  }
0x3c: {  	_ =	swait.ge [sflag:s15], $0x2000  }
0x3d: {  	[sflag:s15] =	ssyncset.done $0x0  }
0x3e: {  	[sflag:s15] =	ssyncadd.s32 $0xFFFFE000  }
0x3f: {  	[spmem:s12] =	stream.linear.scatter [tilespmem:s14], [sflag:$0x9], $0x2000, $0x38;
	[tilespmem:$0x1C000] =	vst v63  }
0x40: {  	_ =	swait.ge [sflag:s15], $0x2000  }
0x41: {  	[sflag:s15] =	ssyncset.done $0x0  }
0x42: {  	[sflag:s15] =	ssyncadd.s32 $0xFFFFE000  }
0x43: {  	[spmem:s13] =	stream.linear.scatter [tilespmem:s14], [sflag:$0x9], $0x2000, $0x38;
	[tilespmem:$0x1C000] =	vst v63  }
0x44: {  	_ =	swait.ge [sflag:s15], $0x2000  }
0x45: {  	[sflag:s15] =	ssyncset.done $0x0  }
0x46: {  	s30 =	simm.s32 $0x0;
	[sflag:s15] =	ssyncadd.s32 $0xFFFFE000  }
0x47: {  	[tilespmem:s30], [sflag:$0x9] =	stream.linear.gather [hbm4b:s6+s30], $0x5000, $0x38;
	[tilespmem:$0x1C000] =	vst v63  }
0x48: {  	_ =	swait.ge [sflag:s15], $0x5000  }
0x49: {  	[sflag:s15] =	ssyncset.done $0x0  }
0x4a: {  	[sflag:s15] =	ssyncadd.s32 $0xFFFFB000  }
0x4b: {  	[tilespmem:s16], [sflag:$0x9] =	stream.linear.gather [hbm4b:s7+s30], $0x5000, $0x38;
	[tilespmem:$0x1C000] =	vst v63  }
0x4c: {  	_ =	swait.ge [sflag:s15], $0x5000  }
0x4d: {  	[sflag:s15] =	ssyncset.done $0x0  }
0x4e: {  	[sflag:s15] =	ssyncadd.s32 $0xFFFFB000  }
0x4f: {  	[bflag:$0x0] =	sbarrier.arrive $0xFFFF  }
0x50: {  	[tilespmem:s14], [sflag:$0x1] =	stream.indirect.gather [hbm4b:s4+s17], $0x40, s30, s17, $0xb8;
	[tilespmem:$0x1C000] =	vst v63  }
0x51: {  	_ = 	snop  }
0x52: {  	[tilespmem:s18], [sflag:$0x2] =	stream.indirect.gather [hbm4b:s4+s17], $0x40, s17, s17, $0xb8;
	[tilespmem:$0x1C000] =	vst v63  }
0x53: {  	_ =	swait.ge [sflag:s19], $0x2000  }
0x54: {  	[sflag:s19] =	ssyncset.done $0x0  }
0x55: {  	[sflag:s19] =	ssyncadd.s32 $0xFFFFE000  }
0x56: {  	[spmem:s2] =	stream.indirect.scatter.add.f32 [tilespmem:s14], [sflag:$0x5], $0x40, s16, s17, $0xb8;
	[tilespmem:$0x1C000] =	vst v63  }
0x57: {  	s28 =	simm.s32 $0x100  }
0x58: {  	[tilespmem:s21], [sflag:$0x3] =	stream.indirect.gather [hbm4b:s4+s17], $0x40, s28, s17, $0xb8;
	[tilespmem:$0x1C000] =	vst v63  }
0x59: {  	_ =	swait.ge [sflag:s22], $0x2000  }
0x5a: {  	[sflag:s22] =	ssyncset.done $0x0  }
0x5b: {  	s20 =	simm.s32 $0x5080;
	[sflag:s22] =	ssyncadd.s32 $0xFFFFE000  }
0x5c: {  	[spmem:s2] =	stream.indirect.scatter.add.f32 [tilespmem:s18], [sflag:$0x6], $0x40, s20, s17, $0xb8;
	[tilespmem:$0x1C000] =	vst v63  }
0x5d: {  	s28 =	simm.s32 $0x180  }
0x5e: {  	[tilespmem:s25], [sflag:$0x4] =	stream.indirect.gather [hbm4b:s4+s17], $0x40, s28, s17, $0xb8;
	[tilespmem:$0x1C000] =	vst v63  }
0x5f: {  	_ =	swait.ge [sflag:s26], $0x2000  }
0x60: {  	[sflag:s26] =	ssyncset.done $0x0  }
0x61: {  	s20 =	simm.s32 $0x5100;
	[sflag:s26] =	ssyncadd.s32 $0xFFFFE000  }
0x62: {  	[spmem:s2] =	stream.indirect.scatter.add.f32 [tilespmem:s21], [sflag:$0x7], $0x40, s20, s17, $0xb8;
	[tilespmem:$0x1C000] =	vst v63  }
0x63: {  	_ =	swait.ge [sflag:s29], $0x2000  }
0x64: {  	[sflag:s29] =	ssyncset.done $0x0  }
0x65: {  	s28 =	simm.s32 $0x200;
	[sflag:s29] =	ssyncadd.s32 $0xFFFFE000  }
0x66: {  	[tilespmem:s14], [sflag:$0x1] =	stream.indirect.gather [hbm4b:s4+s17], $0x40, s28, s17, $0xb8;
	[tilespmem:$0x1C000] =	vst v63  }
0x67: {  	_ =	swait.ge [sflag:s31], $0x2000  }
0x68: {  	[sflag:s31] =	ssyncset.done $0x0  }
0x69: {  	s20 =	simm.s32 $0x5180;
	[sflag:s31] =	ssyncadd.s32 $0xFFFFE000  }
0x6a: {  	[spmem:s2] =	stream.indirect.scatter.add.f32 [tilespmem:s25], [sflag:$0x8], $0x40, s20, s17, $0xb8;
	[tilespmem:$0x1C000] =	vst v63  }
0x6b: {  	_ =	swait.ge [sflag:s1], $0x2000  }
0x6c: {  	[sflag:s1] =	ssyncset.done $0x0  }
0x6d: {  	s28 =	simm.s32 $0x280;
	[sflag:s1] =	ssyncadd.s32 $0xFFFFE000  }
0x6e: {  	[tilespmem:s18], [sflag:$0x2] =	stream.indirect.gather [hbm4b:s4+s17], $0x40, s28, s17, $0xb8;
	[tilespmem:$0x1C000] =	vst v63  }
.LBB2_4:
0x6f: {  	_ =	swait.ge [sflag:s19], $0x2000  }
0x70: {  	s0 =	sshra.s32 s30, $0x2;
	[sflag:s19] =	ssyncset.done $0x0  }
0x71: {  	s20 =	sadd.s32 $0x5200, s0;
	[sflag:s19] =	ssyncadd.s32 $0xFFFFE000  }
0x72: {  	[spmem:s2] =	stream.indirect.scatter.add.f32 [tilespmem:s14], [sflag:$0x5], $0x40, s20, s17, $0xb8;
	[tilespmem:$0x1C000] =	vst v63  }
0x73: {  	_ =	swait.ge [sflag:s23], $0x2000  }
0x74: {  	[sflag:s23] =	ssyncset.done $0x0  }
0x75: {  	s28 =	sadd.s32 $0x300, s0;
	[sflag:s23] =	ssyncadd.s32 $0xFFFFE000  }
0x76: {  	[tilespmem:s21], [sflag:$0x3] =	stream.indirect.gather [hbm4b:s4+s17], $0x40, s28, s17, $0xb8;
	[tilespmem:$0x1C000] =	vst v63  }
0x77: {  	_ =	swait.ge [sflag:s22], $0x2000  }
0x78: {  	[sflag:s22] =	ssyncset.done $0x0  }
0x79: {  	s28 =	sadd.s32 $0x5280, s0;
	[sflag:s22] =	ssyncadd.s32 $0xFFFFE000  }
0x7a: {  	[spmem:s2] =	stream.indirect.scatter.add.f32 [tilespmem:s18], [sflag:$0x6], $0x40, s28, s17, $0xb8;
	[tilespmem:$0x1C000] =	vst v63  }
0x7b: {  	_ =	swait.ge [sflag:s24], $0x2000  }
0x7c: {  	[sflag:s24] =	ssyncset.done $0x0  }
0x7d: {  	p0 =	seq.s32 s30, $0x13000;
	s28 =	sadd.s32 $0x380, s0;
	[sflag:s24] =	ssyncadd.s32 $0xFFFFE000  }
0x7e: {  	[tilespmem:s25], [sflag:$0x4] =	stream.indirect.gather [hbm4b:s4+s17], $0x40, s28, s17, $0xb8;
	[tilespmem:$0x1C000] =	vst v63  }
.Ltmp3:
0x7f: {  	_ = 	snop;
	(pc) =	sbr.rel @p0 .LBB2_6-.Ltmp3, $4  }
0x80: {  	_ =	swait.ge [sflag:s26], $0x2000  }
0x81: {  	[sflag:s26] =	ssyncset.done $0x0  }
0x82: {  	s20 =	sadd.s32 $0x5380, s0;
	s28 =	sadd.s32 $0x5300, s0;
	[sflag:s26] =	ssyncadd.s32 $0xFFFFE000  }
0x83: {  	[spmem:s2] =	stream.indirect.scatter.add.f32 [tilespmem:s21], [sflag:$0x7], $0x40, s28, s17, $0xb8;
	[tilespmem:$0x1C000] =	vst v63  }
0x84: {  	_ =	swait.ge [sflag:s29], $0x2000  }
0x85: {  	[sflag:s29] =	ssyncset.done $0x0  }
0x86: {  	s28 =	sadd.s32 $0x400, s0;
	[sflag:s29] =	ssyncadd.s32 $0xFFFFE000  }
0x87: {  	[tilespmem:s14], [sflag:$0x1] =	stream.indirect.gather [hbm4b:s4+s17], $0x40, s28, s17, $0xb8;
	[tilespmem:$0x1C000] =	vst v63  }
0x88: {  	_ =	swait.ge [sflag:s31], $0x2000  }
0x89: {  	[sflag:s31] =	ssyncset.done $0x0  }
0x8a: {  	[sflag:s31] =	ssyncadd.s32 $0xFFFFE000  }
0x8b: {  	[spmem:s2] =	stream.indirect.scatter.add.f32 [tilespmem:s25], [sflag:$0x8], $0x40, s20, s17, $0xb8;
	[tilespmem:$0x1C000] =	vst v63  }
.Ltmp4:
0x8c: {  	_ = 	snop;
	(pc) =	sbr.rel .LBB2_4-.Ltmp4, $4  }
0x8d: {  	_ =	swait.ge [sflag:s1], $0x2000  }
0x8e: {  	[sflag:s1] =	ssyncset.done $0x0  }
0x8f: {  	s30 =	sadd.s32 $0x800, s30;
	s28 =	sadd.s32 $0x480, s0;
	[sflag:s1] =	ssyncadd.s32 $0xFFFFE000  }
0x90: {  	[tilespmem:s18], [sflag:$0x2] =	stream.indirect.gather [hbm4b:s4+s17], $0x40, s28, s17, $0xb8;
	[tilespmem:$0x1C000] =	vst v63  }
.LBB2_7:
0x91: {  	_ =	sfence.sel $0x180000  }
0x92: {  	[bflag:$0x0] =	sbarrier.arrive $0xFFFF  }
0x93: {  	_ =	strace $0x9000004A  }
0x94: {  	s0 =	stileid.u32;
	[bflag:$0x2] =	sbarrier.arrive $0xFFFF  }
0x95: {  	p0 =	sne.s32 s0, $0x0;
	s0 =	rddreg [dreg:$0x3]  }
0x96: {  	s0 =	sadd.s32 @!p0 $0x100000, s0  }
0x97: {  	[sflag:s0] =	ssyncadd.tile.s32 @!p0 $0x1;
	_ =	shalt  }
.Lfunc_end2:
_tile_overlayer_lowered:
.L_overlay_start_2:
0x98: {  	(tag) =	ssettag $0x2  }
0x99: {  	s0 =	rddreg [dreg:$0x0];
	s2 =	stileid.u32  }
0x9a: {  	s1 =	rddreg [dreg:$0x1];
	p0 =	sne.s32 s2, $0x0  }
0x9b: {  	s3 =	rddreg [dreg:$0x2];
	[bflag:$0x3] =	sbarrier.arrive $0xFFFF;
	s2 =	simm.s32 @!p0 $0x1C09  }
0x9c: {  	[timem:s3], [sflag:s2] =	dma.local @!p0 [hbm:s0], s1  }
0x9d: {  	s0 =	simm.s32 @!p0 $0x9  }
0x9e: {  	_ =	swait.ge @!p0 [sflag:s0], s1  }
0x9f: {  	s1 =	ssub.s32 @!p0 $0x0, s1;
	[sflag:s0] =	ssyncset.done @!p0 $0x0  }
0xa0: {  	[sflag:s0] =	ssyncadd.s32 @!p0 s1  }
0xa1: {  	[bflag:$0x3] =	sbarrier.arrive $0xFFFF  }
0xa2: {  	_ =	shalt  }

// kernel: kernel.15.cloned.1.call-start
scs
__scs_entry_jumppad:
0x0: {  	(pc) =	sbr.rel $0x88, $3  }
0x1: {  	(tag) =	ssettag $0x0;
	lr =	simm.s32 $0x1  }
0x2: {  	[smem:$0x3F9B] =	sst lr;
	_ =	strace $0xD0000000  }
0x3: {  	_ = 	snop  }
0x4: {  	_ = 	snop  }
0x5: {  	_ = 	snop  }
0x6: {  	_ = 	snop  }
0x7: {  	_ = 	snop  }
__scs_overlays_trampoline_lowered:
0x8: {  	[smem:$0x3FAA] =	sst s0  }
0x9: {  	[smem:$0x3FAB] =	sst s1  }
0xa: {  	[smem:$0x3FAC] =	sst s2  }
0xb: {  	[smem:$0x3FAD] =	sst s3  }
0xc: {  	[smem:$0x3FAE] =	sst s4  }
0xd: {  	[smem:$0x3FAF] =	sst s5  }
0xe: {  	[smem:$0x3FB0] =	sst s6  }
0xf: {  	[smem:$0x3FB1] =	sst s7  }
0x10: {  	[smem:$0x3FB2] =	sst s8  }
0x11: {  	[smem:$0x3FB3] =	sst s9;
	s0 =	simm.s32 @!p0 $0x0  }
0x12: {  	s1 =	sld [smem:$0x3F99];
	s0 =	simm.s32 @p0 $0x1  }
0x13: {  	[smem:$0x3FB4] =	sst s0;
	s0 =	simm.s32 @!p1 $0x0  }
0x14: {  	s2 =	sld [smem:$0x3F98];
	s0 =	simm.s32 @p1 $0x1  }
0x15: {  	[smem:$0x3FB5] =	sst s0;
	s0 =	simm.s32 @!p2 $0x0  }
0x16: {  	s3 =	sld [smem:$0x3FDB];
	s0 =	simm.s32 @p2 $0x1  }
0x17: {  	s4 =	simm.s32 $0x1BF5;
	[smem:$0x3FB7] =	sst s0  }
0x18: {  	s0 =	sld [smem:$0x3F9A];
	_ =	swait.ge [sflag:s4], $0x0  }
0x19: {  	s7 =	sld [smem:$0x3F9B]  }
0x1a: {  	s8 =	sadd.s32 $0xFFFFE003, lr  }
0x1b: {  	s9 =	sadd.s32 $0xFFFFFEF7, lr;
	s5 =	simm.s32 $0xFFFFFFFF;
	p2 =	slt.u32 s8, $0xFFFFF086  }
0x1c: {  	p1 =	slt.u32 s9, $0xF7A;
	s5 =	simm.s32 @!p2 $0x0  }
0x1d: {  	s5 =	simm.s32 @p1 $0x1;
	p0 =	seq.s32 s7, s2  }
0x1e: {  	s7 =	smul.u32 @!p0 $0xF7A, s2;
	p2 =	seq.s32 @!p0 s5, $0x0  }
0x1f: {  	s9 =	smul.u32 $0xF7A, s1;
	s8 =	simm.s32 @!p0 $0x1BF5;
	p2 =	por !p2, p0  }
0x20: {  	[sflag:s8] =	ssyncset.s32 @!p0 $0xFFFFF086;
	s6 =	sadd.s32 @!p0 s3, s7;
	s7 =	simm.s32 @!p0 $0x108  }
0x21: {  	s3 =	sadd.s32 s3, s9;
	s6 =	sadd.s32 @!p0 $0x88, s6;
	s7 =	simm.s32 @p2 $0x1082  }
0x22: {  	[simem:s7], [sflag:s8] =	dma.local @!p0 [hbm:s6], $0xF7A  }
0x23: {  	s9 =	sor.u32 $0xD0000000, s2;
	s6 =	simm.s32 $0x108;
	_ =	swait.ge @!p0 [sflag:s8], $0x0  }
0x24: {  	s3 =	sadd.s32 $0x88, s3;
	s6 =	simm.s32 @!p1 $0x1082;
	[sflag:s4] =	ssyncset.s32 $0xFFFFF086  }
0x25: {  	[simem:s6], [sflag:s4] =	dma.local [hbm:s3], $0xF7A  }
0x26: {  	[smem:$0x3F9B] =	sst s1;
	(tag) =	ssettag s2;
	_ =	strace s9  }
0x27: {  	s1 =	sld [smem:$0x3FAB]  }
0x28: {  	s2 =	sld [smem:$0x3FAC]  }
0x29: {  	s4 =	sld [smem:$0x3FAE]  }
0x2a: {  	p0 =	seq.s32 s5, $0x0;
	s5 =	sld [smem:$0x3FAF]  }
0x2b: {  	s6 =	sld [smem:$0x3FB0]  }
0x2c: {  	s7 =	sld [smem:$0x3FB1]  }
0x2d: {  	s3 =	simm.s32 $0x108;
	s8 =	sld [smem:$0x3FB2]  }
0x2e: {  	s3 =	simm.s32 @!p0 $0x1082;
	s9 =	sld [smem:$0x3FB3]  }
0x2f: {  	lr =	sadd.s32 s0, s3;
	s0 =	sld [smem:$0x3FAA]  }
0x30: {  	s3 =	sld [smem:$0x3FAD]  }
0x31: {  	[smem:$0x3FB6] =	sst s10  }
0x32: {  	s10 =	sld [smem:$0x3FB4];
	_ =	sdelay $0x3  }
0x33: {  	p0 =	seq.s32 s10, $0x1;
	s10 =	sld [smem:$0x3FB6];
	_ =	sdelay $0x3  }
0x34: {  	[smem:$0x3FB6] =	sst s10  }
0x35: {  	s10 =	sld [smem:$0x3FB5];
	_ =	sdelay $0x3  }
0x36: {  	p1 =	seq.s32 s10, $0x1;
	s10 =	sld [smem:$0x3FB6];
	_ =	sdelay $0x3  }
0x37: {  	[smem:$0x3FB6] =	sst s10  }
0x38: {  	s10 =	sld [smem:$0x3FB7]  }
0x39: {  	_ = 	snop;
	(pc) =	sbr.ind lr, $3  }
0x3a: {  	_ = 	snop  }
0x3b: {  	_ = 	snop  }
0x3c: {  	p2 =	seq.s32 s10, $0x1;
	s10 =	sld [smem:$0x3FB6]  }
0x3d: {  	_ =	shalt  }
0x3e: {  	_ =	shalt  }
0x3f: {  	_ =	shalt  }
0x40: {  	_ =	shalt  }
0x41: {  	_ =	shalt  }
0x42: {  	_ =	shalt  }
0x43: {  	_ =	shalt  }
0x44: {  	_ =	shalt  }
0x45: {  	_ =	shalt  }
0x46: {  	_ =	shalt  }
0x47: {  	_ =	shalt  }
0x48: {  	_ =	shalt  }
0x49: {  	_ =	shalt  }
0x4a: {  	_ =	shalt  }
0x4b: {  	_ =	shalt  }
0x4c: {  	_ =	shalt  }
0x4d: {  	_ =	shalt  }
0x4e: {  	_ =	shalt  }
0x4f: {  	_ =	shalt  }
0x50: {  	_ =	shalt  }
0x51: {  	_ =	shalt  }
0x52: {  	_ =	shalt  }
0x53: {  	_ =	shalt  }
0x54: {  	_ =	shalt  }
0x55: {  	_ =	shalt  }
0x56: {  	_ =	shalt  }
0x57: {  	_ =	shalt  }
0x58: {  	_ =	shalt  }
0x59: {  	_ =	shalt  }
0x5a: {  	_ =	shalt  }
0x5b: {  	_ =	shalt  }
0x5c: {  	_ =	shalt  }
0x5d: {  	_ =	shalt  }
0x5e: {  	_ =	shalt  }
0x5f: {  	_ =	shalt  }
0x60: {  	_ =	shalt  }
0x61: {  	_ =	shalt  }
0x62: {  	_ =	shalt  }
0x63: {  	_ =	shalt  }
0x64: {  	_ =	shalt  }
0x65: {  	_ =	shalt  }
0x66: {  	_ =	shalt  }
0x67: {  	_ =	shalt  }
0x68: {  	_ =	shalt  }
0x69: {  	_ =	shalt  }
0x6a: {  	_ =	shalt  }
0x6b: {  	_ =	shalt  }
0x6c: {  	_ =	shalt  }
0x6d: {  	_ =	shalt  }
0x6e: {  	_ =	shalt  }
0x6f: {  	_ =	shalt  }
0x70: {  	_ =	shalt  }
0x71: {  	_ =	shalt  }
0x72: {  	_ =	shalt  }
0x73: {  	_ =	shalt  }
0x74: {  	_ =	shalt  }
0x75: {  	_ =	shalt  }
0x76: {  	_ =	shalt  }
0x77: {  	_ =	shalt  }
0x78: {  	_ =	shalt  }
0x79: {  	_ =	shalt  }
0x7a: {  	_ =	shalt  }
0x7b: {  	_ =	shalt  }
0x7c: {  	_ =	shalt  }
0x7d: {  	_ =	shalt  }
0x7e: {  	_ =	shalt  }
0x7f: {  	_ =	shalt  }
0x80: {  	_ =	shalt  }
0x81: {  	_ =	shalt  }
0x82: {  	_ =	shalt  }
0x83: {  	_ =	shalt  }
0x84: {  	_ =	shalt  }
0x85: {  	_ =	shalt  }
0x86: {  	_ =	shalt  }
0x87: {  	_ =	shalt  }
.Lfunc_end0:
.L_simem_size_0:
called_computation.2_lowered:
.L_overlay_start_0:
0x88: {  	s2 =	sld [smem:$0x3FD9]  }
0x89: {  	s3 =	sld [smem:$0x3FFE];
	_ =	sdelay $0x1  }
0x8a: {  	s1 =	srdreg.scid  }
0x8b: {  	s0 =	sand.u32 $0x1, s1  }
0x8c: {  	s17 =	sshll.u32 s0, $0xA;
	s2 =	sadd.s32 s3, s2  }
0x8d: {  	s2 =	sadd.s32 s2, s17  }
0x8e: {  	[smem:$0x3FC2] =	sst s2  }
0x8f: {  	_ = 	snop  }
0x90: {  	s2 =	sld [smem:$0x3FD0];
	(tm) =	ssettm $0x1  }
0x91: {  	s18 =	sld [smem:$0x3FFB];
	_ =	sdelay $0x3  }
0x92: {  	_ =	strace s18  }
0x93: {  	s3 =	sld [smem:$0x3FFC];
	_ =	sdelay $0x3  }
0x94: {  	_ =	strace s3  }
0x95: {  	s3 =	sld [smem:$0x3FFD];
	_ =	sdelay $0x3  }
0x96: {  	_ =	strace s3  }
0x97: {  	_ =	strace $0x8FFFFFFF  }
0x98: {  	s19 =	sld [smem:$0x3FDB];
	_ =	sdelay $0x1  }
0x99: {  	s4 =	simm.s32 $_scs_section_size  }
0x9a: {  	s5 =	simm.s32 $_size__tile_overlayer_lowered;
	s6 =	simm.s32 $_tile_overlayer_lowered  }
0x9b: {  	s22 =	simm.s32 $0x1BFF;
	s21 =	sshll.u32 s6, $0x1;
	s3 =	sadd.s32 s4, s19  }
0x9c: {  	s7 =	simm.s32 $0x0;
	s20 =	sshll.u32 s5, $0x1;
	s5 =	sadd.s32 s21, s3  }
0x9d: {  	[timem:s7], [sflag:s22] =	dma.local [hbm:s5], s20  }
0x9e: {  	_ =	swait.ge [sflag:s22], s20  }
0x9f: {  	s4 =	ssub.s32 $0x0, s20;
	[sflag:s22] =	ssyncset.done $0x0  }
0xa0: {  	[sflag:s22] =	ssyncadd.s32 s4;
	_ =	sdelay $0x1  }
0xa1: {  	s23 =	simm.s32 $0x1B8B  }
0xa2: {  	_ =	swait.ge [sflag:s23], $0x1  }
0xa3: {  	[sflag:s23] =	ssyncset.done $0x0  }
0xa4: {  	s25 =	simm.s32 $0x1B8E;
	s24 =	sld [smem:$0x3FFE];
	[sflag:s23] =	ssyncadd.s32 $0xFFFFFFFF  }
0xa5: {  	s26 =	simm.s32 $execute0_lowered;
	[smem:$0x3FD2] =	sst s25  }
0xa6: {  	s5 =	sshll.u32 s26, $0x1;
	_ =	strace $0x8000004C;
	[dreg:$0x1] =	wrdreg $0xFFFFFFFF  }
0xa7: {  	s28 =	simm.s32 $_size_execute0_lowered;
	s3 =	sadd.s32 s3, s5;
	[dreg:$0x0] =	wrdreg $0x0  }
0xa8: {  	s5 =	sshll.u32 s28, $0x1;
	[dreg:$0x2] =	wrdreg s3  }
0xa9: {  	[dreg:$0x3] =	wrdreg s5  }
0xaa: {  	[dreg:$0x4] =	wrdreg $0xC0  }
0xab: {  	_ =	task [dreg:s7], $0x5FFFF  }
0xac: {  	[dreg:$0x1] =	wrdreg $0xFFFFFFFF  }
0xad: {  	[dreg:$0x0] =	wrdreg $0x60  }
0xae: {  	[dreg:$0x2] =	wrdreg s24  }
0xaf: {  	[dreg:$0x3] =	wrdreg s2  }
0xb0: {  	[dreg:$0x4] =	wrdreg $0xF0000  }
0xb1: {  	[dreg:$0x5] =	wrdreg $0x9  }
0xb2: {  	_ =	task.clear_ibuf [dreg:s7], $0x6FFFF;
	_ =	strace $0x9000004C  }
0xb3: {  	s29 =	simm.s32 $0x9;
	_ =	strace $0x8000004E  }
0xb4: {  	_ =	swait.ge [sflag:s29], $0x1  }
0xb5: {  	[sflag:s29] =	ssyncadd.s32 $0xFFFFFFFF  }
0xb6: {  	_ =	strace $0x9000004E  }
0xb7: {  	_ =	sfence  }
0xb8: {  	s30 =	sld [smem:$0x0];
	_ =	sdelay $0x2  }
0xb9: {  	s31 =	sshll.u32 s1, $0xD;
	s1 =	sshrl.u32 s1, $0x2  }
0xba: {  	s3 =	sand.u32 $0x4000, s31;
	s1 =	sadd.s32 s1, s30  }
0xbb: {  	s0 =	sor.u32 s3, s0;
	s1 =	sshll.u32 s1, $0x11  }
0xbc: {  	s0 =	sor.u32 s1, s0  }
0xbd: {  	s0 =	sadd.s32 $0x8F2B, s0  }
0xbe: {  	[sflag:s0] =	ssyncadd.remote.s32 $0x1  }
0xbf: {  	_ =	sfence.sel $0xFFFF  }
0xc0: {  	[dreg:$0x0] =	wrdreg $0xFFFFFFFF;
	(pc) =	sbr.abs _section_cstart, $3  }
0xc1: {  	[dreg:$0x1] =	wrdreg $0xFFFFFFFF  }
0xc2: {  	_ =	task.clear_ibuf [dreg:s7], $0x2FFFF;
	_ =	strace $0x9FFFFFFF  }
0xc3: {  	(tm) =	ssettm $0x7FFFFFFF  }
tec
execute0_lowered:
.L_overlay_start_1:
0x0: {  	(tag) =	ssettag $0x1  }
0x1: {  	s0 =	rddreg [dreg:$0x0]  }
0x2: {  	s1 =	rddreg [dreg:$0x1];
	s3 =	srdreg.scid  }
0x3: {  	s2 =	rddreg [dreg:$0x2];
	s11 =	stileid.u32  }
0x4: {  	s16 =	simm.s32 $0x9000;
	s17 =	simm.s32 $0x9;
	s18 =	simm.s32 $0x4800  }
0x5: {  	s19 =	simm.s32 $0x80;
	s29 =	simm.s32 $0xD800;
	s30 =	simm.s32 $0x3  }
0x6: {  	s28 =	simm.s32 $0x8;
	s31 =	simm.s32 $0x0;
	s7 =	smul.u32 $0x7800, s11  }
0x7: {  	s5 =	sand.u32 $0x1, s3;
	s3 =	simm.s32 $0x0;
	s10 =	smul.u32 $0x900, s11  }
0x8: {  	s4 =	sadd.s32 $0x15C00, s0;
	s21 =	sshll.u32 s11, $0x8;
	s11 =	smul.u32 $0x1E000, s11  }
0x9: {  	s8 =	sadd.s32 $0xBC00, s0;
	s6 =	smul.u32 $0x78000, s5;
	[smem:$0x7FF] =	sst s3  }
0xa: {  	s9 =	ssub.s32 $0x2, s5;
	p0 =	seq.s32 s5, $0x1;
	s23 =	sor.u32 $0x9000, s21  }
0xb: {  	s21 =	simm.s32 $0x1;
	_ =	strace $0x8000004D;
	s22 =	sadd.s32 s8, s10  }
0xc: {  	s20 =	sshrl.u32 s9, $0x1;
	s24 =	sadd.s32 s1, s10;
	[dreg:$0x4] =	wrdreg s22  }
0xd: {  	s8 =	sadd.s32 s8, s23;
	s25 =	sshrl.u32 s11, $0x2;
	[dreg:$0x5] =	wrdreg s24  }
0xe: {  	s1 =	sadd.s32 s1, s23;
	s26 =	sadd.s32 s7, s2;
	[dreg:$0x6] =	wrdreg s8  }
0xf: {  	s23 =	simm.s32 $0xC000;
	s6 =	sadd.s32 s7, s6;
	[dreg:$0x7] =	wrdreg s1  }
0x10: {  	s10 =	sadd.s32 s25, s2;
	s24 =	simm.s32 $0x2;
	s25 =	sshrl.u32 s26, $0x3  }
.Ltmp0:
0x11: {  	s8 =	simm.s32 $0x6;
	s26 =	simm.s32 $0x7;
	(pc) =	sbr.rel .LBB2_1-.Ltmp0, $4  }
0x12: {  	s6 =	sshrl.u32 s6, $0x3;
	s12 =	sadd.s32 $0x1800, s10;
	s13 =	sadd.s32 $0x3000, s10  }
0x13: {  	s14 =	sadd.s32 $0x4800, s10;
	s15 =	sadd.s32 $0x6000, s10;
	s0 =	sadd.s32 s6, s0  }
0x14: {  	s6 =	ssub.s32 s9, s20;
	s20 =	simm.s32 $0xA800;
	s9 =	sadd.s32 $0xA1C00, s0  }
0x15: {  	v0 =	vimm.f32 $0.0e+00;
	s11 =	smax.u32 s6, $0x1;
	s0 =	simm.s32 $0x5;
	s6 =	simm.s32 $0x4  }
.LBB2_8:
0x16: {  	s1 =	rddreg [dreg:$0x6]  }
0x17: {  	[tilespmem:s3], [sflag:$0x9] =	stream.linear.gather [hbm4b:s1+s3], $0x800, $0x38;
	[tilespmem:$0x16800] =	vst v63  }
0x18: {  	_ =	swait.ge [sflag:s17], $0x800  }
0x19: {  	[sflag:s17] =	ssyncset.done $0x0  }
0x1a: {  	s7 =	rddreg [dreg:$0x7];
	[sflag:s17] =	ssyncadd.s32 $0xFFFFF800  }
0x1b: {  	[tilespmem:s18], [sflag:$0x9] =	stream.linear.gather [hbm4b:s7+s3], $0x800, $0x38;
	[tilespmem:$0x16800] =	vst v63  }
0x1c: {  	_ =	swait.ge [sflag:s17], $0x800  }
0x1d: {  	[sflag:s17] =	ssyncset.done $0x0  }
0x1e: {  	[sflag:s17] =	ssyncadd.s32 $0xFFFFF800  }
0x1f: {  	[bflag:$0x0] =	sbarrier.arrive $0xFFFF  }
0x20: {  	[tilespmem:s16], [sflag:$0x1] =	stream.indirect.gather [hbm4b:s4+s19], $0x30, s3, s19, $0xb8;
	[tilespmem:$0x16800] =	vst v63  }
0x21: {  	_ = 	snop  }
0x22: {  	[tilespmem:s20], [sflag:$0x2] =	stream.indirect.gather [hbm4b:s4+s19], $0x30, s19, s19, $0xb8;
	[tilespmem:$0x16800] =	vst v63  }
0x23: {  	_ =	swait.ge [sflag:s21], $0x1800  }
0x24: {  	[sflag:s21] =	ssyncset.done $0x0  }
0x25: {  	[sflag:s21] =	ssyncadd.s32 $0xFFFFE800  }
0x26: {  	[spmem:s2] =	stream.indirect.scatter.add.f32 [tilespmem:s16], [sflag:$0x5], $0x30, s18, s19, $0xb8;
	[tilespmem:$0x16800] =	vst v63  }
0x27: {  	s22 =	simm.s32 $0x100  }
0x28: {  	[tilespmem:s23], [sflag:$0x3] =	stream.indirect.gather [hbm4b:s4+s19], $0x30, s22, s19, $0xb8;
	[tilespmem:$0x16800] =	vst v63  }
0x29: {  	_ =	swait.ge [sflag:s24], $0x1800  }
0x2a: {  	[sflag:s24] =	ssyncset.done $0x0  }
0x2b: {  	s5 =	simm.s32 $0x4880;
	[sflag:s24] =	ssyncadd.s32 $0xFFFFE800  }
0x2c: {  	[spmem:s2] =	stream.indirect.scatter.add.f32 [tilespmem:s20], [sflag:$0x6], $0x30, s5, s19, $0xb8;
	[tilespmem:$0x16800] =	vst v63  }
0x2d: {  	s7 =	simm.s32 $0x180  }
0x2e: {  	[tilespmem:s29], [sflag:$0x4] =	stream.indirect.gather [hbm4b:s4+s19], $0x30, s7, s19, $0xb8;
	[tilespmem:$0x16800] =	vst v63  }
0x2f: {  	_ =	swait.ge [sflag:s30], $0x1800  }
0x30: {  	[sflag:s30] =	ssyncset.done $0x0  }
0x31: {  	s22 =	simm.s32 $0x4900;
	[sflag:s30] =	ssyncadd.s32 $0xFFFFE800  }
0x32: {  	[spmem:s2] =	stream.indirect.scatter.add.f32 [tilespmem:s23], [sflag:$0x7], $0x30, s22, s19, $0xb8;
	[tilespmem:$0x16800] =	vst v63  }
0x33: {  	_ =	swait.ge [sflag:s0], $0x1800  }
0x34: {  	[sflag:s0] =	ssyncset.done $0x0  }
0x35: {  	s5 =	simm.s32 $0x200;
	[sflag:s0] =	ssyncadd.s32 $0xFFFFE800  }
0x36: {  	[tilespmem:s16], [sflag:$0x1] =	stream.indirect.gather [hbm4b:s4+s19], $0x30, s5, s19, $0xb8;
	[tilespmem:$0x16800] =	vst v63  }
0x37: {  	_ =	swait.ge [sflag:s6], $0x1800  }
0x38: {  	[sflag:s6] =	ssyncset.done $0x0  }
0x39: {  	s7 =	simm.s32 $0x4980;
	[sflag:s6] =	ssyncadd.s32 $0xFFFFE800  }
0x3a: {  	[spmem:s2] =	stream.indirect.scatter.add.f32 [tilespmem:s29], [sflag:$0x8], $0x30, s7, s19, $0xb8;
	[tilespmem:$0x16800] =	vst v63  }
0x3b: {  	_ =	swait.ge [sflag:s8], $0x1800  }
0x3c: {  	[sflag:s8] =	ssyncset.done $0x0  }
0x3d: {  	s22 =	simm.s32 $0x280;
	[sflag:s8] =	ssyncadd.s32 $0xFFFFE800  }
0x3e: {  	[tilespmem:s20], [sflag:$0x2] =	stream.indirect.gather [hbm4b:s4+s19], $0x30, s22, s19, $0xb8;
	[tilespmem:$0x16800] =	vst v63  }
0x3f: {  	_ =	swait.ge [sflag:s21], $0x1800  }
0x40: {  	[sflag:s21] =	ssyncset.done $0x0  }
0x41: {  	s5 =	simm.s32 $0x4A00;
	[sflag:s21] =	ssyncadd.s32 $0xFFFFE800  }
0x42: {  	[spmem:s2] =	stream.indirect.scatter.add.f32 [tilespmem:s16], [sflag:$0x5], $0x30, s5, s19, $0xb8;
	[tilespmem:$0x16800] =	vst v63  }
0x43: {  	_ =	swait.ge [sflag:s26], $0x1800  }
0x44: {  	[sflag:s26] =	ssyncset.done $0x0  }
0x45: {  	s7 =	simm.s32 $0x300;
	[sflag:s26] =	ssyncadd.s32 $0xFFFFE800  }
0x46: {  	[tilespmem:s23], [sflag:$0x3] =	stream.indirect.gather [hbm4b:s4+s19], $0x30, s7, s19, $0xb8;
	[tilespmem:$0x16800] =	vst v63  }
0x47: {  	_ =	swait.ge [sflag:s24], $0x1800  }
0x48: {  	[sflag:s24] =	ssyncset.done $0x0  }
0x49: {  	s22 =	simm.s32 $0x4A80;
	[sflag:s24] =	ssyncadd.s32 $0xFFFFE800  }
0x4a: {  	[spmem:s2] =	stream.indirect.scatter.add.f32 [tilespmem:s20], [sflag:$0x6], $0x30, s22, s19, $0xb8;
	[tilespmem:$0x16800] =	vst v63  }
0x4b: {  	_ =	swait.ge [sflag:s28], $0x1800  }
0x4c: {  	[sflag:s28] =	ssyncset.done $0x0  }
0x4d: {  	s5 =	simm.s32 $0x380;
	[sflag:s28] =	ssyncadd.s32 $0xFFFFE800  }
0x4e: {  	[tilespmem:s29], [sflag:$0x4] =	stream.indirect.gather [hbm4b:s4+s19], $0x30, s5, s19, $0xb8;
	[tilespmem:$0x16800] =	vst v63  }
0x4f: {  	_ =	swait.ge [sflag:s30], $0x1800  }
0x50: {  	[sflag:s30] =	ssyncset.done $0x0  }
0x51: {  	s7 =	simm.s32 $0x4B00;
	[sflag:s30] =	ssyncadd.s32 $0xFFFFE800  }
0x52: {  	[spmem:s2] =	stream.indirect.scatter.add.f32 [tilespmem:s23], [sflag:$0x7], $0x30, s7, s19, $0xb8;
	[tilespmem:$0x16800] =	vst v63  }
0x53: {  	_ =	swait.ge [sflag:s0], $0x1800  }
0x54: {  	[sflag:s0] =	ssyncset.done $0x0  }
0x55: {  	s22 =	simm.s32 $0x400;
	[sflag:s0] =	ssyncadd.s32 $0xFFFFE800  }
0x56: {  	[tilespmem:s16], [sflag:$0x1] =	stream.indirect.gather [hbm4b:s4+s19], $0x30, s22, s19, $0xb8;
	[tilespmem:$0x16800] =	vst v63  }
0x57: {  	_ =	swait.ge [sflag:s6], $0x1800  }
0x58: {  	[sflag:s6] =	ssyncset.done $0x0  }
0x59: {  	s5 =	simm.s32 $0x4B80;
	[sflag:s6] =	ssyncadd.s32 $0xFFFFE800  }
0x5a: {  	[spmem:s2] =	stream.indirect.scatter.add.f32 [tilespmem:s29], [sflag:$0x8], $0x30, s5, s19, $0xb8;
	[tilespmem:$0x16800] =	vst v63  }
0x5b: {  	_ =	swait.ge [sflag:s8], $0x1800  }
0x5c: {  	[sflag:s8] =	ssyncset.done $0x0  }
0x5d: {  	s7 =	simm.s32 $0x480;
	[sflag:s8] =	ssyncadd.s32 $0xFFFFE800  }
0x5e: {  	[tilespmem:s20], [sflag:$0x2] =	stream.indirect.gather [hbm4b:s4+s19], $0x30, s7, s19, $0xb8;
	[tilespmem:$0x16800] =	vst v63  }
0x5f: {  	_ =	swait.ge [sflag:s21], $0x1800  }
0x60: {  	[sflag:s21] =	ssyncset.done $0x0  }
0x61: {  	s22 =	simm.s32 $0x4C00;
	[sflag:s21] =	ssyncadd.s32 $0xFFFFE800  }
0x62: {  	[spmem:s2] =	stream.indirect.scatter.add.f32 [tilespmem:s16], [sflag:$0x5], $0x30, s22, s19, $0xb8;
	[tilespmem:$0x16800] =	vst v63  }
0x63: {  	_ =	swait.ge [sflag:s26], $0x1800  }
0x64: {  	[sflag:s26] =	ssyncset.done $0x0  }
0x65: {  	s5 =	simm.s32 $0x500;
	[sflag:s26] =	ssyncadd.s32 $0xFFFFE800  }
0x66: {  	[tilespmem:s23], [sflag:$0x3] =	stream.indirect.gather [hbm4b:s4+s19], $0x30, s5, s19, $0xb8;
	[tilespmem:$0x16800] =	vst v63  }
0x67: {  	_ =	swait.ge [sflag:s24], $0x1800  }
0x68: {  	[sflag:s24] =	ssyncset.done $0x0  }
0x69: {  	s7 =	simm.s32 $0x4C80;
	[sflag:s24] =	ssyncadd.s32 $0xFFFFE800  }
0x6a: {  	[spmem:s2] =	stream.indirect.scatter.add.f32 [tilespmem:s20], [sflag:$0x6], $0x30, s7, s19, $0xb8;
	[tilespmem:$0x16800] =	vst v63  }
0x6b: {  	_ =	swait.ge [sflag:s28], $0x1800  }
0x6c: {  	[sflag:s28] =	ssyncset.done $0x0  }
0x6d: {  	s22 =	simm.s32 $0x580;
	[sflag:s28] =	ssyncadd.s32 $0xFFFFE800  }
0x6e: {  	[tilespmem:s29], [sflag:$0x4] =	stream.indirect.gather [hbm4b:s4+s19], $0x30, s22, s19, $0xb8;
	[tilespmem:$0x16800] =	vst v63  }
0x6f: {  	_ =	swait.ge [sflag:s30], $0x1800  }
0x70: {  	[sflag:s30] =	ssyncset.done $0x0  }
0x71: {  	s5 =	simm.s32 $0x4D00;
	[sflag:s30] =	ssyncadd.s32 $0xFFFFE800  }
0x72: {  	[spmem:s2] =	stream.indirect.scatter.add.f32 [tilespmem:s23], [sflag:$0x7], $0x30, s5, s19, $0xb8;
	[tilespmem:$0x16800] =	vst v63  }
0x73: {  	_ =	swait.ge [sflag:s0], $0x1800  }
0x74: {  	[sflag:s0] =	ssyncset.done $0x0  }
0x75: {  	s7 =	simm.s32 $0x600;
	[sflag:s0] =	ssyncadd.s32 $0xFFFFE800  }
0x76: {  	[tilespmem:s16], [sflag:$0x1] =	stream.indirect.gather [hbm4b:s4+s19], $0x30, s7, s19, $0xb8;
	[tilespmem:$0x16800] =	vst v63  }
0x77: {  	_ =	swait.ge [sflag:s6], $0x1800  }
0x78: {  	[sflag:s6] =	ssyncset.done $0x0  }
0x79: {  	s22 =	simm.s32 $0x4D80;
	[sflag:s6] =	ssyncadd.s32 $0xFFFFE800  }
0x7a: {  	[spmem:s2] =	stream.indirect.scatter.add.f32 [tilespmem:s29], [sflag:$0x8], $0x30, s22, s19, $0xb8;
	[tilespmem:$0x16800] =	vst v63  }
0x7b: {  	_ =	swait.ge [sflag:s8], $0x1800  }
0x7c: {  	[sflag:s8] =	ssyncset.done $0x0  }
0x7d: {  	s5 =	simm.s32 $0x680;
	[sflag:s8] =	ssyncadd.s32 $0xFFFFE800  }
0x7e: {  	[tilespmem:s20], [sflag:$0x2] =	stream.indirect.gather [hbm4b:s4+s19], $0x30, s5, s19, $0xb8;
	[tilespmem:$0x16800] =	vst v63  }
0x7f: {  	_ =	swait.ge [sflag:s21], $0x1800  }
0x80: {  	[sflag:s21] =	ssyncset.done $0x0  }
0x81: {  	s7 =	simm.s32 $0x4E00;
	[sflag:s21] =	ssyncadd.s32 $0xFFFFE800  }
0x82: {  	[spmem:s2] =	stream.indirect.scatter.add.f32 [tilespmem:s16], [sflag:$0x5], $0x30, s7, s19, $0xb8;
	[tilespmem:$0x16800] =	vst v63  }
0x83: {  	_ =	swait.ge [sflag:s26], $0x1800  }
0x84: {  	[sflag:s26] =	ssyncset.done $0x0  }
0x85: {  	s22 =	simm.s32 $0x700;
	[sflag:s26] =	ssyncadd.s32 $0xFFFFE800  }
0x86: {  	[tilespmem:s23], [sflag:$0x3] =	stream.indirect.gather [hbm4b:s4+s19], $0x30, s22, s19, $0xb8;
	[tilespmem:$0x16800] =	vst v63  }
0x87: {  	_ =	swait.ge [sflag:s24], $0x1800  }
0x88: {  	[sflag:s24] =	ssyncset.done $0x0  }
0x89: {  	s5 =	simm.s32 $0x4E80;
	[sflag:s24] =	ssyncadd.s32 $0xFFFFE800  }
0x8a: {  	[spmem:s2] =	stream.indirect.scatter.add.f32 [tilespmem:s20], [sflag:$0x6], $0x30, s5, s19, $0xb8;
	[tilespmem:$0x16800] =	vst v63  }
0x8b: {  	_ =	swait.ge [sflag:s28], $0x1800  }
0x8c: {  	[sflag:s28] =	ssyncset.done $0x0  }
0x8d: {  	s7 =	simm.s32 $0x780;
	[sflag:s28] =	ssyncadd.s32 $0xFFFFE800  }
0x8e: {  	[tilespmem:s29], [sflag:$0x4] =	stream.indirect.gather [hbm4b:s4+s19], $0x30, s7, s19, $0xb8;
	[tilespmem:$0x16800] =	vst v63  }
0x8f: {  	_ =	swait.ge [sflag:s30], $0x1800  }
0x90: {  	[sflag:s30] =	ssyncset.done $0x0  }
0x91: {  	s22 =	simm.s32 $0x4F00;
	[sflag:s30] =	ssyncadd.s32 $0xFFFFE800  }
0x92: {  	[spmem:s2] =	stream.indirect.scatter.add.f32 [tilespmem:s23], [sflag:$0x7], $0x30, s22, s19, $0xb8;
	[tilespmem:$0x16800] =	vst v63  }
0x93: {  	_ =	swait.ge [sflag:s6], $0x1800  }
0x94: {  	[sflag:s6] =	ssyncset.done $0x0  }
0x95: {  	s7 =	simm.s32 $0x4F80;
	[sflag:s6] =	ssyncadd.s32 $0xFFFFE800  }
.LBB2_9:
0x96: {  	[spmem:s2] =	stream.indirect.scatter.add.f32 [tilespmem:s29], [sflag:$0x8], $0x30, s7, s19, $0xb8;
	[tilespmem:$0x16800] =	vst v63  }
0x97: {  	_ =	swait.ge [sflag:s0], $0x1800  }
0x98: {  	[sflag:s0] =	ssyncset.done $0x0  }
0x99: {  	[sflag:s0] =	ssyncadd.s32 $0xFFFFE800  }
0x9a: {  	_ =	swait.ge [sflag:s8], $0x1800  }
0x9b: {  	[sflag:s8] =	ssyncset.done $0x0  }
0x9c: {  	[sflag:s8] =	ssyncadd.s32 $0xFFFFE800  }
0x9d: {  	_ =	swait.ge [sflag:s26], $0x1800  }
0x9e: {  	[sflag:s26] =	ssyncset.done $0x0  }
0x9f: {  	[sflag:s26] =	ssyncadd.s32 $0xFFFFE800  }
0xa0: {  	_ =	swait.ge [sflag:s28], $0x1800  }
0xa1: {  	s1 =	stileid.u32;
	s31 =	sadd.s32 $0x1, s31;
	[sflag:s28] =	ssyncset.done $0x0  }
0xa2: {  	s1 =	sshll.u32 s1, $0x6;
	p1 =	sne.s32 s31, s11;
	[sflag:s28] =	ssyncadd.s32 $0xFFFFE800  }
.Ltmp1:
0xa3: {  	s1 =	sor.u32 $0x1C09, s1;
	[bflag:$0x0] =	sbarrier.arrive $0xFFFF;
	(pc) =	sbr.rel @!p1 .LBB2_10-.Ltmp1, $4  }
0xa4: {  	[hbm:s9], [sflag:s1] =	dma.local [spmem:s25], $0xF00  }
0xa5: {  	_ =	swait.ge [sflag:s17], $0xF00  }
0xa6: {  	[sflag:s17] =	ssyncset.done $0x0  }
0xa7: {  	[sflag:s17] =	ssyncadd.s32 $0xFFFFF100  }
.LBB2_1:
0xa8: {  	s1 =	simm.s32 $0xC0;
	s5 =	simm.s32 $0x0  }
.LBB2_2:
0xa9: {  	p1 =	sne.s32 s1, $0x5F40;
	[tilespmem:s5+$0x9020] =	vst v0;
	s7 =	smov.u32 s1;
	s1 =	sadd.s32 $0xC0, s1  }
.Ltmp2:
0xaa: {  	[tilespmem:s5+$0x9000] =	vst v0;
	(pc) =	sbr.rel @p1 .LBB2_2-.Ltmp2, $2  }
0xab: {  	[tilespmem:s5+$0x9010] =	vst v0;
	_ =	sdelay $0x2  }
0xac: {  	s5 =	sshra.s32 s7, $0x2  }
0xad: {  	[tilespmem:s5+$0x9020] =	vst v0  }
0xae: {  	[tilespmem:s5+$0x9000] =	vst v0  }
0xaf: {  	[tilespmem:s5+$0x9010] =	vst v0  }
0xb0: {  	[spmem:s10] =	stream.linear.scatter [tilespmem:s16], [sflag:$0x9], $0x1800, $0x38;
	[tilespmem:$0x16800] =	vst v63  }
0xb1: {  	_ =	swait.ge [sflag:s17], $0x1800  }
0xb2: {  	[sflag:s17] =	ssyncset.done $0x0  }
0xb3: {  	[sflag:s17] =	ssyncadd.s32 $0xFFFFE800  }
0xb4: {  	[spmem:s12] =	stream.linear.scatter [tilespmem:s16], [sflag:$0x9], $0x1800, $0x38;
	[tilespmem:$0x16800] =	vst v63  }
0xb5: {  	_ =	swait.ge [sflag:s17], $0x1800  }
0xb6: {  	[sflag:s17] =	ssyncset.done $0x0  }
0xb7: {  	[sflag:s17] =	ssyncadd.s32 $0xFFFFE800  }
0xb8: {  	[spmem:s13] =	stream.linear.scatter [tilespmem:s16], [sflag:$0x9], $0x1800, $0x38;
	[tilespmem:$0x16800] =	vst v63  }
0xb9: {  	_ =	swait.ge [sflag:s17], $0x1800  }
0xba: {  	[sflag:s17] =	ssyncset.done $0x0  }
0xbb: {  	[sflag:s17] =	ssyncadd.s32 $0xFFFFE800  }
0xbc: {  	[spmem:s14] =	stream.linear.scatter [tilespmem:s16], [sflag:$0x9], $0x1800, $0x38;
	[tilespmem:$0x16800] =	vst v63  }
0xbd: {  	_ =	swait.ge [sflag:s17], $0x1800  }
0xbe: {  	[sflag:s17] =	ssyncset.done $0x0  }
.Ltmp3:
0xbf: {  	[sflag:s17] =	ssyncadd.s32 $0xFFFFE800;
	(pc) =	sbr.rel @p0 .LBB2_8-.Ltmp3, $4  }
0xc0: {  	[spmem:s15] =	stream.linear.scatter [tilespmem:s16], [sflag:$0x9], $0x1800, $0x38;
	[tilespmem:$0x16800] =	vst v63  }
0xc1: {  	_ =	swait.ge [sflag:s17], $0x1800  }
0xc2: {  	[sflag:s17] =	ssyncset.done $0x0  }
0xc3: {  	[sflag:s17] =	ssyncadd.s32 $0xFFFFE800  }
0xc4: {  	s1 =	simm.s32 $0x0;
	s5 =	rddreg [dreg:$0x4]  }
0xc5: {  	[tilespmem:s1], [sflag:$0x9] =	stream.linear.gather [hbm4b:s5+s1], $0x4800, $0x38;
	[tilespmem:$0x16800] =	vst v63  }
0xc6: {  	_ =	swait.ge [sflag:s17], $0x4800  }
0xc7: {  	[sflag:s17] =	ssyncset.done $0x0  }
0xc8: {  	s7 =	rddreg [dreg:$0x5];
	[sflag:s17] =	ssyncadd.s32 $0xFFFFB800  }
0xc9: {  	[tilespmem:s18], [sflag:$0x9] =	stream.linear.gather [hbm4b:s7+s1], $0x4800, $0x38;
	[tilespmem:$0x16800] =	vst v63  }
0xca: {  	_ =	swait.ge [sflag:s17], $0x4800  }
0xcb: {  	[sflag:s17] =	ssyncset.done $0x0  }
0xcc: {  	[sflag:s17] =	ssyncadd.s32 $0xFFFFB800  }
0xcd: {  	[bflag:$0x0] =	sbarrier.arrive $0xFFFF  }
0xce: {  	[tilespmem:s16], [sflag:$0x1] =	stream.indirect.gather [hbm4b:s4+s19], $0x30, s1, s19, $0xb8;
	[tilespmem:$0x16800] =	vst v63  }
0xcf: {  	_ = 	snop  }
0xd0: {  	[tilespmem:s20], [sflag:$0x2] =	stream.indirect.gather [hbm4b:s4+s19], $0x30, s19, s19, $0xb8;
	[tilespmem:$0x16800] =	vst v63  }
0xd1: {  	_ =	swait.ge [sflag:s21], $0x1800  }
0xd2: {  	[sflag:s21] =	ssyncset.done $0x0  }
0xd3: {  	[sflag:s21] =	ssyncadd.s32 $0xFFFFE800  }
0xd4: {  	[spmem:s2] =	stream.indirect.scatter.add.f32 [tilespmem:s16], [sflag:$0x5], $0x30, s18, s19, $0xb8;
	[tilespmem:$0x16800] =	vst v63  }
0xd5: {  	s22 =	simm.s32 $0x100  }
0xd6: {  	[tilespmem:s23], [sflag:$0x3] =	stream.indirect.gather [hbm4b:s4+s19], $0x30, s22, s19, $0xb8;
	[tilespmem:$0x16800] =	vst v63  }
0xd7: {  	_ =	swait.ge [sflag:s24], $0x1800  }
0xd8: {  	[sflag:s24] =	ssyncset.done $0x0  }
0xd9: {  	s7 =	simm.s32 $0x4880;
	[sflag:s24] =	ssyncadd.s32 $0xFFFFE800  }
0xda: {  	[spmem:s2] =	stream.indirect.scatter.add.f32 [tilespmem:s20], [sflag:$0x6], $0x30, s7, s19, $0xb8;
	[tilespmem:$0x16800] =	vst v63  }
0xdb: {  	s22 =	simm.s32 $0x180  }
0xdc: {  	[tilespmem:s29], [sflag:$0x4] =	stream.indirect.gather [hbm4b:s4+s19], $0x30, s22, s19, $0xb8;
	[tilespmem:$0x16800] =	vst v63  }
0xdd: {  	_ =	swait.ge [sflag:s30], $0x1800  }
0xde: {  	[sflag:s30] =	ssyncset.done $0x0  }
0xdf: {  	s7 =	simm.s32 $0x4900;
	[sflag:s30] =	ssyncadd.s32 $0xFFFFE800  }
0xe0: {  	[spmem:s2] =	stream.indirect.scatter.add.f32 [tilespmem:s23], [sflag:$0x7], $0x30, s7, s19, $0xb8;
	[tilespmem:$0x16800] =	vst v63  }
0xe1: {  	_ =	swait.ge [sflag:s0], $0x1800  }
0xe2: {  	[sflag:s0] =	ssyncset.done $0x0  }
0xe3: {  	s22 =	simm.s32 $0x200;
	[sflag:s0] =	ssyncadd.s32 $0xFFFFE800  }
0xe4: {  	[tilespmem:s16], [sflag:$0x1] =	stream.indirect.gather [hbm4b:s4+s19], $0x30, s22, s19, $0xb8;
	[tilespmem:$0x16800] =	vst v63  }
0xe5: {  	_ =	swait.ge [sflag:s6], $0x1800  }
0xe6: {  	[sflag:s6] =	ssyncset.done $0x0  }
0xe7: {  	s7 =	simm.s32 $0x4980;
	[sflag:s6] =	ssyncadd.s32 $0xFFFFE800  }
0xe8: {  	[spmem:s2] =	stream.indirect.scatter.add.f32 [tilespmem:s29], [sflag:$0x8], $0x30, s7, s19, $0xb8;
	[tilespmem:$0x16800] =	vst v63  }
0xe9: {  	_ =	swait.ge [sflag:s8], $0x1800  }
0xea: {  	[sflag:s8] =	ssyncset.done $0x0  }
0xeb: {  	s22 =	simm.s32 $0x280;
	[sflag:s8] =	ssyncadd.s32 $0xFFFFE800  }
0xec: {  	[tilespmem:s20], [sflag:$0x2] =	stream.indirect.gather [hbm4b:s4+s19], $0x30, s22, s19, $0xb8;
	[tilespmem:$0x16800] =	vst v63  }
.LBB2_5:
0xed: {  	_ =	swait.ge [sflag:s21], $0x1800  }
0xee: {  	s5 =	sshra.s32 s1, $0x2;
	[sflag:s21] =	ssyncset.done $0x0  }
0xef: {  	s7 =	sadd.s32 $0x4A00, s5;
	[sflag:s21] =	ssyncadd.s32 $0xFFFFE800  }
0xf0: {  	[spmem:s2] =	stream.indirect.scatter.add.f32 [tilespmem:s16], [sflag:$0x5], $0x30, s7, s19, $0xb8;
	[tilespmem:$0x16800] =	vst v63  }
0xf1: {  	_ =	swait.ge [sflag:s26], $0x1800  }
0xf2: {  	[sflag:s26] =	ssyncset.done $0x0  }
0xf3: {  	s22 =	sadd.s32 $0x300, s5;
	[sflag:s26] =	ssyncadd.s32 $0xFFFFE800  }
0xf4: {  	[tilespmem:s23], [sflag:$0x3] =	stream.indirect.gather [hbm4b:s4+s19], $0x30, s22, s19, $0xb8;
	[tilespmem:$0x16800] =	vst v63  }
0xf5: {  	_ =	swait.ge [sflag:s24], $0x1800  }
0xf6: {  	[sflag:s24] =	ssyncset.done $0x0  }
0xf7: {  	s22 =	sadd.s32 $0x4A80, s5;
	[sflag:s24] =	ssyncadd.s32 $0xFFFFE800  }
0xf8: {  	[spmem:s2] =	stream.indirect.scatter.add.f32 [tilespmem:s20], [sflag:$0x6], $0x30, s22, s19, $0xb8;
	[tilespmem:$0x16800] =	vst v63  }
0xf9: {  	_ =	swait.ge [sflag:s28], $0x1800  }
0xfa: {  	[sflag:s28] =	ssyncset.done $0x0  }
0xfb: {  	p1 =	seq.s32 s1, $0x11000;
	s22 =	sadd.s32 $0x380, s5;
	[sflag:s28] =	ssyncadd.s32 $0xFFFFE800  }
0xfc: {  	[tilespmem:s29], [sflag:$0x4] =	stream.indirect.gather [hbm4b:s4+s19], $0x30, s22, s19, $0xb8;
	[tilespmem:$0x16800] =	vst v63  }
.Ltmp4:
0xfd: {  	_ = 	snop;
	(pc) =	sbr.rel @p1 .LBB2_7-.Ltmp4, $4  }
0xfe: {  	_ =	swait.ge [sflag:s30], $0x1800  }
0xff: {  	[sflag:s30] =	ssyncset.done $0x0  }
0x100: {  	s7 =	sadd.s32 $0x4B80, s5;
	s22 =	sadd.s32 $0x4B00, s5;
	[sflag:s30] =	ssyncadd.s32 $0xFFFFE800  }
0x101: {  	[spmem:s2] =	stream.indirect.scatter.add.f32 [tilespmem:s23], [sflag:$0x7], $0x30, s22, s19, $0xb8;
	[tilespmem:$0x16800] =	vst v63  }
0x102: {  	_ =	swait.ge [sflag:s0], $0x1800  }
0x103: {  	[sflag:s0] =	ssyncset.done $0x0  }
0x104: {  	s22 =	sadd.s32 $0x400, s5;
	[sflag:s0] =	ssyncadd.s32 $0xFFFFE800  }
0x105: {  	[tilespmem:s16], [sflag:$0x1] =	stream.indirect.gather [hbm4b:s4+s19], $0x30, s22, s19, $0xb8;
	[tilespmem:$0x16800] =	vst v63  }
0x106: {  	_ =	swait.ge [sflag:s6], $0x1800  }
0x107: {  	[sflag:s6] =	ssyncset.done $0x0  }
0x108: {  	[sflag:s6] =	ssyncadd.s32 $0xFFFFE800  }
0x109: {  	[spmem:s2] =	stream.indirect.scatter.add.f32 [tilespmem:s29], [sflag:$0x8], $0x30, s7, s19, $0xb8;
	[tilespmem:$0x16800] =	vst v63  }
.Ltmp5:
0x10a: {  	_ = 	snop;
	(pc) =	sbr.rel .LBB2_5-.Ltmp5, $4  }
0x10b: {  	_ =	swait.ge [sflag:s8], $0x1800  }
0x10c: {  	[sflag:s8] =	ssyncset.done $0x0  }
0x10d: {  	s1 =	sadd.s32 $0x800, s1;
	s22 =	sadd.s32 $0x480, s5;
	[sflag:s8] =	ssyncadd.s32 $0xFFFFE800  }
0x10e: {  	[tilespmem:s20], [sflag:$0x2] =	stream.indirect.gather [hbm4b:s4+s19], $0x30, s22, s19, $0xb8;
	[tilespmem:$0x16800] =	vst v63  }
.LBB2_7:
.Ltmp6:
0x10f: {  	(pc) =	sbr.rel .LBB2_9-.Ltmp6, $4  }
0x110: {  	_ = 	snop  }
0x111: {  	_ =	swait.ge [sflag:s6], $0x1800  }
0x112: {  	[sflag:s6] =	ssyncset.done $0x0  }
0x113: {  	[sflag:s6] =	ssyncadd.s32 $0xFFFFE800  }
.LBB2_10:
0x114: {  	_ =	sfence.sel $0x180000  }
0x115: {  	[bflag:$0x0] =	sbarrier.arrive $0xFFFF  }
0x116: {  	_ =	strace $0x9000004D  }
0x117: {  	s0 =	stileid.u32;
	[bflag:$0x2] =	sbarrier.arrive $0xFFFF  }
0x118: {  	p0 =	sne.s32 s0, $0x0;
	s0 =	rddreg [dreg:$0x3]  }
0x119: {  	s0 =	sadd.s32 @!p0 $0x100000, s0  }
0x11a: {  	[sflag:s0] =	ssyncadd.tile.s32 @!p0 $0x1;
	_ =	shalt  }
.Lfunc_end2:
_tile_overlayer_lowered:
.L_overlay_start_2:
0x11b: {  	(tag) =	ssettag $0x2  }
0x11c: {  	s0 =	rddreg [dreg:$0x0];
	s2 =	stileid.u32  }
0x11d: {  	s1 =	rddreg [dreg:$0x1];
	p0 =	sne.s32 s2, $0x0  }
0x11e: {  	s3 =	rddreg [dreg:$0x2];
	[bflag:$0x3] =	sbarrier.arrive $0xFFFF;
	s2 =	simm.s32 @!p0 $0x1C09  }
0x11f: {  	[timem:s3], [sflag:s2] =	dma.local @!p0 [hbm:s0], s1  }
0x120: {  	s0 =	simm.s32 @!p0 $0x9  }
0x121: {  	_ =	swait.ge @!p0 [sflag:s0], s1  }
0x122: {  	s1 =	ssub.s32 @!p0 $0x0, s1;
	[sflag:s0] =	ssyncset.done @!p0 $0x0  }
0x123: {  	[sflag:s0] =	ssyncadd.s32 @!p0 s1  }
0x124: {  	[bflag:$0x3] =	sbarrier.arrive $0xFFFF  }
0x125: {  	_ =	shalt  }

// kernel: kernel.9.cloned.1.call-start
scs
__scs_entry_jumppad:
0x0: {  	(pc) =	sbr.rel $0x88, $3  }
0x1: {  	(tag) =	ssettag $0x0;
	lr =	simm.s32 $0x1  }
0x2: {  	[smem:$0x3F9B] =	sst lr;
	_ =	strace $0xD0000000  }
0x3: {  	_ = 	snop  }
0x4: {  	_ = 	snop  }
0x5: {  	_ = 	snop  }
0x6: {  	_ = 	snop  }
0x7: {  	_ = 	snop  }
__scs_overlays_trampoline_lowered:
0x8: {  	[smem:$0x3FAA] =	sst s0  }
0x9: {  	[smem:$0x3FAB] =	sst s1  }
0xa: {  	[smem:$0x3FAC] =	sst s2  }
0xb: {  	[smem:$0x3FAD] =	sst s3  }
0xc: {  	[smem:$0x3FAE] =	sst s4  }
0xd: {  	[smem:$0x3FAF] =	sst s5  }
0xe: {  	[smem:$0x3FB0] =	sst s6  }
0xf: {  	[smem:$0x3FB1] =	sst s7  }
0x10: {  	[smem:$0x3FB2] =	sst s8  }
0x11: {  	[smem:$0x3FB3] =	sst s9;
	s0 =	simm.s32 @!p0 $0x0  }
0x12: {  	s1 =	sld [smem:$0x3F99];
	s0 =	simm.s32 @p0 $0x1  }
0x13: {  	[smem:$0x3FB4] =	sst s0;
	s0 =	simm.s32 @!p1 $0x0  }
0x14: {  	s2 =	sld [smem:$0x3F98];
	s0 =	simm.s32 @p1 $0x1  }
0x15: {  	[smem:$0x3FB5] =	sst s0;
	s0 =	simm.s32 @!p2 $0x0  }
0x16: {  	s3 =	sld [smem:$0x3FDB];
	s0 =	simm.s32 @p2 $0x1  }
0x17: {  	s4 =	simm.s32 $0x1BF5;
	[smem:$0x3FB7] =	sst s0  }
0x18: {  	s0 =	sld [smem:$0x3F9A];
	_ =	swait.ge [sflag:s4], $0x0  }
0x19: {  	s7 =	sld [smem:$0x3F9B]  }
0x1a: {  	s8 =	sadd.s32 $0xFFFFE003, lr  }
0x1b: {  	s9 =	sadd.s32 $0xFFFFFEF7, lr;
	s5 =	simm.s32 $0xFFFFFFFF;
	p2 =	slt.u32 s8, $0xFFFFF086  }
0x1c: {  	p1 =	slt.u32 s9, $0xF7A;
	s5 =	simm.s32 @!p2 $0x0  }
0x1d: {  	s5 =	simm.s32 @p1 $0x1;
	p0 =	seq.s32 s7, s2  }
0x1e: {  	s7 =	smul.u32 @!p0 $0xF7A, s2;
	p2 =	seq.s32 @!p0 s5, $0x0  }
0x1f: {  	s9 =	smul.u32 $0xF7A, s1;
	s8 =	simm.s32 @!p0 $0x1BF5;
	p2 =	por !p2, p0  }
0x20: {  	[sflag:s8] =	ssyncset.s32 @!p0 $0xFFFFF086;
	s6 =	sadd.s32 @!p0 s3, s7;
	s7 =	simm.s32 @!p0 $0x108  }
0x21: {  	s3 =	sadd.s32 s3, s9;
	s6 =	sadd.s32 @!p0 $0x88, s6;
	s7 =	simm.s32 @p2 $0x1082  }
0x22: {  	[simem:s7], [sflag:s8] =	dma.local @!p0 [hbm:s6], $0xF7A  }
0x23: {  	s9 =	sor.u32 $0xD0000000, s2;
	s6 =	simm.s32 $0x108;
	_ =	swait.ge @!p0 [sflag:s8], $0x0  }
0x24: {  	s3 =	sadd.s32 $0x88, s3;
	s6 =	simm.s32 @!p1 $0x1082;
	[sflag:s4] =	ssyncset.s32 $0xFFFFF086  }
0x25: {  	[simem:s6], [sflag:s4] =	dma.local [hbm:s3], $0xF7A  }
0x26: {  	[smem:$0x3F9B] =	sst s1;
	(tag) =	ssettag s2;
	_ =	strace s9  }
0x27: {  	s1 =	sld [smem:$0x3FAB]  }
0x28: {  	s2 =	sld [smem:$0x3FAC]  }
0x29: {  	s4 =	sld [smem:$0x3FAE]  }
0x2a: {  	p0 =	seq.s32 s5, $0x0;
	s5 =	sld [smem:$0x3FAF]  }
0x2b: {  	s6 =	sld [smem:$0x3FB0]  }
0x2c: {  	s7 =	sld [smem:$0x3FB1]  }
0x2d: {  	s3 =	simm.s32 $0x108;
	s8 =	sld [smem:$0x3FB2]  }
0x2e: {  	s3 =	simm.s32 @!p0 $0x1082;
	s9 =	sld [smem:$0x3FB3]  }
0x2f: {  	lr =	sadd.s32 s0, s3;
	s0 =	sld [smem:$0x3FAA]  }
0x30: {  	s3 =	sld [smem:$0x3FAD]  }
0x31: {  	[smem:$0x3FB6] =	sst s10  }
0x32: {  	s10 =	sld [smem:$0x3FB4];
	_ =	sdelay $0x3  }
0x33: {  	p0 =	seq.s32 s10, $0x1;
	s10 =	sld [smem:$0x3FB6];
	_ =	sdelay $0x3  }
0x34: {  	[smem:$0x3FB6] =	sst s10  }
0x35: {  	s10 =	sld [smem:$0x3FB5];
	_ =	sdelay $0x3  }
0x36: {  	p1 =	seq.s32 s10, $0x1;
	s10 =	sld [smem:$0x3FB6];
	_ =	sdelay $0x3  }
0x37: {  	[smem:$0x3FB6] =	sst s10  }
0x38: {  	s10 =	sld [smem:$0x3FB7]  }
0x39: {  	_ = 	snop;
	(pc) =	sbr.ind lr, $3  }
0x3a: {  	_ = 	snop  }
0x3b: {  	_ = 	snop  }
0x3c: {  	p2 =	seq.s32 s10, $0x1;
	s10 =	sld [smem:$0x3FB6]  }
0x3d: {  	_ =	shalt  }
0x3e: {  	_ =	shalt  }
0x3f: {  	_ =	shalt  }
0x40: {  	_ =	shalt  }
0x41: {  	_ =	shalt  }
0x42: {  	_ =	shalt  }
0x43: {  	_ =	shalt  }
0x44: {  	_ =	shalt  }
0x45: {  	_ =	shalt  }
0x46: {  	_ =	shalt  }
0x47: {  	_ =	shalt  }
0x48: {  	_ =	shalt  }
0x49: {  	_ =	shalt  }
0x4a: {  	_ =	shalt  }
0x4b: {  	_ =	shalt  }
0x4c: {  	_ =	shalt  }
0x4d: {  	_ =	shalt  }
0x4e: {  	_ =	shalt  }
0x4f: {  	_ =	shalt  }
0x50: {  	_ =	shalt  }
0x51: {  	_ =	shalt  }
0x52: {  	_ =	shalt  }
0x53: {  	_ =	shalt  }
0x54: {  	_ =	shalt  }
0x55: {  	_ =	shalt  }
0x56: {  	_ =	shalt  }
0x57: {  	_ =	shalt  }
0x58: {  	_ =	shalt  }
0x59: {  	_ =	shalt  }
0x5a: {  	_ =	shalt  }
0x5b: {  	_ =	shalt  }
0x5c: {  	_ =	shalt  }
0x5d: {  	_ =	shalt  }
0x5e: {  	_ =	shalt  }
0x5f: {  	_ =	shalt  }
0x60: {  	_ =	shalt  }
0x61: {  	_ =	shalt  }
0x62: {  	_ =	shalt  }
0x63: {  	_ =	shalt  }
0x64: {  	_ =	shalt  }
0x65: {  	_ =	shalt  }
0x66: {  	_ =	shalt  }
0x67: {  	_ =	shalt  }
0x68: {  	_ =	shalt  }
0x69: {  	_ =	shalt  }
0x6a: {  	_ =	shalt  }
0x6b: {  	_ =	shalt  }
0x6c: {  	_ =	shalt  }
0x6d: {  	_ =	shalt  }
0x6e: {  	_ =	shalt  }
0x6f: {  	_ =	shalt  }
0x70: {  	_ =	shalt  }
0x71: {  	_ =	shalt  }
0x72: {  	_ =	shalt  }
0x73: {  	_ =	shalt  }
0x74: {  	_ =	shalt  }
0x75: {  	_ =	shalt  }
0x76: {  	_ =	shalt  }
0x77: {  	_ =	shalt  }
0x78: {  	_ =	shalt  }
0x79: {  	_ =	shalt  }
0x7a: {  	_ =	shalt  }
0x7b: {  	_ =	shalt  }
0x7c: {  	_ =	shalt  }
0x7d: {  	_ =	shalt  }
0x7e: {  	_ =	shalt  }
0x7f: {  	_ =	shalt  }
0x80: {  	_ =	shalt  }
0x81: {  	_ =	shalt  }
0x82: {  	_ =	shalt  }
0x83: {  	_ =	shalt  }
0x84: {  	_ =	shalt  }
0x85: {  	_ =	shalt  }
0x86: {  	_ =	shalt  }
0x87: {  	_ =	shalt  }
.Lfunc_end0:
.L_simem_size_0:
called_computation_lowered:
.L_overlay_start_0:
0x88: {  	s2 =	sld [smem:$0x3FD9]  }
0x89: {  	s3 =	sld [smem:$0x3FFE];
	_ =	sdelay $0x1  }
0x8a: {  	s1 =	srdreg.scid  }
0x8b: {  	s0 =	sand.u32 $0x1, s1  }
0x8c: {  	s17 =	sshll.u32 s0, $0xA;
	s2 =	sadd.s32 s3, s2  }
0x8d: {  	s2 =	sadd.s32 s2, s17  }
0x8e: {  	[smem:$0x3FC2] =	sst s2  }
0x8f: {  	_ = 	snop  }
0x90: {  	s2 =	sld [smem:$0x3FD0];
	(tm) =	ssettm $0x1  }
0x91: {  	s18 =	sld [smem:$0x3FFB];
	_ =	sdelay $0x3  }
0x92: {  	_ =	strace s18  }
0x93: {  	s3 =	sld [smem:$0x3FFC];
	_ =	sdelay $0x3  }
0x94: {  	_ =	strace s3  }
0x95: {  	s3 =	sld [smem:$0x3FFD];
	_ =	sdelay $0x3  }
0x96: {  	_ =	strace s3  }
0x97: {  	_ =	strace $0x8FFFFFFF  }
0x98: {  	s19 =	sld [smem:$0x3FDB];
	_ =	sdelay $0x1  }
0x99: {  	s4 =	simm.s32 $_scs_section_size  }
0x9a: {  	s5 =	simm.s32 $_size__tile_overlayer_lowered;
	s6 =	simm.s32 $_tile_overlayer_lowered  }
0x9b: {  	s22 =	simm.s32 $0x1BFF;
	s21 =	sshll.u32 s6, $0x1;
	s3 =	sadd.s32 s4, s19  }
0x9c: {  	s7 =	simm.s32 $0x0;
	s20 =	sshll.u32 s5, $0x1;
	s5 =	sadd.s32 s21, s3  }
0x9d: {  	[timem:s7], [sflag:s22] =	dma.local [hbm:s5], s20  }
0x9e: {  	_ =	swait.ge [sflag:s22], s20  }
0x9f: {  	s4 =	ssub.s32 $0x0, s20;
	[sflag:s22] =	ssyncset.done $0x0  }
0xa0: {  	[sflag:s22] =	ssyncadd.s32 s4;
	_ =	sdelay $0x1  }
0xa1: {  	s23 =	simm.s32 $0x1B8B  }
0xa2: {  	_ =	swait.ge [sflag:s23], $0x1  }
0xa3: {  	[sflag:s23] =	ssyncset.done $0x0  }
0xa4: {  	s25 =	simm.s32 $0x1B8E;
	s24 =	sld [smem:$0x3FFE];
	[sflag:s23] =	ssyncadd.s32 $0xFFFFFFFF  }
0xa5: {  	s26 =	simm.s32 $execute0_lowered;
	[smem:$0x3FD2] =	sst s25  }
0xa6: {  	s5 =	sshll.u32 s26, $0x1;
	_ =	strace $0x80000046;
	[dreg:$0x1] =	wrdreg $0xFFFFFFFF  }
0xa7: {  	s28 =	simm.s32 $_size_execute0_lowered;
	s3 =	sadd.s32 s3, s5;
	[dreg:$0x0] =	wrdreg $0x0  }
0xa8: {  	s5 =	sshll.u32 s28, $0x1;
	[dreg:$0x2] =	wrdreg s3  }
0xa9: {  	[dreg:$0x3] =	wrdreg s5  }
0xaa: {  	[dreg:$0x4] =	wrdreg $0xC0  }
0xab: {  	_ =	task [dreg:s7], $0x5FFFF  }
0xac: {  	[dreg:$0x1] =	wrdreg $0xFFFFFFFF  }
0xad: {  	[dreg:$0x0] =	wrdreg $0x60  }
0xae: {  	[dreg:$0x2] =	wrdreg s2  }
0xaf: {  	[dreg:$0x3] =	wrdreg s24  }
0xb0: {  	[dreg:$0x4] =	wrdreg $0x58000  }
0xb1: {  	[dreg:$0x5] =	wrdreg $0x9  }
0xb2: {  	_ =	task.clear_ibuf [dreg:s7], $0x6FFFF;
	_ =	strace $0x90000046  }
0xb3: {  	s29 =	simm.s32 $0x9;
	_ =	strace $0x80000048  }
0xb4: {  	_ =	swait.ge [sflag:s29], $0x1  }
0xb5: {  	[sflag:s29] =	ssyncadd.s32 $0xFFFFFFFF  }
0xb6: {  	_ =	strace $0x90000048  }
0xb7: {  	_ =	sfence  }
0xb8: {  	s30 =	sld [smem:$0x0];
	_ =	sdelay $0x2  }
0xb9: {  	s31 =	sshll.u32 s1, $0xD;
	s1 =	sshrl.u32 s1, $0x2  }
0xba: {  	s3 =	sand.u32 $0x4000, s31;
	s1 =	sadd.s32 s1, s30  }
0xbb: {  	s0 =	sor.u32 s3, s0;
	s1 =	sshll.u32 s1, $0x11  }
0xbc: {  	s0 =	sor.u32 s1, s0  }
0xbd: {  	s0 =	sadd.s32 $0x8F2B, s0  }
0xbe: {  	[sflag:s0] =	ssyncadd.remote.s32 $0x1  }
0xbf: {  	_ =	sfence.sel $0xFFFF  }
0xc0: {  	[dreg:$0x0] =	wrdreg $0xFFFFFFFF;
	(pc) =	sbr.abs _section_cstart, $3  }
0xc1: {  	[dreg:$0x1] =	wrdreg $0xFFFFFFFF  }
0xc2: {  	_ =	task.clear_ibuf [dreg:s7], $0x2FFFF;
	_ =	strace $0x9FFFFFFF  }
0xc3: {  	(tm) =	ssettm $0x7FFFFFFF  }
tec
execute0_lowered:
.L_overlay_start_1:
0x0: {  	(tag) =	ssettag $0x1  }
0x1: {  	s5 =	rddreg [dreg:$0x0]  }
0x2: {  	s1 =	srdreg.scid;
	s4 =	rddreg [dreg:$0x1]  }
0x3: {  	s0 =	stileid.u32;
	s2 =	rddreg [dreg:$0x2]  }
0x4: {  	s3 =	simm.s32 $0x0;
	s11 =	simm.s32 $0x2800;
	s6 =	sand.u32 $0x1, s1  }
0x5: {  	s7 =	smul.u32 $0x2800, s0;
	s1 =	rddreg [dreg:$0x3];
	s9 =	sshll.u32 s0, $0x1  }
0x6: {  	[smem:$0x7FF] =	sst s3;
	s12 =	sshll.u32 s0, $0x6;
	s8 =	smul.u32 $0x28000, s6  }
0x7: {  	s9 =	sor.u32 s6, s9;
	s6 =	ssub.s32 $0x2, s6;
	_ =	strace $0x80000047  }
0x8: {  	s9 =	smul.u32 $0x500, s9;
	s31 =	sshrl.u32 s6, $0x1;
	s8 =	sadd.s32 s7, s8  }
0x9: {  	s12 =	sor.u32 $0x1C01, s12;
	s10 =	ssub.s32 s6, s31;
	s8 =	sshrl.u32 s8, $0x3  }
0xa: {  	s5 =	sadd.s32 s5, s9;
	s9 =	simm.s32 $0x1;
	s8 =	sadd.s32 s8, s4  }
0xb: {  	s4 =	sadd.s32 s7, s2;
	s7 =	smax.u32 s10, $0x1;
	s10 =	simm.s32 $0x80  }
0xc: {  	v0 =	vimm.f32 $1.000000000e+00;
	v1 =	vimm.f32 $0.0e+00;
	s6 =	sadd.s32 $0x1C00, s8;
	s8 =	simm.s32 $0x3000;
	s13 =	sshrl.u32 s4, $0x3  }
.LBB2_1:
0xd: {  	s14 =	simm.s32 $0x0  }
.LBB2_2:
0xe: {  	p0 =	sne.s32 s14, $0x1FC0  }
.Ltmp0:
0xf: {  	_ = 	snop;
	(pc) =	sbr.rel @p0 .LBB2_2-.Ltmp0, $3  }
0x10: {  	_ =	sdelay $0x1  }
0x11: {  	s15 =	sshra.s32 s14, $0x2  }
0x12: {  	s14 =	sadd.s32 $0x40, s14;
	[tilespmem:s15+$0x2800] =	vst v0  }
0x13: {  	s14 =	simm.s32 $0x40;
	s15 =	simm.s32 $0x0  }
.LBB2_4:
0x14: {  	p0 =	sne.s32 s14, $0x9FC0;
	[tilespmem:s15+$0x3000] =	vst v1;
	s15 =	smov.u32 s14;
	s14 =	sadd.s32 $0x40, s14  }
.Ltmp1:
0x15: {  	(pc) =	sbr.rel @p0 .LBB2_4-.Ltmp1, $2  }
0x16: {  	_ =	sdelay $0x2  }
0x17: {  	s15 =	sshra.s32 s15, $0x2  }
0x18: {  	[tilespmem:s15+$0x3000] =	vst v1  }
0x19: {  	[spmem:s4] =	stream.linear.scatter [tilespmem:s8], [sflag:$0x1], $0x2800, $0x38;
	[tilespmem:$0x8000] =	vst v63  }
0x1a: {  	_ =	swait.ge [sflag:s9], $0x2800  }
0x1b: {  	[sflag:s9] =	ssyncset.done $0x0  }
0x1c: {  	s14 =	simm.s32 $0x0;
	[sflag:s9] =	ssyncadd.s32 $0xFFFFD800  }
0x1d: {  	[tilespmem:s14], [sflag:$0x1] =	stream.linear.gather [hbm4b:s5+s14], $0x2800, $0x38;
	[tilespmem:$0x8000] =	vst v63  }
0x1e: {  	_ =	swait.ge [sflag:s9], $0x2800  }
0x1f: {  	[sflag:s9] =	ssyncset.done $0x0  }
0x20: {  	[sflag:s9] =	ssyncadd.s32 $0xFFFFD800  }
0x21: {  	s31 =	simm.s32 $0x0;
	[bflag:$0x0] =	sbarrier.arrive $0xFFFF  }
0x22: {  	[spmem:s2] =	stream.indirect.scatter.add.f32 [tilespmem:s11], [sflag:$0x1], $0x10, s31, s10, $0xb8;
	[tilespmem:$0x8000] =	vst v63  }
0x23: {  	_ =	swait.ge [sflag:s9], $0x800  }
0x24: {  	s14 =	simm.s32 $0x200;
	[sflag:s9] =	ssyncset.done $0x0  }
.LBB2_6:
0x25: {  	s15 =	sshra.s32 s14, $0x2;
	[sflag:s9] =	ssyncadd.s32 $0xFFFFF800;
	p0 =	sne.s32 s14, $0x9E00  }
0x26: {  	[spmem:s2] =	stream.indirect.scatter.add.f32 [tilespmem:s11], [sflag:$0x1], $0x10, s15, s10, $0xb8;
	[tilespmem:$0x8000] =	vst v63  }
.Ltmp2:
0x27: {  	_ = 	snop;
	(pc) =	sbr.rel @p0 .LBB2_6-.Ltmp2, $4  }
0x28: {  	_ = 	snop  }
0x29: {  	s14 =	sadd.s32 $0x200, s14  }
0x2a: {  	_ =	swait.ge [sflag:s9], $0x800  }
0x2b: {  	[sflag:s9] =	ssyncset.done $0x0  }
0x2c: {  	s3 =	sadd.s32 $0x1, s3  }
0x2d: {  	[sflag:s9] =	ssyncadd.s32 $0xFFFFF800;
	p0 =	sne.s32 s3, s7  }
.Ltmp3:
0x2e: {  	[bflag:$0x0] =	sbarrier.arrive $0xFFFF;
	(pc) =	sbr.rel @p0 .LBB2_1-.Ltmp3, $4  }
0x2f: {  	[hbm:s6], [sflag:s12] =	dma.local [spmem:s13], $0x500  }
0x30: {  	_ =	swait.ge [sflag:s9], $0x500  }
0x31: {  	[sflag:s9] =	ssyncset.done $0x0  }
0x32: {  	[sflag:s9] =	ssyncadd.s32 $0xFFFFFB00  }
0x33: {  	_ =	sfence.sel $0x180000  }
0x34: {  	[bflag:$0x0] =	sbarrier.arrive $0xFFFF  }
0x35: {  	p0 =	sne.s32 s0, $0x0;
	_ =	strace $0x90000047  }
0x36: {  	s0 =	sadd.s32 @!p0 $0x100000, s1;
	[bflag:$0x2] =	sbarrier.arrive $0xFFFF  }
0x37: {  	[sflag:s0] =	ssyncadd.tile.s32 @!p0 $0x1;
	_ =	shalt  }
.Lfunc_end2:
_tile_overlayer_lowered:
.L_overlay_start_2:
0x38: {  	(tag) =	ssettag $0x2  }
0x39: {  	s0 =	rddreg [dreg:$0x0];
	s2 =	stileid.u32  }
0x3a: {  	s1 =	rddreg [dreg:$0x1];
	p0 =	sne.s32 s2, $0x0  }
0x3b: {  	s3 =	rddreg [dreg:$0x2];
	[bflag:$0x3] =	sbarrier.arrive $0xFFFF;
	s2 =	simm.s32 @!p0 $0x1C01  }
0x3c: {  	[timem:s3], [sflag:s2] =	dma.local @!p0 [hbm:s0], s1  }
0x3d: {  	s0 =	simm.s32 @!p0 $0x1  }
0x3e: {  	_ =	swait.ge @!p0 [sflag:s0], s1  }
0x3f: {  	s1 =	ssub.s32 @!p0 $0x0, s1;
	[sflag:s0] =	ssyncset.done @!p0 $0x0  }
0x40: {  	[sflag:s0] =	ssyncadd.s32 @!p0 s1  }
0x41: {  	[bflag:$0x3] =	sbarrier.arrive $0xFFFF  }
0x42: {  	_ =	shalt  }

</sc_bundles>
